<compile_context>
chip_gen: v7x
topology: tpu7x:2x2x1
jax: 0.10.2.dev20260603
libtpu: 0.0.44.dev20260713+nightly
codegen_flags: <defaults>
</compile_context>

<pallas_src>
import functools

import jax
import jax.numpy as jnp
from jax import lax
from jax.experimental import pallas as pl
from jax.experimental.pallas import tpu as pltpu
from jax.experimental.pallas import tpu_sc as plsc

_NC = 2
_NS = 16
_NW = _NC * _NS
_L = 16

_MAX_NORM = 10.0
_EPS = 1e-7
_BR = 8000


def _prescale_body(w_ref, out_ref):
    x = w_ref[...]
    ss = jnp.sum(x * x, axis=1, keepdims=True)
    norm = jnp.maximum(jnp.sqrt(ss), jnp.float32(_EPS))
    scale = jnp.minimum(jnp.float32(1.0), jnp.float32(_MAX_NORM) / norm)
    y = x * scale
    n, d = y.shape
    q = n // 4
    parts = [y[j * q:(j + 1) * q, :] for j in range(4)]
    out_ref[...] = jnp.concatenate(parts, axis=1)


@functools.cache
def _build_prescale(n, D):
    assert n % _BR == 0 and _BR % 4 == 0
    return pl.pallas_call(
        _prescale_body,
        grid=(n // _BR,),
        in_specs=[pl.BlockSpec((_BR, D), lambda i: (i, 0))],
        out_specs=pl.BlockSpec((_BR // 4, 4 * D), lambda i: (i, 0)),
        out_shape=jax.ShapeDtypeStruct((n // 4, 4 * D), jnp.float32),
    )


def _pack_map(idx):
    q = _BR // 4
    return (idx // _BR) * _BR + (idx % q) * 4 + (idx % _BR) // q


def _rsqrt_nr(x, iters=3):
    i = lax.bitcast_convert_type(x, jnp.int32)
    i = jnp.int32(0x5F3759DF) - (i >> 1)
    y = lax.bitcast_convert_type(i, jnp.float32)
    for _ in range(iters):
        y = y * (1.5 - 0.5 * x * y * y)
    return y


def _clip_scale(ss):
    ss = jnp.maximum(ss, jnp.float32(_EPS * _EPS))
    return jnp.minimum(jnp.float32(1.0), jnp.float32(_MAX_NORM) * _rsqrt_nr(ss))


def _tree_sum(vals):
    vals = list(vals)
    while len(vals) > 1:
        nxt = [a + b for a, b in zip(vals[::2], vals[1::2])]
        if len(vals) % 2:
            nxt.append(vals[-1])
        vals = nxt
    return vals[0]


def _splat(v, dtype=jnp.int32):
    return jnp.full((_L,), v, dtype)


@functools.cache
def _build_sc(B, H, D, n_in, n_out):
    assert D == 2 * _L and B % (_NW * _L) == 0
    bpw = B // _NW
    ngrp = bpw // _L
    rpg = _L * H
    ipc = 2 * H
    nch = rpg // ipc
    och = bpw // 128
    assert nch * ipc == rpg and och * 128 == bpw and ipc <= 128
    sq_max = jnp.float32(_MAX_NORM * _MAX_NORM)

    mesh = plsc.VectorSubcoreMesh(
        core_axis_name="c", subcore_axis_name="s",
        num_cores=_NC, num_subcores=_NS)

    def body(inp_ref, oidx_ref, win_ref, wout_ref, o1_ref, o2_ref,
             idx_v, rows_v, oidx_v, orows_v, out_v, sem_g, sem_o):
        wid = lax.axis_index("s") * _NC + lax.axis_index("c")
        base = wid * bpw

        pltpu.sync_copy(inp_ref.at[wid], idx_v)
        pltpu.sync_copy(oidx_ref.at[wid], oidx_v)

        for c in range(och):
            pltpu.async_copy(wout_ref.at[oidx_v.at[c]],
                             orows_v.at[pl.ds(c * 128, 128)], sem_o)

        def fire(g, p):
            for c in range(nch):
                pltpu.async_copy(win_ref.at[idx_v.at[g, c]],
                                 rows_v.at[p, pl.ds(c * ipc, ipc)],
                                 sem_g.at[p])

        def drain(g, p):
            for c in range(nch):
                pltpu.make_async_copy(win_ref.at[idx_v.at[g, c]],
                                      rows_v.at[p, pl.ds(c * ipc, ipc)],
                                      sem_g.at[p]).wait()

        fire(0, 0)
        lanes = lax.iota(jnp.int32, _L)

        def gstep(g, _):
            p = lax.rem(g, 2)
            drain(g, p)

            @pl.when(g < ngrp - 1)
            def _prefetch():
                fire(g + 1, 1 - p)

            @plsc.parallel_loop(0, _L, 1, unroll=2)
            def bstep(bb):
                r = bb * H
                a0 = _tree_sum(rows_v[p, r + l, pl.ds(0, _L)]
                               for l in range(H))
                a1 = _tree_sum(rows_v[p, r + l, pl.ds(_L, _L)]
                               for l in range(H))
                out_v[g * _L + bb, pl.ds(0, _L)] = a0
                out_v[g * _L + bb, pl.ds(_L, _L)] = a1

            return 0

        lax.fori_loop(0, ngrp, gstep, 0)

        for c in range(och):
            pltpu.make_async_copy(wout_ref.at[oidx_v.at[c]],
                                  orows_v.at[pl.ds(c * 128, 128)], sem_o).wait()

        def ostep(g, _):
            rs = lanes + g * _L
            cols = [plsc.load_gather(orows_v, [rs, _splat(d)])
                    for d in range(D)]
            ss = _tree_sum(c * c for c in cols)

            @pl.when(jnp.any(ss > sq_max))
            def _slow():
                scale = _clip_scale(ss)
                for d in range(D):
                    plsc.store_scatter(orows_v, [rs, _splat(d)],
                                       scale * cols[d])
            return 0

        lax.fori_loop(0, ngrp, ostep, 0)

        pltpu.sync_copy(out_v, o1_ref.at[pl.ds(base, bpw)])
        pltpu.sync_copy(orows_v, o2_ref.at[pl.ds(base, bpw)])

    return pl.kernel(
        body,
        out_type=(jax.ShapeDtypeStruct((B, D), jnp.float32),
                  jax.ShapeDtypeStruct((B, D), jnp.float32)),
        mesh=mesh,
        compiler_params=pltpu.CompilerParams(
            use_tc_tiling_on_sc=False, needs_layout_passes=False),
        scratch_types=[
            pltpu.VMEM((ngrp, nch, ipc), jnp.int32),
            pltpu.VMEM((2, rpg, D), jnp.float32),
            pltpu.VMEM((och, 128), jnp.int32),
            pltpu.VMEM((bpw, D), jnp.float32),
            pltpu.VMEM((bpw, D), jnp.float32),
            pltpu.SemaphoreType.DMA((2,)),
            pltpu.SemaphoreType.DMA,
        ],
    )


def kernel(input, output, W_in, W_out):
    B, H = input.shape
    n_in, D = W_in.shape
    n_out = W_out.shape[0]
    bpw = B // _NW
    ngrp = bpw // _L
    win_s = _build_prescale(n_in, D)(W_in).reshape(n_in, D)
    fn = _build_sc(B, H, D, n_in, n_out)
    iidx = _pack_map(input.astype(jnp.int32)).reshape(_NW, ngrp, -1, 2 * H)
    oidx = output.astype(jnp.int32).reshape(_NW, bpw // 128, 128)
    return fn(iidx, oidx, win_s, W_out)

# --- scband reference (transcript-rebuilt; emitter-appended) ---
"""Pipeline reference for scband-star-space-70403103916265 (READ-ONLY COPY).

The authoritative reference and input builder live on the scoring server;
editing this copy changes nothing except your own understanding.
"""

import jax, jax.numpy as jnp
import numpy as np

D_EMBED = 32
N_INPUT = 1000000
N_OUTPUT = 1000000
MAX_NORM = 10.0
BATCH = 16384
HIST = 50


def setup_inputs(seed: int = 0) -> dict:
    key = jax.random.key(seed)
    k1, k2, k3, k4 = jax.random.split(key, 4)
    inp = jax.random.randint(k1, (BATCH, HIST), 0, N_INPUT, dtype=jnp.int64 if jax.config.jax_enable_x64 else jnp.int32)
    out = jax.random.randint(k2, (BATCH,), 0, N_OUTPUT, dtype=jnp.int64 if jax.config.jax_enable_x64 else jnp.int32)
    W_in = jax.random.normal(k3, (N_INPUT, D_EMBED), dtype=jnp.float32)
    W_out = jax.random.normal(k4, (N_OUTPUT, D_EMBED), dtype=jnp.float32)
    return {"input": inp, "output": out, "W_in": W_in, "W_out": W_out}


def _embed_max_norm(table, idx, max_norm):
    # nn.Embedding(max_norm=...) renormalizes looked-up rows whose L2 norm
    # exceeds max_norm. Emulate by scaling the gathered rows.
    emb = jnp.take(table, idx, axis=0)
    norms = jnp.linalg.norm(emb, axis=-1, keepdims=True)
    scale = jnp.minimum(1.0, max_norm / jnp.maximum(norms, 1e-7))
    return emb * scale


def reference(input, output, W_in, W_out):
    # input: [B, L] int; output: [B] int (unsqueezed to [B, 1])
    inp_idx = input if input.ndim > 1 else input[:, None]
    out_idx = output if output.ndim > 1 else output[:, None]
    input_emb = _embed_max_norm(W_in, inp_idx, MAX_NORM)      # [B, L, D]
    input_repr = jnp.sum(input_emb, axis=1)                    # [B, D]
    output_emb = _embed_max_norm(W_out, out_idx, MAX_NORM)     # [B, 1, D]
    output_repr = jnp.sum(output_emb, axis=1)                  # [B, D]
    return (input_repr, output_repr)

if __name__ == "__main__":
    import jax
    _d = setup_inputs()
    print(jax.jit(kernel)(*tuple(_d.values())))

</pallas_src>

<mosaic_0001>
#map = affine_map<(d0, d1) -> (0, 0, 0, 0)>
#map1 = affine_map<(d0, d1) -> (0, 0, 0)>
#map2 = affine_map<(d0, d1) -> (0, 0)>
#map3 = affine_map<(d0, d1) -> (0)>
module attributes {stable_mosaic.version = 14 : i64} {
  func.func @_rewritten_body(%arg0: i32, %arg1: i32, %arg2: memref<32x32x8x100xi32, #tpu.memory_space<hbm>>, %arg3: memref<32x4x128xi32, #tpu.memory_space<hbm>>, %arg4: memref<1000000x32xf32, #tpu.memory_space<hbm>>, %arg5: memref<1000000x32xf32, #tpu.memory_space<hbm>>, %arg6: memref<1xf32, #tpu.memory_space<hbm>>, %arg7: memref<16384x32xf32, #tpu.memory_space<hbm>>, %arg8: memref<16384x32xf32, #tpu.memory_space<hbm>>, %arg9: memref<32x8x100xi32, #tpu.memory_space<vmem>>, %arg10: memref<2x800x32xf32, #tpu.memory_space<vmem>>, %arg11: memref<4x128xi32, #tpu.memory_space<vmem>>, %arg12: memref<512x32xf32, #tpu.memory_space<vmem>>, %arg13: memref<512x32xf32, #tpu.memory_space<vmem>>, %arg14: memref<2x!tpu.dma_semaphore, #tpu.memory_space<semaphore_mem>>, %arg15: memref<!tpu.dma_semaphore, #tpu.memory_space<semaphore_mem>>) attributes {dimension_semantics = [#tpu.dimension_semantics<core_parallel>, #tpu.dimension_semantics<subcore_parallel>], iteration_bounds = array<i64: 2, 16>, scalar_prefetch = 0 : i64, scratch_operands = 7 : i64, tpu.core_type = #tpu.core_type<sc_vector_subcore>, window_params = [{transform_indices = #map}, {transform_indices = #map1}, {transform_indices = #map2}, {transform_indices = #map2}, {transform_indices = #map3}, {transform_indices = #map2}, {transform_indices = #map2}]} {
    %empty_ref3A = memref.alloca() : memref<16xf32, #tpu.memory_space<vmem>>
    "tpu.region"() ({
      %run_scoped3A = tpu.sem_alloc : memref<!tpu.dma_semaphore, #tpu.memory_space<semaphore_mem>>
      %dma_start3A_223 = arith.constant 0 : i32
      %dma_start3A_224 = tpu.memref_slice %empty_ref3A[%dma_start3A_223] : memref<16xf32, #tpu.memory_space<vmem>> -> memref<1xf32, #tpu.memory_space<vmem>>
      %dma_start3A_225 = arith.constant 0 : i32
      %dma_start3A_226 = tpu.memref_slice %empty_ref3A[%dma_start3A_225] : memref<16xf32, #tpu.memory_space<vmem>> -> memref<1xf32, #tpu.memory_space<vmem>>
      tpu.enqueue_dma source(%arg6 : memref<1xf32, #tpu.memory_space<hbm>>) target(%dma_start3A_226 : memref<1xf32, #tpu.memory_space<vmem>>) target_semaphore(%run_scoped3A : memref<!tpu.dma_semaphore, #tpu.memory_space<semaphore_mem>>)
      %dma_wait3A_227 = arith.constant 0 : i32
      %dma_wait3A_228 = tpu.memref_slice %empty_ref3A[%dma_wait3A_227] : memref<16xf32, #tpu.memory_space<vmem>> -> memref<1xf32, #tpu.memory_space<vmem>>
      %dma_wait3A_229 = arith.constant 0 : i32
      %dma_wait3A_230 = tpu.memref_slice %empty_ref3A[%dma_wait3A_229] : memref<16xf32, #tpu.memory_space<vmem>> -> memref<1xf32, #tpu.memory_space<vmem>>
      tpu.wait_dma2 semaphore(%run_scoped3A : memref<!tpu.dma_semaphore, #tpu.memory_space<semaphore_mem>>) src(%arg6 : memref<1xf32, #tpu.memory_space<hbm>>) dst(%dma_wait3A_230 : memref<1xf32, #tpu.memory_space<vmem>>)
      tpu.yield
    }) : () -> ()
    %get3A = arith.constant 0 : index
    %get3A_0 = tpu.vector_load %empty_ref3A[%get3A] {strides = array<i32>} : memref<16xf32, #tpu.memory_space<vmem>>, vector<16xf32>,
    %slice3A = vector.extract_strided_slice %get3A_0 {offsets = [0], sizes = [1], strides = [1]} : vector<16xf32> to vector<1xf32>
    %squeeze3A = vector.extract %slice3A[0] : f32 from vector<1xf32>
    %mul3A = arith.constant 2 : i32
    %mul3A_1 = arith.muli %arg1, %mul3A : i32
    %add3A = arith.addi %mul3A_1, %arg0 : i32
    %mul3A_2 = arith.constant 512 : i32
    %mul3A_3 = arith.muli %add3A, %mul3A_2 : i32
    "tpu.region"() ({
      %run_scoped3A = tpu.sem_alloc : memref<!tpu.dma_semaphore, #tpu.memory_space<semaphore_mem>>
      %dma_start3A_223 = arith.constant 0 : i32
      %dma_start3A_224 = arith.constant 0 : i32
      %dma_start3A_225 = arith.constant 0 : i32
      %dma_start3A_226 = tpu.memref_slice %arg2[%add3A, %dma_start3A_223, %dma_start3A_224, %dma_start3A_225] : memref<32x32x8x100xi32, #tpu.memory_space<hbm>> -> memref<1x32x8x100xi32, #tpu.memory_space<hbm>>
      %dma_start3A_227 = tpu.memref_squeeze %dma_start3A_226 : memref<1x32x8x100xi32, #tpu.memory_space<hbm>> -> memref<32x8x100xi32, #tpu.memory_space<hbm>>
      %dma_start3A_228 = arith.constant 0 : i32
      %dma_start3A_229 = arith.constant 0 : i32
      %dma_start3A_230 = arith.constant 0 : i32
      %dma_start3A_231 = tpu.memref_slice %arg2[%add3A, %dma_start3A_228, %dma_start3A_229, %dma_start3A_230] : memref<32x32x8x100xi32, #tpu.memory_space<hbm>> -> memref<1x32x8x100xi32, #tpu.memory_space<hbm>>
      %dma_start3A_232 = tpu.memref_squeeze %dma_start3A_231 : memref<1x32x8x100xi32, #tpu.memory_space<hbm>> -> memref<32x8x100xi32, #tpu.memory_space<hbm>>
      tpu.enqueue_dma source(%dma_start3A_232 : memref<32x8x100xi32, #tpu.memory_space<hbm>>) target(%arg9 : memref<32x8x100xi32, #tpu.memory_space<vmem>>) target_semaphore(%run_scoped3A : memref<!tpu.dma_semaphore, #tpu.memory_space<semaphore_mem>>)
      %dma_wait3A_233 = arith.constant 0 : i32
      %dma_wait3A_234 = arith.constant 0 : i32
      %dma_wait3A_235 = arith.constant 0 : i32
      %dma_wait3A_236 = tpu.memref_slice %arg2[%add3A, %dma_wait3A_233, %dma_wait3A_234, %dma_wait3A_235] : memref<32x32x8x100xi32, #tpu.memory_space<hbm>> -> memref<1x32x8x100xi32, #tpu.memory_space<hbm>>
      %dma_wait3A_237 = tpu.memref_squeeze %dma_wait3A_236 : memref<1x32x8x100xi32, #tpu.memory_space<hbm>> -> memref<32x8x100xi32, #tpu.memory_space<hbm>>
      %dma_wait3A_238 = arith.constant 0 : i32
      %dma_wait3A_239 = arith.constant 0 : i32
      %dma_wait3A_240 = arith.constant 0 : i32
      %dma_wait3A_241 = tpu.memref_slice %arg2[%add3A, %dma_wait3A_238, %dma_wait3A_239, %dma_wait3A_240] : memref<32x32x8x100xi32, #tpu.memory_space<hbm>> -> memref<1x32x8x100xi32, #tpu.memory_space<hbm>>
      %dma_wait3A_242 = tpu.memref_squeeze %dma_wait3A_241 : memref<1x32x8x100xi32, #tpu.memory_space<hbm>> -> memref<32x8x100xi32, #tpu.memory_space<hbm>>
      tpu.wait_dma2 semaphore(%run_scoped3A : memref<!tpu.dma_semaphore, #tpu.memory_space<semaphore_mem>>) src(%dma_wait3A_242 : memref<32x8x100xi32, #tpu.memory_space<hbm>>) dst(%arg9 : memref<32x8x100xi32, #tpu.memory_space<vmem>>)
      tpu.yield
    }) : () -> ()
    "tpu.region"() ({
      %run_scoped3A = tpu.sem_alloc : memref<!tpu.dma_semaphore, #tpu.memory_space<semaphore_mem>>
      %dma_start3A_223 = arith.constant 0 : i32
      %dma_start3A_224 = arith.constant 0 : i32
      %dma_start3A_225 = tpu.memref_slice %arg3[%add3A, %dma_start3A_223, %dma_start3A_224] : memref<32x4x128xi32, #tpu.memory_space<hbm>> -> memref<1x4x128xi32, #tpu.memory_space<hbm>>
      %dma_start3A_226 = tpu.memref_squeeze %dma_start3A_225 : memref<1x4x128xi32, #tpu.memory_space<hbm>> -> memref<4x128xi32, #tpu.memory_space<hbm>>
      %dma_start3A_227 = arith.constant 0 : i32
      %dma_start3A_228 = arith.constant 0 : i32
      %dma_start3A_229 = tpu.memref_slice %arg3[%add3A, %dma_start3A_227, %dma_start3A_228] : memref<32x4x128xi32, #tpu.memory_space<hbm>> -> memref<1x4x128xi32, #tpu.memory_space<hbm>>
      %dma_start3A_230 = tpu.memref_squeeze %dma_start3A_229 : memref<1x4x128xi32, #tpu.memory_space<hbm>> -> memref<4x128xi32, #tpu.memory_space<hbm>>
      tpu.enqueue_dma source(%dma_start3A_230 : memref<4x128xi32, #tpu.memory_space<hbm>>) target(%arg11 : memref<4x128xi32, #tpu.memory_space<vmem>>) target_semaphore(%run_scoped3A : memref<!tpu.dma_semaphore, #tpu.memory_space<semaphore_mem>>)
      %dma_wait3A_231 = arith.constant 0 : i32
      %dma_wait3A_232 = arith.constant 0 : i32
      %dma_wait3A_233 = tpu.memref_slice %arg3[%add3A, %dma_wait3A_231, %dma_wait3A_232] : memref<32x4x128xi32, #tpu.memory_space<hbm>> -> memref<1x4x128xi32, #tpu.memory_space<hbm>>
      %dma_wait3A_234 = tpu.memref_squeeze %dma_wait3A_233 : memref<1x4x128xi32, #tpu.memory_space<hbm>> -> memref<4x128xi32, #tpu.memory_space<hbm>>
      %dma_wait3A_235 = arith.constant 0 : i32
      %dma_wait3A_236 = arith.constant 0 : i32
      %dma_wait3A_237 = tpu.memref_slice %arg3[%add3A, %dma_wait3A_235, %dma_wait3A_236] : memref<32x4x128xi32, #tpu.memory_space<hbm>> -> memref<1x4x128xi32, #tpu.memory_space<hbm>>
      %dma_wait3A_238 = tpu.memref_squeeze %dma_wait3A_237 : memref<1x4x128xi32, #tpu.memory_space<hbm>> -> memref<4x128xi32, #tpu.memory_space<hbm>>
      tpu.wait_dma2 semaphore(%run_scoped3A : memref<!tpu.dma_semaphore, #tpu.memory_space<semaphore_mem>>) src(%dma_wait3A_238 : memref<4x128xi32, #tpu.memory_space<hbm>>) dst(%arg11 : memref<4x128xi32, #tpu.memory_space<vmem>>)
      tpu.yield
    }) : () -> ()
    %dma_start3A = arith.constant 0 : i32
    %dma_start3A_4 = arith.constant 0 : i32
    %dma_start3A_5 = arith.constant 0 : i32
    %dma_start3A_6 = tpu.memref_slice %arg12[%dma_start3A_4, %dma_start3A_5] : memref<512x32xf32, #tpu.memory_space<vmem>> -> memref<128x32xf32, #tpu.memory_space<vmem>>
    %dma_start3A_7 = arith.constant 0 : i32
    %dma_start3A_8 = tpu.memref_slice %arg11[%dma_start3A, %dma_start3A_7] : memref<4x128xi32, #tpu.memory_space<vmem>> -> memref<1x128xi32, #tpu.memory_space<vmem>>
    %dma_start3A_9 = tpu.memref_squeeze %dma_start3A_8 : memref<1x128xi32, #tpu.memory_space<vmem>> -> memref<128xi32, #tpu.memory_space<vmem>>
    %dma_start3A_10 = arith.constant 0 : i32
    %dma_start3A_11 = arith.constant 0 : i32
    %dma_start3A_12 = tpu.memref_slice %arg5[%dma_start3A_10, %dma_start3A_11] : memref<1000000x32xf32, #tpu.memory_space<hbm>> -> memref<1000000x32xf32, #tpu.memory_space<hbm>>
    tpu.enqueue_indirect_dma source(%dma_start3A_12 : memref<1000000x32xf32, #tpu.memory_space<hbm>>) target(%dma_start3A_6 : memref<128x32xf32, #tpu.memory_space<vmem>>) offsets(%dma_start3A_9 : memref<128xi32, #tpu.memory_space<vmem>>) semaphore(%arg15 : memref<!tpu.dma_semaphore, #tpu.memory_space<semaphore_mem>>)
    %dma_start3A_13 = arith.constant 1 : i32
    %dma_start3A_14 = arith.constant 128 : i32
    %dma_start3A_15 = arith.constant 0 : i32
    %dma_start3A_16 = tpu.memref_slice %arg12[%dma_start3A_14, %dma_start3A_15] : memref<512x32xf32, #tpu.memory_space<vmem>> -> memref<128x32xf32, #tpu.memory_space<vmem>>
    %dma_start3A_17 = arith.constant 0 : i32
    %dma_start3A_18 = tpu.memref_slice %arg11[%dma_start3A_13, %dma_start3A_17] : memref<4x128xi32, #tpu.memory_space<vmem>> -> memref<1x128xi32, #tpu.memory_space<vmem>>
    %dma_start3A_19 = tpu.memref_squeeze %dma_start3A_18 : memref<1x128xi32, #tpu.memory_space<vmem>> -> memref<128xi32, #tpu.memory_space<vmem>>
    %dma_start3A_20 = arith.constant 0 : i32
    %dma_start3A_21 = arith.constant 0 : i32
    %dma_start3A_22 = tpu.memref_slice %arg5[%dma_start3A_20, %dma_start3A_21] : memref<1000000x32xf32, #tpu.memory_space<hbm>> -> memref<1000000x32xf32, #tpu.memory_space<hbm>>
    tpu.enqueue_indirect_dma source(%dma_start3A_22 : memref<1000000x32xf32, #tpu.memory_space<hbm>>) target(%dma_start3A_16 : memref<128x32xf32, #tpu.memory_space<vmem>>) offsets(%dma_start3A_19 : memref<128xi32, #tpu.memory_space<vmem>>) semaphore(%arg15 : memref<!tpu.dma_semaphore, #tpu.memory_space<semaphore_mem>>)
    %dma_start3A_23 = arith.constant 2 : i32
    %dma_start3A_24 = arith.constant 256 : i32
    %dma_start3A_25 = arith.constant 0 : i32
    %dma_start3A_26 = tpu.memref_slice %arg12[%dma_start3A_24, %dma_start3A_25] : memref<512x32xf32, #tpu.memory_space<vmem>> -> memref<128x32xf32, #tpu.memory_space<vmem>>
    %dma_start3A_27 = arith.constant 0 : i32
    %dma_start3A_28 = tpu.memref_slice %arg11[%dma_start3A_23, %dma_start3A_27] : memref<4x128xi32, #tpu.memory_space<vmem>> -> memref<1x128xi32, #tpu.memory_space<vmem>>
    %dma_start3A_29 = tpu.memref_squeeze %dma_start3A_28 : memref<1x128xi32, #tpu.memory_space<vmem>> -> memref<128xi32, #tpu.memory_space<vmem>>
    %dma_start3A_30 = arith.constant 0 : i32
    %dma_start3A_31 = arith.constant 0 : i32
    %dma_start3A_32 = tpu.memref_slice %arg5[%dma_start3A_30, %dma_start3A_31] : memref<1000000x32xf32, #tpu.memory_space<hbm>> -> memref<1000000x32xf32, #tpu.memory_space<hbm>>
    tpu.enqueue_indirect_dma source(%dma_start3A_32 : memref<1000000x32xf32, #tpu.memory_space<hbm>>) target(%dma_start3A_26 : memref<128x32xf32, #tpu.memory_space<vmem>>) offsets(%dma_start3A_29 : memref<128xi32, #tpu.memory_space<vmem>>) semaphore(%arg15 : memref<!tpu.dma_semaphore, #tpu.memory_space<semaphore_mem>>)
    %dma_start3A_33 = arith.constant 3 : i32
    %dma_start3A_34 = arith.constant 384 : i32
    %dma_start3A_35 = arith.constant 0 : i32
    %dma_start3A_36 = tpu.memref_slice %arg12[%dma_start3A_34, %dma_start3A_35] : memref<512x32xf32, #tpu.memory_space<vmem>> -> memref<128x32xf32, #tpu.memory_space<vmem>>
    %dma_start3A_37 = arith.constant 0 : i32
    %dma_start3A_38 = tpu.memref_slice %arg11[%dma_start3A_33, %dma_start3A_37] : memref<4x128xi32, #tpu.memory_space<vmem>> -> memref<1x128xi32, #tpu.memory_space<vmem>>
    %dma_start3A_39 = tpu.memref_squeeze %dma_start3A_38 : memref<1x128xi32, #tpu.memory_space<vmem>> -> memref<128xi32, #tpu.memory_space<vmem>>
    %dma_start3A_40 = arith.constant 0 : i32
    %dma_start3A_41 = arith.constant 0 : i32
    %dma_start3A_42 = tpu.memref_slice %arg5[%dma_start3A_40, %dma_start3A_41] : memref<1000000x32xf32, #tpu.memory_space<hbm>> -> memref<1000000x32xf32, #tpu.memory_space<hbm>>
    tpu.enqueue_indirect_dma source(%dma_start3A_42 : memref<1000000x32xf32, #tpu.memory_space<hbm>>) target(%dma_start3A_36 : memref<128x32xf32, #tpu.memory_space<vmem>>) offsets(%dma_start3A_39 : memref<128xi32, #tpu.memory_space<vmem>>) semaphore(%arg15 : memref<!tpu.dma_semaphore, #tpu.memory_space<semaphore_mem>>)
    %dma_start3A_43 = arith.constant 0 : i32
    %dma_start3A_44 = arith.constant 0 : i32
    %dma_start3A_45 = arith.constant 0 : i32
    %dma_start3A_46 = arith.constant 0 : i32
    %dma_start3A_47 = arith.constant 0 : i32
    %dma_start3A_48 = arith.constant 0 : i32
    %dma_start3A_49 = tpu.memref_slice %arg10[%dma_start3A_45, %dma_start3A_47, %dma_start3A_48] : memref<2x800x32xf32, #tpu.memory_space<vmem>> -> memref<1x100x32xf32, #tpu.memory_space<vmem>>
    %dma_start3A_50 = tpu.memref_squeeze %dma_start3A_49 : memref<1x100x32xf32, #tpu.memory_space<vmem>> -> memref<100x32xf32, #tpu.memory_space<vmem>>
    %dma_start3A_51 = arith.constant 0 : i32
    %dma_start3A_52 = tpu.memref_slice %arg9[%dma_start3A_43, %dma_start3A_44, %dma_start3A_51] : memref<32x8x100xi32, #tpu.memory_space<vmem>> -> memref<1x1x100xi32, #tpu.memory_space<vmem>>
    %dma_start3A_53 = tpu.memref_squeeze %dma_start3A_52 : memref<1x1x100xi32, #tpu.memory_space<vmem>> -> memref<100xi32, #tpu.memory_space<vmem>>
    %dma_start3A_54 = arith.constant 0 : i32
    %dma_start3A_55 = arith.constant 0 : i32
    %dma_start3A_56 = tpu.memref_slice %arg4[%dma_start3A_54, %dma_start3A_55] : memref<1000000x32xf32, #tpu.memory_space<hbm>> -> memref<1000000x32xf32, #tpu.memory_space<hbm>>
    %dma_start3A_57 = tpu.memref_slice %arg14[%dma_start3A_46] : memref<2x!tpu.dma_semaphore, #tpu.memory_space<semaphore_mem>> -> memref<1x!tpu.dma_semaphore, #tpu.memory_space<semaphore_mem>>
    %dma_start3A_58 = tpu.memref_squeeze %dma_start3A_57 : memref<1x!tpu.dma_semaphore, #tpu.memory_space<semaphore_mem>> -> memref<!tpu.dma_semaphore, #tpu.memory_space<semaphore_mem>>
    tpu.enqueue_indirect_dma source(%dma_start3A_56 : memref<1000000x32xf32, #tpu.memory_space<hbm>>) target(%dma_start3A_50 : memref<100x32xf32, #tpu.memory_space<vmem>>) offsets(%dma_start3A_53 : memref<100xi32, #tpu.memory_space<vmem>>) semaphore(%dma_start3A_58 : memref<!tpu.dma_semaphore, #tpu.memory_space<semaphore_mem>>)
    %dma_start3A_59 = arith.constant 0 : i32
    %dma_start3A_60 = arith.constant 1 : i32
    %dma_start3A_61 = arith.constant 0 : i32
    %dma_start3A_62 = arith.constant 0 : i32
    %dma_start3A_63 = arith.constant 100 : i32
    %dma_start3A_64 = arith.constant 0 : i32
    %dma_start3A_65 = tpu.memref_slice %arg10[%dma_start3A_61, %dma_start3A_63, %dma_start3A_64] : memref<2x800x32xf32, #tpu.memory_space<vmem>> -> memref<1x100x32xf32, #tpu.memory_space<vmem>>
    %dma_start3A_66 = tpu.memref_squeeze %dma_start3A_65 : memref<1x100x32xf32, #tpu.memory_space<vmem>> -> memref<100x32xf32, #tpu.memory_space<vmem>>
    %dma_start3A_67 = arith.constant 0 : i32
    %dma_start3A_68 = tpu.memref_slice %arg9[%dma_start3A_59, %dma_start3A_60, %dma_start3A_67] : memref<32x8x100xi32, #tpu.memory_space<vmem>> -> memref<1x1x100xi32, #tpu.memory_space<vmem>>
    %dma_start3A_69 = tpu.memref_squeeze %dma_start3A_68 : memref<1x1x100xi32, #tpu.memory_space<vmem>> -> memref<100xi32, #tpu.memory_space<vmem>>
    %dma_start3A_70 = arith.constant 0 : i32
    %dma_start3A_71 = arith.constant 0 : i32
    %dma_start3A_72 = tpu.memref_slice %arg4[%dma_start3A_70, %dma_start3A_71] : memref<1000000x32xf32, #tpu.memory_space<hbm>> -> memref<1000000x32xf32, #tpu.memory_space<hbm>>
    %dma_start3A_73 = tpu.memref_slice %arg14[%dma_start3A_62] : memref<2x!tpu.dma_semaphore, #tpu.memory_space<semaphore_mem>> -> memref<1x!tpu.dma_semaphore, #tpu.memory_space<semaphore_mem>>
    %dma_start3A_74 = tpu.memref_squeeze %dma_start3A_73 : memref<1x!tpu.dma_semaphore, #tpu.memory_space<semaphore_mem>> -> memref<!tpu.dma_semaphore, #tpu.memory_space<semaphore_mem>>
    tpu.enqueue_indirect_dma source(%dma_start3A_72 : memref<1000000x32xf32, #tpu.memory_space<hbm>>) target(%dma_start3A_66 : memref<100x32xf32, #tpu.memory_space<vmem>>) offsets(%dma_start3A_69 : memref<100xi32, #tpu.memory_space<vmem>>) semaphore(%dma_start3A_74 : memref<!tpu.dma_semaphore, #tpu.memory_space<semaphore_mem>>)
    %dma_start3A_75 = arith.constant 0 : i32
    %dma_start3A_76 = arith.constant 2 : i32
    %dma_start3A_77 = arith.constant 0 : i32
    %dma_start3A_78 = arith.constant 0 : i32
    %dma_start3A_79 = arith.constant 200 : i32
    %dma_start3A_80 = arith.constant 0 : i32
    %dma_start3A_81 = tpu.memref_slice %arg10[%dma_start3A_77, %dma_start3A_79, %dma_start3A_80] : memref<2x800x32xf32, #tpu.memory_space<vmem>> -> memref<1x100x32xf32, #tpu.memory_space<vmem>>
    %dma_start3A_82 = tpu.memref_squeeze %dma_start3A_81 : memref<1x100x32xf32, #tpu.memory_space<vmem>> -> memref<100x32xf32, #tpu.memory_space<vmem>>
    %dma_start3A_83 = arith.constant 0 : i32
    %dma_start3A_84 = tpu.memref_slice %arg9[%dma_start3A_75, %dma_start3A_76, %dma_start3A_83] : memref<32x8x100xi32, #tpu.memory_space<vmem>> -> memref<1x1x100xi32, #tpu.memory_space<vmem>>
    %dma_start3A_85 = tpu.memref_squeeze %dma_start3A_84 : memref<1x1x100xi32, #tpu.memory_space<vmem>> -> memref<100xi32, #tpu.memory_space<vmem>>
    %dma_start3A_86 = arith.constant 0 : i32
    %dma_start3A_87 = arith.constant 0 : i32
    %dma_start3A_88 = tpu.memref_slice %arg4[%dma_start3A_86, %dma_start3A_87] : memref<1000000x32xf32, #tpu.memory_space<hbm>> -> memref<1000000x32xf32, #tpu.memory_space<hbm>>
    %dma_start3A_89 = tpu.memref_slice %arg14[%dma_start3A_78] : memref<2x!tpu.dma_semaphore, #tpu.memory_space<semaphore_mem>> -> memref<1x!tpu.dma_semaphore, #tpu.memory_space<semaphore_mem>>
    %dma_start3A_90 = tpu.memref_squeeze %dma_start3A_89 : memref<1x!tpu.dma_semaphore, #tpu.memory_space<semaphore_mem>> -> memref<!tpu.dma_semaphore, #tpu.memory_space<semaphore_mem>>
    tpu.enqueue_indirect_dma source(%dma_start3A_88 : memref<1000000x32xf32, #tpu.memory_space<hbm>>) target(%dma_start3A_82 : memref<100x32xf32, #tpu.memory_space<vmem>>) offsets(%dma_start3A_85 : memref<100xi32, #tpu.memory_space<vmem>>) semaphore(%dma_start3A_90 : memref<!tpu.dma_semaphore, #tpu.memory_space<semaphore_mem>>)
    %dma_start3A_91 = arith.constant 0 : i32
    %dma_start3A_92 = arith.constant 3 : i32
    %dma_start3A_93 = arith.constant 0 : i32
    %dma_start3A_94 = arith.constant 0 : i32
    %dma_start3A_95 = arith.constant 300 : i32
    %dma_start3A_96 = arith.constant 0 : i32
    %dma_start3A_97 = tpu.memref_slice %arg10[%dma_start3A_93, %dma_start3A_95, %dma_start3A_96] : memref<2x800x32xf32, #tpu.memory_space<vmem>> -> memref<1x100x32xf32, #tpu.memory_space<vmem>>
    %dma_start3A_98 = tpu.memref_squeeze %dma_start3A_97 : memref<1x100x32xf32, #tpu.memory_space<vmem>> -> memref<100x32xf32, #tpu.memory_space<vmem>>
    %dma_start3A_99 = arith.constant 0 : i32
    %dma_start3A_100 = tpu.memref_slice %arg9[%dma_start3A_91, %dma_start3A_92, %dma_start3A_99] : memref<32x8x100xi32, #tpu.memory_space<vmem>> -> memref<1x1x100xi32, #tpu.memory_space<vmem>>
    %dma_start3A_101 = tpu.memref_squeeze %dma_start3A_100 : memref<1x1x100xi32, #tpu.memory_space<vmem>> -> memref<100xi32, #tpu.memory_space<vmem>>
    %dma_start3A_102 = arith.constant 0 : i32
    %dma_start3A_103 = arith.constant 0 : i32
    %dma_start3A_104 = tpu.memref_slice %arg4[%dma_start3A_102, %dma_start3A_103] : memref<1000000x32xf32, #tpu.memory_space<hbm>> -> memref<1000000x32xf32, #tpu.memory_space<hbm>>
    %dma_start3A_105 = tpu.memref_slice %arg14[%dma_start3A_94] : memref<2x!tpu.dma_semaphore, #tpu.memory_space<semaphore_mem>> -> memref<1x!tpu.dma_semaphore, #tpu.memory_space<semaphore_mem>>
    %dma_start3A_106 = tpu.memref_squeeze %dma_start3A_105 : memref<1x!tpu.dma_semaphore, #tpu.memory_space<semaphore_mem>> -> memref<!tpu.dma_semaphore, #tpu.memory_space<semaphore_mem>>
    tpu.enqueue_indirect_dma source(%dma_start3A_104 : memref<1000000x32xf32, #tpu.memory_space<hbm>>) target(%dma_start3A_98 : memref<100x32xf32, #tpu.memory_space<vmem>>) offsets(%dma_start3A_101 : memref<100xi32, #tpu.memory_space<vmem>>) semaphore(%dma_start3A_106 : memref<!tpu.dma_semaphore, #tpu.memory_space<semaphore_mem>>)
    %dma_start3A_107 = arith.constant 0 : i32
    %dma_start3A_108 = arith.constant 4 : i32
    %dma_start3A_109 = arith.constant 0 : i32
    %dma_start3A_110 = arith.constant 0 : i32
    %dma_start3A_111 = arith.constant 400 : i32
    %dma_start3A_112 = arith.constant 0 : i32
    %dma_start3A_113 = tpu.memref_slice %arg10[%dma_start3A_109, %dma_start3A_111, %dma_start3A_112] : memref<2x800x32xf32, #tpu.memory_space<vmem>> -> memref<1x100x32xf32, #tpu.memory_space<vmem>>
    %dma_start3A_114 = tpu.memref_squeeze %dma_start3A_113 : memref<1x100x32xf32, #tpu.memory_space<vmem>> -> memref<100x32xf32, #tpu.memory_space<vmem>>
    %dma_start3A_115 = arith.constant 0 : i32
    %dma_start3A_116 = tpu.memref_slice %arg9[%dma_start3A_107, %dma_start3A_108, %dma_start3A_115] : memref<32x8x100xi32, #tpu.memory_space<vmem>> -> memref<1x1x100xi32, #tpu.memory_space<vmem>>
    %dma_start3A_117 = tpu.memref_squeeze %dma_start3A_116 : memref<1x1x100xi32, #tpu.memory_space<vmem>> -> memref<100xi32, #tpu.memory_space<vmem>>
    %dma_start3A_118 = arith.constant 0 : i32
    %dma_start3A_119 = arith.constant 0 : i32
    %dma_start3A_120 = tpu.memref_slice %arg4[%dma_start3A_118, %dma_start3A_119] : memref<1000000x32xf32, #tpu.memory_space<hbm>> -> memref<1000000x32xf32, #tpu.memory_space<hbm>>
    %dma_start3A_121 = tpu.memref_slice %arg14[%dma_start3A_110] : memref<2x!tpu.dma_semaphore, #tpu.memory_space<semaphore_mem>> -> memref<1x!tpu.dma_semaphore, #tpu.memory_space<semaphore_mem>>
    %dma_start3A_122 = tpu.memref_squeeze %dma_start3A_121 : memref<1x!tpu.dma_semaphore, #tpu.memory_space<semaphore_mem>> -> memref<!tpu.dma_semaphore, #tpu.memory_space<semaphore_mem>>
    tpu.enqueue_indirect_dma source(%dma_start3A_120 : memref<1000000x32xf32, #tpu.memory_space<hbm>>) target(%dma_start3A_114 : memref<100x32xf32, #tpu.memory_space<vmem>>) offsets(%dma_start3A_117 : memref<100xi32, #tpu.memory_space<vmem>>) semaphore(%dma_start3A_122 : memref<!tpu.dma_semaphore, #tpu.memory_space<semaphore_mem>>)
    %dma_start3A_123 = arith.constant 0 : i32
    %dma_start3A_124 = arith.constant 5 : i32
    %dma_start3A_125 = arith.constant 0 : i32
    %dma_start3A_126 = arith.constant 0 : i32
    %dma_start3A_127 = arith.constant 500 : i32
    %dma_start3A_128 = arith.constant 0 : i32
    %dma_start3A_129 = tpu.memref_slice %arg10[%dma_start3A_125, %dma_start3A_127, %dma_start3A_128] : memref<2x800x32xf32, #tpu.memory_space<vmem>> -> memref<1x100x32xf32, #tpu.memory_space<vmem>>
    %dma_start3A_130 = tpu.memref_squeeze %dma_start3A_129 : memref<1x100x32xf32, #tpu.memory_space<vmem>> -> memref<100x32xf32, #tpu.memory_space<vmem>>
    %dma_start3A_131 = arith.constant 0 : i32
    %dma_start3A_132 = tpu.memref_slice %arg9[%dma_start3A_123, %dma_start3A_124, %dma_start3A_131] : memref<32x8x100xi32, #tpu.memory_space<vmem>> -> memref<1x1x100xi32, #tpu.memory_space<vmem>>
    %dma_start3A_133 = tpu.memref_squeeze %dma_start3A_132 : memref<1x1x100xi32, #tpu.memory_space<vmem>> -> memref<100xi32, #tpu.memory_space<vmem>>
    %dma_start3A_134 = arith.constant 0 : i32
    %dma_start3A_135 = arith.constant 0 : i32
    %dma_start3A_136 = tpu.memref_slice %arg4[%dma_start3A_134, %dma_start3A_135] : memref<1000000x32xf32, #tpu.memory_space<hbm>> -> memref<1000000x32xf32, #tpu.memory_space<hbm>>
    %dma_start3A_137 = tpu.memref_slice %arg14[%dma_start3A_126] : memref<2x!tpu.dma_semaphore, #tpu.memory_space<semaphore_mem>> -> memref<1x!tpu.dma_semaphore, #tpu.memory_space<semaphore_mem>>
    %dma_start3A_138 = tpu.memref_squeeze %dma_start3A_137 : memref<1x!tpu.dma_semaphore, #tpu.memory_space<semaphore_mem>> -> memref<!tpu.dma_semaphore, #tpu.memory_space<semaphore_mem>>
    tpu.enqueue_indirect_dma source(%dma_start3A_136 : memref<1000000x32xf32, #tpu.memory_space<hbm>>) target(%dma_start3A_130 : memref<100x32xf32, #tpu.memory_space<vmem>>) offsets(%dma_start3A_133 : memref<100xi32, #tpu.memory_space<vmem>>) semaphore(%dma_start3A_138 : memref<!tpu.dma_semaphore, #tpu.memory_space<semaphore_mem>>)
    %dma_start3A_139 = arith.constant 0 : i32
    %dma_start3A_140 = arith.constant 6 : i32
    %dma_start3A_141 = arith.constant 0 : i32
    %dma_start3A_142 = arith.constant 0 : i32
    %dma_start3A_143 = arith.constant 600 : i32
    %dma_start3A_144 = arith.constant 0 : i32
    %dma_start3A_145 = tpu.memref_slice %arg10[%dma_start3A_141, %dma_start3A_143, %dma_start3A_144] : memref<2x800x32xf32, #tpu.memory_space<vmem>> -> memref<1x100x32xf32, #tpu.memory_space<vmem>>
    %dma_start3A_146 = tpu.memref_squeeze %dma_start3A_145 : memref<1x100x32xf32, #tpu.memory_space<vmem>> -> memref<100x32xf32, #tpu.memory_space<vmem>>
    %dma_start3A_147 = arith.constant 0 : i32
    %dma_start3A_148 = tpu.memref_slice %arg9[%dma_start3A_139, %dma_start3A_140, %dma_start3A_147] : memref<32x8x100xi32, #tpu.memory_space<vmem>> -> memref<1x1x100xi32, #tpu.memory_space<vmem>>
    %dma_start3A_149 = tpu.memref_squeeze %dma_start3A_148 : memref<1x1x100xi32, #tpu.memory_space<vmem>> -> memref<100xi32, #tpu.memory_space<vmem>>
    %dma_start3A_150 = arith.constant 0 : i32
    %dma_start3A_151 = arith.constant 0 : i32
    %dma_start3A_152 = tpu.memref_slice %arg4[%dma_start3A_150, %dma_start3A_151] : memref<1000000x32xf32, #tpu.memory_space<hbm>> -> memref<1000000x32xf32, #tpu.memory_space<hbm>>
    %dma_start3A_153 = tpu.memref_slice %arg14[%dma_start3A_142] : memref<2x!tpu.dma_semaphore, #tpu.memory_space<semaphore_mem>> -> memref<1x!tpu.dma_semaphore, #tpu.memory_space<semaphore_mem>>
    %dma_start3A_154 = tpu.memref_squeeze %dma_start3A_153 : memref<1x!tpu.dma_semaphore, #tpu.memory_space<semaphore_mem>> -> memref<!tpu.dma_semaphore, #tpu.memory_space<semaphore_mem>>
    tpu.enqueue_indirect_dma source(%dma_start3A_152 : memref<1000000x32xf32, #tpu.memory_space<hbm>>) target(%dma_start3A_146 : memref<100x32xf32, #tpu.memory_space<vmem>>) offsets(%dma_start3A_149 : memref<100xi32, #tpu.memory_space<vmem>>) semaphore(%dma_start3A_154 : memref<!tpu.dma_semaphore, #tpu.memory_space<semaphore_mem>>)
    %dma_start3A_155 = arith.constant 0 : i32
    %dma_start3A_156 = arith.constant 7 : i32
    %dma_start3A_157 = arith.constant 0 : i32
    %dma_start3A_158 = arith.constant 0 : i32
    %dma_start3A_159 = arith.constant 700 : i32
    %dma_start3A_160 = arith.constant 0 : i32
    %dma_start3A_161 = tpu.memref_slice %arg10[%dma_start3A_157, %dma_start3A_159, %dma_start3A_160] : memref<2x800x32xf32, #tpu.memory_space<vmem>> -> memref<1x100x32xf32, #tpu.memory_space<vmem>>
    %dma_start3A_162 = tpu.memref_squeeze %dma_start3A_161 : memref<1x100x32xf32, #tpu.memory_space<vmem>> -> memref<100x32xf32, #tpu.memory_space<vmem>>
    %dma_start3A_163 = arith.constant 0 : i32
    %dma_start3A_164 = tpu.memref_slice %arg9[%dma_start3A_155, %dma_start3A_156, %dma_start3A_163] : memref<32x8x100xi32, #tpu.memory_space<vmem>> -> memref<1x1x100xi32, #tpu.memory_space<vmem>>
    %dma_start3A_165 = tpu.memref_squeeze %dma_start3A_164 : memref<1x1x100xi32, #tpu.memory_space<vmem>> -> memref<100xi32, #tpu.memory_space<vmem>>
    %dma_start3A_166 = arith.constant 0 : i32
    %dma_start3A_167 = arith.constant 0 : i32
    %dma_start3A_168 = tpu.memref_slice %arg4[%dma_start3A_166, %dma_start3A_167] : memref<1000000x32xf32, #tpu.memory_space<hbm>> -> memref<1000000x32xf32, #tpu.memory_space<hbm>>
    %dma_start3A_169 = tpu.memref_slice %arg14[%dma_start3A_158] : memref<2x!tpu.dma_semaphore, #tpu.memory_space<semaphore_mem>> -> memref<1x!tpu.dma_semaphore, #tpu.memory_space<semaphore_mem>>
    %dma_start3A_170 = tpu.memref_squeeze %dma_start3A_169 : memref<1x!tpu.dma_semaphore, #tpu.memory_space<semaphore_mem>> -> memref<!tpu.dma_semaphore, #tpu.memory_space<semaphore_mem>>
    tpu.enqueue_indirect_dma source(%dma_start3A_168 : memref<1000000x32xf32, #tpu.memory_space<hbm>>) target(%dma_start3A_162 : memref<100x32xf32, #tpu.memory_space<vmem>>) offsets(%dma_start3A_165 : memref<100xi32, #tpu.memory_space<vmem>>) semaphore(%dma_start3A_170 : memref<!tpu.dma_semaphore, #tpu.memory_space<semaphore_mem>>)
    %iota3A = tpu.iota {dimensions = array<i32: 0>} : vector<16xi32>
    %scan3A = arith.constant 0 : i32
    %scan3A_171 = arith.constant 0 : i32
    %scan3A_172 = arith.constant 32 : i32
    %scan3A_173 = arith.addi %scan3A_171, %scan3A_172 : i32
    %scan3A_174 = arith.constant 1 : i32
    %scan3A_175 = scf.for %scan3A_223 = %scan3A_171 to %scan3A_173 step %scan3A_174 iter_args(%scan3A_224 = %scan3A) -> (i32)  : i32 {
      %rem3A = arith.constant 2 : i32
      %rem3A_225 = arith.remsi %scan3A_223, %rem3A : i32
      %dma_wait3A_226 = arith.constant 0 : i32
      %dma_wait3A_227 = arith.constant 0 : i32
      %dma_wait3A_228 = arith.constant 0 : i32
      %dma_wait3A_229 = tpu.memref_slice %arg10[%rem3A_225, %dma_wait3A_227, %dma_wait3A_228] : memref<2x800x32xf32, #tpu.memory_space<vmem>> -> memref<1x100x32xf32, #tpu.memory_space<vmem>>
      %dma_wait3A_230 = tpu.memref_squeeze %dma_wait3A_229 : memref<1x100x32xf32, #tpu.memory_space<vmem>> -> memref<100x32xf32, #tpu.memory_space<vmem>>
      %dma_wait3A_231 = arith.constant 0 : i32
      %dma_wait3A_232 = tpu.memref_slice %arg9[%scan3A_223, %dma_wait3A_226, %dma_wait3A_231] : memref<32x8x100xi32, #tpu.memory_space<vmem>> -> memref<1x1x100xi32, #tpu.memory_space<vmem>>
      %dma_wait3A_233 = tpu.memref_squeeze %dma_wait3A_232 : memref<1x1x100xi32, #tpu.memory_space<vmem>> -> memref<100xi32, #tpu.memory_space<vmem>>
      %dma_wait3A_234 = arith.constant 0 : i32
      %dma_wait3A_235 = arith.constant 0 : i32
      %dma_wait3A_236 = tpu.memref_slice %arg4[%dma_wait3A_234, %dma_wait3A_235] : memref<1000000x32xf32, #tpu.memory_space<hbm>> -> memref<1000000x32xf32, #tpu.memory_space<hbm>>
      %dma_wait3A_237 = tpu.memref_slice %arg14[%rem3A_225] : memref<2x!tpu.dma_semaphore, #tpu.memory_space<semaphore_mem>> -> memref<1x!tpu.dma_semaphore, #tpu.memory_space<semaphore_mem>>
      %dma_wait3A_238 = tpu.memref_squeeze %dma_wait3A_237 : memref<1x!tpu.dma_semaphore, #tpu.memory_space<semaphore_mem>> -> memref<!tpu.dma_semaphore, #tpu.memory_space<semaphore_mem>>
      tpu.wait_indirect_dma semaphore(%dma_wait3A_238 : memref<!tpu.dma_semaphore, #tpu.memory_space<semaphore_mem>>) src(%dma_wait3A_236 : memref<1000000x32xf32, #tpu.memory_space<hbm>>) dst(%dma_wait3A_230 : memref<100x32xf32, #tpu.memory_space<vmem>>)
      %dma_wait3A_239 = arith.constant 1 : i32
      %dma_wait3A_240 = arith.constant 100 : i32
      %dma_wait3A_241 = arith.constant 0 : i32
      %dma_wait3A_242 = tpu.memref_slice %arg10[%rem3A_225, %dma_wait3A_240, %dma_wait3A_241] : memref<2x800x32xf32, #tpu.memory_space<vmem>> -> memref<1x100x32xf32, #tpu.memory_space<vmem>>
      %dma_wait3A_243 = tpu.memref_squeeze %dma_wait3A_242 : memref<1x100x32xf32, #tpu.memory_space<vmem>> -> memref<100x32xf32, #tpu.memory_space<vmem>>
      %dma_wait3A_244 = arith.constant 0 : i32
      %dma_wait3A_245 = tpu.memref_slice %arg9[%scan3A_223, %dma_wait3A_239, %dma_wait3A_244] : memref<32x8x100xi32, #tpu.memory_space<vmem>> -> memref<1x1x100xi32, #tpu.memory_space<vmem>>
      %dma_wait3A_246 = tpu.memref_squeeze %dma_wait3A_245 : memref<1x1x100xi32, #tpu.memory_space<vmem>> -> memref<100xi32, #tpu.memory_space<vmem>>
      %dma_wait3A_247 = arith.constant 0 : i32
      %dma_wait3A_248 = arith.constant 0 : i32
      %dma_wait3A_249 = tpu.memref_slice %arg4[%dma_wait3A_247, %dma_wait3A_248] : memref<1000000x32xf32, #tpu.memory_space<hbm>> -> memref<1000000x32xf32, #tpu.memory_space<hbm>>
      %dma_wait3A_250 = tpu.memref_slice %arg14[%rem3A_225] : memref<2x!tpu.dma_semaphore, #tpu.memory_space<semaphore_mem>> -> memref<1x!tpu.dma_semaphore, #tpu.memory_space<semaphore_mem>>
      %dma_wait3A_251 = tpu.memref_squeeze %dma_wait3A_250 : memref<1x!tpu.dma_semaphore, #tpu.memory_space<semaphore_mem>> -> memref<!tpu.dma_semaphore, #tpu.memory_space<semaphore_mem>>
      tpu.wait_indirect_dma semaphore(%dma_wait3A_251 : memref<!tpu.dma_semaphore, #tpu.memory_space<semaphore_mem>>) src(%dma_wait3A_249 : memref<1000000x32xf32, #tpu.memory_space<hbm>>) dst(%dma_wait3A_243 : memref<100x32xf32, #tpu.memory_space<vmem>>)
      %dma_wait3A_252 = arith.constant 2 : i32
      %dma_wait3A_253 = arith.constant 200 : i32
      %dma_wait3A_254 = arith.constant 0 : i32
      %dma_wait3A_255 = tpu.memref_slice %arg10[%rem3A_225, %dma_wait3A_253, %dma_wait3A_254] : memref<2x800x32xf32, #tpu.memory_space<vmem>> -> memref<1x100x32xf32, #tpu.memory_space<vmem>>
      %dma_wait3A_256 = tpu.memref_squeeze %dma_wait3A_255 : memref<1x100x32xf32, #tpu.memory_space<vmem>> -> memref<100x32xf32, #tpu.memory_space<vmem>>
      %dma_wait3A_257 = arith.constant 0 : i32
      %dma_wait3A_258 = tpu.memref_slice %arg9[%scan3A_223, %dma_wait3A_252, %dma_wait3A_257] : memref<32x8x100xi32, #tpu.memory_space<vmem>> -> memref<1x1x100xi32, #tpu.memory_space<vmem>>
      %dma_wait3A_259 = tpu.memref_squeeze %dma_wait3A_258 : memref<1x1x100xi32, #tpu.memory_space<vmem>> -> memref<100xi32, #tpu.memory_space<vmem>>
      %dma_wait3A_260 = arith.constant 0 : i32
      %dma_wait3A_261 = arith.constant 0 : i32
      %dma_wait3A_262 = tpu.memref_slice %arg4[%dma_wait3A_260, %dma_wait3A_261] : memref<1000000x32xf32, #tpu.memory_space<hbm>> -> memref<1000000x32xf32, #tpu.memory_space<hbm>>
      %dma_wait3A_263 = tpu.memref_slice %arg14[%rem3A_225] : memref<2x!tpu.dma_semaphore, #tpu.memory_space<semaphore_mem>> -> memref<1x!tpu.dma_semaphore, #tpu.memory_space<semaphore_mem>>
      %dma_wait3A_264 = tpu.memref_squeeze %dma_wait3A_263 : memref<1x!tpu.dma_semaphore, #tpu.memory_space<semaphore_mem>> -> memref<!tpu.dma_semaphore, #tpu.memory_space<semaphore_mem>>
      tpu.wait_indirect_dma semaphore(%dma_wait3A_264 : memref<!tpu.dma_semaphore, #tpu.memory_space<semaphore_mem>>) src(%dma_wait3A_262 : memref<1000000x32xf32, #tpu.memory_space<hbm>>) dst(%dma_wait3A_256 : memref<100x32xf32, #tpu.memory_space<vmem>>)
      %dma_wait3A_265 = arith.constant 3 : i32
      %dma_wait3A_266 = arith.constant 300 : i32
      %dma_wait3A_267 = arith.constant 0 : i32
      %dma_wait3A_268 = tpu.memref_slice %arg10[%rem3A_225, %dma_wait3A_266, %dma_wait3A_267] : memref<2x800x32xf32, #tpu.memory_space<vmem>> -> memref<1x100x32xf32, #tpu.memory_space<vmem>>
      %dma_wait3A_269 = tpu.memref_squeeze %dma_wait3A_268 : memref<1x100x32xf32, #tpu.memory_space<vmem>> -> memref<100x32xf32, #tpu.memory_space<vmem>>
      %dma_wait3A_270 = arith.constant 0 : i32
      %dma_wait3A_271 = tpu.memref_slice %arg9[%scan3A_223, %dma_wait3A_265, %dma_wait3A_270] : memref<32x8x100xi32, #tpu.memory_space<vmem>> -> memref<1x1x100xi32, #tpu.memory_space<vmem>>
      %dma_wait3A_272 = tpu.memref_squeeze %dma_wait3A_271 : memref<1x1x100xi32, #tpu.memory_space<vmem>> -> memref<100xi32, #tpu.memory_space<vmem>>
      %dma_wait3A_273 = arith.constant 0 : i32
      %dma_wait3A_274 = arith.constant 0 : i32
      %dma_wait3A_275 = tpu.memref_slice %arg4[%dma_wait3A_273, %dma_wait3A_274] : memref<1000000x32xf32, #tpu.memory_space<hbm>> -> memref<1000000x32xf32, #tpu.memory_space<hbm>>
      %dma_wait3A_276 = tpu.memref_slice %arg14[%rem3A_225] : memref<2x!tpu.dma_semaphore, #tpu.memory_space<semaphore_mem>> -> memref<1x!tpu.dma_semaphore, #tpu.memory_space<semaphore_mem>>
      %dma_wait3A_277 = tpu.memref_squeeze %dma_wait3A_276 : memref<1x!tpu.dma_semaphore, #tpu.memory_space<semaphore_mem>> -> memref<!tpu.dma_semaphore, #tpu.memory_space<semaphore_mem>>
      tpu.wait_indirect_dma semaphore(%dma_wait3A_277 : memref<!tpu.dma_semaphore, #tpu.memory_space<semaphore_mem>>) src(%dma_wait3A_275 : memref<1000000x32xf32, #tpu.memory_space<hbm>>) dst(%dma_wait3A_269 : memref<100x32xf32, #tpu.memory_space<vmem>>)
      %dma_wait3A_278 = arith.constant 4 : i32
      %dma_wait3A_279 = arith.constant 400 : i32
      %dma_wait3A_280 = arith.constant 0 : i32
      %dma_wait3A_281 = tpu.memref_slice %arg10[%rem3A_225, %dma_wait3A_279, %dma_wait3A_280] : memref<2x800x32xf32, #tpu.memory_space<vmem>> -> memref<1x100x32xf32, #tpu.memory_space<vmem>>
      %dma_wait3A_282 = tpu.memref_squeeze %dma_wait3A_281 : memref<1x100x32xf32, #tpu.memory_space<vmem>> -> memref<100x32xf32, #tpu.memory_space<vmem>>
      %dma_wait3A_283 = arith.constant 0 : i32
      %dma_wait3A_284 = tpu.memref_slice %arg9[%scan3A_223, %dma_wait3A_278, %dma_wait3A_283] : memref<32x8x100xi32, #tpu.memory_space<vmem>> -> memref<1x1x100xi32, #tpu.memory_space<vmem>>
      %dma_wait3A_285 = tpu.memref_squeeze %dma_wait3A_284 : memref<1x1x100xi32, #tpu.memory_space<vmem>> -> memref<100xi32, #tpu.memory_space<vmem>>
      %dma_wait3A_286 = arith.constant 0 : i32
      %dma_wait3A_287 = arith.constant 0 : i32
      %dma_wait3A_288 = tpu.memref_slice %arg4[%dma_wait3A_286, %dma_wait3A_287] : memref<1000000x32xf32, #tpu.memory_space<hbm>> -> memref<1000000x32xf32, #tpu.memory_space<hbm>>
      %dma_wait3A_289 = tpu.memref_slice %arg14[%rem3A_225] : memref<2x!tpu.dma_semaphore, #tpu.memory_space<semaphore_mem>> -> memref<1x!tpu.dma_semaphore, #tpu.memory_space<semaphore_mem>>
      %dma_wait3A_290 = tpu.memref_squeeze %dma_wait3A_289 : memref<1x!tpu.dma_semaphore, #tpu.memory_space<semaphore_mem>> -> memref<!tpu.dma_semaphore, #tpu.memory_space<semaphore_mem>>
      tpu.wait_indirect_dma semaphore(%dma_wait3A_290 : memref<!tpu.dma_semaphore, #tpu.memory_space<semaphore_mem>>) src(%dma_wait3A_288 : memref<1000000x32xf32, #tpu.memory_space<hbm>>) dst(%dma_wait3A_282 : memref<100x32xf32, #tpu.memory_space<vmem>>)
      %dma_wait3A_291 = arith.constant 5 : i32
      %dma_wait3A_292 = arith.constant 500 : i32
      %dma_wait3A_293 = arith.constant 0 : i32
      %dma_wait3A_294 = tpu.memref_slice %arg10[%rem3A_225, %dma_wait3A_292, %dma_wait3A_293] : memref<2x800x32xf32, #tpu.memory_space<vmem>> -> memref<1x100x32xf32, #tpu.memory_space<vmem>>
      %dma_wait3A_295 = tpu.memref_squeeze %dma_wait3A_294 : memref<1x100x32xf32, #tpu.memory_space<vmem>> -> memref<100x32xf32, #tpu.memory_space<vmem>>
      %dma_wait3A_296 = arith.constant 0 : i32
      %dma_wait3A_297 = tpu.memref_slice %arg9[%scan3A_223, %dma_wait3A_291, %dma_wait3A_296] : memref<32x8x100xi32, #tpu.memory_space<vmem>> -> memref<1x1x100xi32, #tpu.memory_space<vmem>>
      %dma_wait3A_298 = tpu.memref_squeeze %dma_wait3A_297 : memref<1x1x100xi32, #tpu.memory_space<vmem>> -> memref<100xi32, #tpu.memory_space<vmem>>
      %dma_wait3A_299 = arith.constant 0 : i32
      %dma_wait3A_300 = arith.constant 0 : i32
      %dma_wait3A_301 = tpu.memref_slice %arg4[%dma_wait3A_299, %dma_wait3A_300] : memref<1000000x32xf32, #tpu.memory_space<hbm>> -> memref<1000000x32xf32, #tpu.memory_space<hbm>>
      %dma_wait3A_302 = tpu.memref_slice %arg14[%rem3A_225] : memref<2x!tpu.dma_semaphore, #tpu.memory_space<semaphore_mem>> -> memref<1x!tpu.dma_semaphore, #tpu.memory_space<semaphore_mem>>
      %dma_wait3A_303 = tpu.memref_squeeze %dma_wait3A_302 : memref<1x!tpu.dma_semaphore, #tpu.memory_space<semaphore_mem>> -> memref<!tpu.dma_semaphore, #tpu.memory_space<semaphore_mem>>
      tpu.wait_indirect_dma semaphore(%dma_wait3A_303 : memref<!tpu.dma_semaphore, #tpu.memory_space<semaphore_mem>>) src(%dma_wait3A_301 : memref<1000000x32xf32, #tpu.memory_space<hbm>>) dst(%dma_wait3A_295 : memref<100x32xf32, #tpu.memory_space<vmem>>)
      %dma_wait3A_304 = arith.constant 6 : i32
      %dma_wait3A_305 = arith.constant 600 : i32
      %dma_wait3A_306 = arith.constant 0 : i32
      %dma_wait3A_307 = tpu.memref_slice %arg10[%rem3A_225, %dma_wait3A_305, %dma_wait3A_306] : memref<2x800x32xf32, #tpu.memory_space<vmem>> -> memref<1x100x32xf32, #tpu.memory_space<vmem>>
      %dma_wait3A_308 = tpu.memref_squeeze %dma_wait3A_307 : memref<1x100x32xf32, #tpu.memory_space<vmem>> -> memref<100x32xf32, #tpu.memory_space<vmem>>
      %dma_wait3A_309 = arith.constant 0 : i32
      %dma_wait3A_310 = tpu.memref_slice %arg9[%scan3A_223, %dma_wait3A_304, %dma_wait3A_309] : memref<32x8x100xi32, #tpu.memory_space<vmem>> -> memref<1x1x100xi32, #tpu.memory_space<vmem>>
      %dma_wait3A_311 = tpu.memref_squeeze %dma_wait3A_310 : memref<1x1x100xi32, #tpu.memory_space<vmem>> -> memref<100xi32, #tpu.memory_space<vmem>>
      %dma_wait3A_312 = arith.constant 0 : i32
      %dma_wait3A_313 = arith.constant 0 : i32
      %dma_wait3A_314 = tpu.memref_slice %arg4[%dma_wait3A_312, %dma_wait3A_313] : memref<1000000x32xf32, #tpu.memory_space<hbm>> -> memref<1000000x32xf32, #tpu.memory_space<hbm>>
      %dma_wait3A_315 = tpu.memref_slice %arg14[%rem3A_225] : memref<2x!tpu.dma_semaphore, #tpu.memory_space<semaphore_mem>> -> memref<1x!tpu.dma_semaphore, #tpu.memory_space<semaphore_mem>>
      %dma_wait3A_316 = tpu.memref_squeeze %dma_wait3A_315 : memref<1x!tpu.dma_semaphore, #tpu.memory_space<semaphore_mem>> -> memref<!tpu.dma_semaphore, #tpu.memory_space<semaphore_mem>>
      tpu.wait_indirect_dma semaphore(%dma_wait3A_316 : memref<!tpu.dma_semaphore, #tpu.memory_space<semaphore_mem>>) src(%dma_wait3A_314 : memref<1000000x32xf32, #tpu.memory_space<hbm>>) dst(%dma_wait3A_308 : memref<100x32xf32, #tpu.memory_space<vmem>>)
      %dma_wait3A_317 = arith.constant 7 : i32
      %dma_wait3A_318 = arith.constant 700 : i32
      %dma_wait3A_319 = arith.constant 0 : i32
      %dma_wait3A_320 = tpu.memref_slice %arg10[%rem3A_225, %dma_wait3A_318, %dma_wait3A_319] : memref<2x800x32xf32, #tpu.memory_space<vmem>> -> memref<1x100x32xf32, #tpu.memory_space<vmem>>
      %dma_wait3A_321 = tpu.memref_squeeze %dma_wait3A_320 : memref<1x100x32xf32, #tpu.memory_space<vmem>> -> memref<100x32xf32, #tpu.memory_space<vmem>>
      %dma_wait3A_322 = arith.constant 0 : i32
      %dma_wait3A_323 = tpu.memref_slice %arg9[%scan3A_223, %dma_wait3A_317, %dma_wait3A_322] : memref<32x8x100xi32, #tpu.memory_space<vmem>> -> memref<1x1x100xi32, #tpu.memory_space<vmem>>
      %dma_wait3A_324 = tpu.memref_squeeze %dma_wait3A_323 : memref<1x1x100xi32, #tpu.memory_space<vmem>> -> memref<100xi32, #tpu.memory_space<vmem>>
      %dma_wait3A_325 = arith.constant 0 : i32
      %dma_wait3A_326 = arith.constant 0 : i32
      %dma_wait3A_327 = tpu.memref_slice %arg4[%dma_wait3A_325, %dma_wait3A_326] : memref<1000000x32xf32, #tpu.memory_space<hbm>> -> memref<1000000x32xf32, #tpu.memory_space<hbm>>
      %dma_wait3A_328 = tpu.memref_slice %arg14[%rem3A_225] : memref<2x!tpu.dma_semaphore, #tpu.memory_space<semaphore_mem>> -> memref<1x!tpu.dma_semaphore, #tpu.memory_space<semaphore_mem>>
      %dma_wait3A_329 = tpu.memref_squeeze %dma_wait3A_328 : memref<1x!tpu.dma_semaphore, #tpu.memory_space<semaphore_mem>> -> memref<!tpu.dma_semaphore, #tpu.memory_space<semaphore_mem>>
      tpu.wait_indirect_dma semaphore(%dma_wait3A_329 : memref<!tpu.dma_semaphore, #tpu.memory_space<semaphore_mem>>) src(%dma_wait3A_327 : memref<1000000x32xf32, #tpu.memory_space<hbm>>) dst(%dma_wait3A_321 : memref<100x32xf32, #tpu.memory_space<vmem>>)
      %lt3A = arith.constant 31 : i32
      %lt3A_330 = arith.cmpi slt, %scan3A_223, %lt3A : i32
      %convert_element_type3A = arith.extui %lt3A_330 : i1 to i32
      %cond3A = arith.constant 0 : i32
      %cond3A_331 = arith.cmpi ne, %convert_element_type3A, %cond3A : i32
      scf.if %cond3A_331 {
        %add3A_335 = arith.constant 1 : i32
        %add3A_336 = arith.addi %scan3A_223, %add3A_335 : i32
        %sub3A = arith.constant 1 : i32
        %sub3A_337 = arith.subi %sub3A, %rem3A_225 : i32
        %dma_start3A_338 = arith.constant 0 : i32
        %dma_start3A_339 = arith.constant 0 : i32
        %dma_start3A_340 = arith.constant 0 : i32
        %dma_start3A_341 = tpu.memref_slice %arg10[%sub3A_337, %dma_start3A_339, %dma_start3A_340] : memref<2x800x32xf32, #tpu.memory_space<vmem>> -> memref<1x100x32xf32, #tpu.memory_space<vmem>>
        %dma_start3A_342 = tpu.memref_squeeze %dma_start3A_341 : memref<1x100x32xf32, #tpu.memory_space<vmem>> -> memref<100x32xf32, #tpu.memory_space<vmem>>
        %dma_start3A_343 = arith.constant 0 : i32
        %dma_start3A_344 = tpu.memref_slice %arg9[%add3A_336, %dma_start3A_338, %dma_start3A_343] : memref<32x8x100xi32, #tpu.memory_space<vmem>> -> memref<1x1x100xi32, #tpu.memory_space<vmem>>
        %dma_start3A_345 = tpu.memref_squeeze %dma_start3A_344 : memref<1x1x100xi32, #tpu.memory_space<vmem>> -> memref<100xi32, #tpu.memory_space<vmem>>
        %dma_start3A_346 = arith.constant 0 : i32
        %dma_start3A_347 = arith.constant 0 : i32
        %dma_start3A_348 = tpu.memref_slice %arg4[%dma_start3A_346, %dma_start3A_347] : memref<1000000x32xf32, #tpu.memory_space<hbm>> -> memref<1000000x32xf32, #tpu.memory_space<hbm>>
        %dma_start3A_349 = tpu.memref_slice %arg14[%sub3A_337] : memref<2x!tpu.dma_semaphore, #tpu.memory_space<semaphore_mem>> -> memref<1x!tpu.dma_semaphore, #tpu.memory_space<semaphore_mem>>
        %dma_start3A_350 = tpu.memref_squeeze %dma_start3A_349 : memref<1x!tpu.dma_semaphore, #tpu.memory_space<semaphore_mem>> -> memref<!tpu.dma_semaphore, #tpu.memory_space<semaphore_mem>>
        tpu.enqueue_indirect_dma source(%dma_start3A_348 : memref<1000000x32xf32, #tpu.memory_space<hbm>>) target(%dma_start3A_342 : memref<100x32xf32, #tpu.memory_space<vmem>>) offsets(%dma_start3A_345 : memref<100xi32, #tpu.memory_space<vmem>>) semaphore(%dma_start3A_350 : memref<!tpu.dma_semaphore, #tpu.memory_space<semaphore_mem>>)
        %dma_start3A_351 = arith.constant 1 : i32
        %dma_start3A_352 = arith.constant 100 : i32
        %dma_start3A_353 = arith.constant 0 : i32
        %dma_start3A_354 = tpu.memref_slice %arg10[%sub3A_337, %dma_start3A_352, %dma_start3A_353] : memref<2x800x32xf32, #tpu.memory_space<vmem>> -> memref<1x100x32xf32, #tpu.memory_space<vmem>>
        %dma_start3A_355 = tpu.memref_squeeze %dma_start3A_354 : memref<1x100x32xf32, #tpu.memory_space<vmem>> -> memref<100x32xf32, #tpu.memory_space<vmem>>
        %dma_start3A_356 = arith.constant 0 : i32
        %dma_start3A_357 = tpu.memref_slice %arg9[%add3A_336, %dma_start3A_351, %dma_start3A_356] : memref<32x8x100xi32, #tpu.memory_space<vmem>> -> memref<1x1x100xi32, #tpu.memory_space<vmem>>
        %dma_start3A_358 = tpu.memref_squeeze %dma_start3A_357 : memref<1x1x100xi32, #tpu.memory_space<vmem>> -> memref<100xi32, #tpu.memory_space<vmem>>
        %dma_start3A_359 = arith.constant 0 : i32
        %dma_start3A_360 = arith.constant 0 : i32
        %dma_start3A_361 = tpu.memref_slice %arg4[%dma_start3A_359, %dma_start3A_360] : memref<1000000x32xf32, #tpu.memory_space<hbm>> -> memref<1000000x32xf32, #tpu.memory_space<hbm>>
        %dma_start3A_362 = tpu.memref_slice %arg14[%sub3A_337] : memref<2x!tpu.dma_semaphore, #tpu.memory_space<semaphore_mem>> -> memref<1x!tpu.dma_semaphore, #tpu.memory_space<semaphore_mem>>
        %dma_start3A_363 = tpu.memref_squeeze %dma_start3A_362 : memref<1x!tpu.dma_semaphore, #tpu.memory_space<semaphore_mem>> -> memref<!tpu.dma_semaphore, #tpu.memory_space<semaphore_mem>>
        tpu.enqueue_indirect_dma source(%dma_start3A_361 : memref<1000000x32xf32, #tpu.memory_space<hbm>>) target(%dma_start3A_355 : memref<100x32xf32, #tpu.memory_space<vmem>>) offsets(%dma_start3A_358 : memref<100xi32, #tpu.memory_space<vmem>>) semaphore(%dma_start3A_363 : memref<!tpu.dma_semaphore, #tpu.memory_space<semaphore_mem>>)
        %dma_start3A_364 = arith.constant 2 : i32
        %dma_start3A_365 = arith.constant 200 : i32
        %dma_start3A_366 = arith.constant 0 : i32
        %dma_start3A_367 = tpu.memref_slice %arg10[%sub3A_337, %dma_start3A_365, %dma_start3A_366] : memref<2x800x32xf32, #tpu.memory_space<vmem>> -> memref<1x100x32xf32, #tpu.memory_space<vmem>>
        %dma_start3A_368 = tpu.memref_squeeze %dma_start3A_367 : memref<1x100x32xf32, #tpu.memory_space<vmem>> -> memref<100x32xf32, #tpu.memory_space<vmem>>
        %dma_start3A_369 = arith.constant 0 : i32
        %dma_start3A_370 = tpu.memref_slice %arg9[%add3A_336, %dma_start3A_364, %dma_start3A_369] : memref<32x8x100xi32, #tpu.memory_space<vmem>> -> memref<1x1x100xi32, #tpu.memory_space<vmem>>
        %dma_start3A_371 = tpu.memref_squeeze %dma_start3A_370 : memref<1x1x100xi32, #tpu.memory_space<vmem>> -> memref<100xi32, #tpu.memory_space<vmem>>
        %dma_start3A_372 = arith.constant 0 : i32
        %dma_start3A_373 = arith.constant 0 : i32
        %dma_start3A_374 = tpu.memref_slice %arg4[%dma_start3A_372, %dma_start3A_373] : memref<1000000x32xf32, #tpu.memory_space<hbm>> -> memref<1000000x32xf32, #tpu.memory_space<hbm>>
        %dma_start3A_375 = tpu.memref_slice %arg14[%sub3A_337] : memref<2x!tpu.dma_semaphore, #tpu.memory_space<semaphore_mem>> -> memref<1x!tpu.dma_semaphore, #tpu.memory_space<semaphore_mem>>
        %dma_start3A_376 = tpu.memref_squeeze %dma_start3A_375 : memref<1x!tpu.dma_semaphore, #tpu.memory_space<semaphore_mem>> -> memref<!tpu.dma_semaphore, #tpu.memory_space<semaphore_mem>>
        tpu.enqueue_indirect_dma source(%dma_start3A_374 : memref<1000000x32xf32, #tpu.memory_space<hbm>>) target(%dma_start3A_368 : memref<100x32xf32, #tpu.memory_space<vmem>>) offsets(%dma_start3A_371 : memref<100xi32, #tpu.memory_space<vmem>>) semaphore(%dma_start3A_376 : memref<!tpu.dma_semaphore, #tpu.memory_space<semaphore_mem>>)
        %dma_start3A_377 = arith.constant 3 : i32
        %dma_start3A_378 = arith.constant 300 : i32
        %dma_start3A_379 = arith.constant 0 : i32
        %dma_start3A_380 = tpu.memref_slice %arg10[%sub3A_337, %dma_start3A_378, %dma_start3A_379] : memref<2x800x32xf32, #tpu.memory_space<vmem>> -> memref<1x100x32xf32, #tpu.memory_space<vmem>>
        %dma_start3A_381 = tpu.memref_squeeze %dma_start3A_380 : memref<1x100x32xf32, #tpu.memory_space<vmem>> -> memref<100x32xf32, #tpu.memory_space<vmem>>
        %dma_start3A_382 = arith.constant 0 : i32
        %dma_start3A_383 = tpu.memref_slice %arg9[%add3A_336, %dma_start3A_377, %dma_start3A_382] : memref<32x8x100xi32, #tpu.memory_space<vmem>> -> memref<1x1x100xi32, #tpu.memory_space<vmem>>
        %dma_start3A_384 = tpu.memref_squeeze %dma_start3A_383 : memref<1x1x100xi32, #tpu.memory_space<vmem>> -> memref<100xi32, #tpu.memory_space<vmem>>
        %dma_start3A_385 = arith.constant 0 : i32
        %dma_start3A_386 = arith.constant 0 : i32
        %dma_start3A_387 = tpu.memref_slice %arg4[%dma_start3A_385, %dma_start3A_386] : memref<1000000x32xf32, #tpu.memory_space<hbm>> -> memref<1000000x32xf32, #tpu.memory_space<hbm>>
        %dma_start3A_388 = tpu.memref_slice %arg14[%sub3A_337] : memref<2x!tpu.dma_semaphore, #tpu.memory_space<semaphore_mem>> -> memref<1x!tpu.dma_semaphore, #tpu.memory_space<semaphore_mem>>
        %dma_start3A_389 = tpu.memref_squeeze %dma_start3A_388 : memref<1x!tpu.dma_semaphore, #tpu.memory_space<semaphore_mem>> -> memref<!tpu.dma_semaphore, #tpu.memory_space<semaphore_mem>>
        tpu.enqueue_indirect_dma source(%dma_start3A_387 : memref<1000000x32xf32, #tpu.memory_space<hbm>>) target(%dma_start3A_381 : memref<100x32xf32, #tpu.memory_space<vmem>>) offsets(%dma_start3A_384 : memref<100xi32, #tpu.memory_space<vmem>>) semaphore(%dma_start3A_389 : memref<!tpu.dma_semaphore, #tpu.memory_space<semaphore_mem>>)
        %dma_start3A_390 = arith.constant 4 : i32
        %dma_start3A_391 = arith.constant 400 : i32
        %dma_start3A_392 = arith.constant 0 : i32
        %dma_start3A_393 = tpu.memref_slice %arg10[%sub3A_337, %dma_start3A_391, %dma_start3A_392] : memref<2x800x32xf32, #tpu.memory_space<vmem>> -> memref<1x100x32xf32, #tpu.memory_space<vmem>>
        %dma_start3A_394 = tpu.memref_squeeze %dma_start3A_393 : memref<1x100x32xf32, #tpu.memory_space<vmem>> -> memref<100x32xf32, #tpu.memory_space<vmem>>
        %dma_start3A_395 = arith.constant 0 : i32
        %dma_start3A_396 = tpu.memref_slice %arg9[%add3A_336, %dma_start3A_390, %dma_start3A_395] : memref<32x8x100xi32, #tpu.memory_space<vmem>> -> memref<1x1x100xi32, #tpu.memory_space<vmem>>
        %dma_start3A_397 = tpu.memref_squeeze %dma_start3A_396 : memref<1x1x100xi32, #tpu.memory_space<vmem>> -> memref<100xi32, #tpu.memory_space<vmem>>
        %dma_start3A_398 = arith.constant 0 : i32
        %dma_start3A_399 = arith.constant 0 : i32
        %dma_start3A_400 = tpu.memref_slice %arg4[%dma_start3A_398, %dma_start3A_399] : memref<1000000x32xf32, #tpu.memory_space<hbm>> -> memref<1000000x32xf32, #tpu.memory_space<hbm>>
        %dma_start3A_401 = tpu.memref_slice %arg14[%sub3A_337] : memref<2x!tpu.dma_semaphore, #tpu.memory_space<semaphore_mem>> -> memref<1x!tpu.dma_semaphore, #tpu.memory_space<semaphore_mem>>
        %dma_start3A_402 = tpu.memref_squeeze %dma_start3A_401 : memref<1x!tpu.dma_semaphore, #tpu.memory_space<semaphore_mem>> -> memref<!tpu.dma_semaphore, #tpu.memory_space<semaphore_mem>>
        tpu.enqueue_indirect_dma source(%dma_start3A_400 : memref<1000000x32xf32, #tpu.memory_space<hbm>>) target(%dma_start3A_394 : memref<100x32xf32, #tpu.memory_space<vmem>>) offsets(%dma_start3A_397 : memref<100xi32, #tpu.memory_space<vmem>>) semaphore(%dma_start3A_402 : memref<!tpu.dma_semaphore, #tpu.memory_space<semaphore_mem>>)
        %dma_start3A_403 = arith.constant 5 : i32
        %dma_start3A_404 = arith.constant 500 : i32
        %dma_start3A_405 = arith.constant 0 : i32
        %dma_start3A_406 = tpu.memref_slice %arg10[%sub3A_337, %dma_start3A_404, %dma_start3A_405] : memref<2x800x32xf32, #tpu.memory_space<vmem>> -> memref<1x100x32xf32, #tpu.memory_space<vmem>>
        %dma_start3A_407 = tpu.memref_squeeze %dma_start3A_406 : memref<1x100x32xf32, #tpu.memory_space<vmem>> -> memref<100x32xf32, #tpu.memory_space<vmem>>
        %dma_start3A_408 = arith.constant 0 : i32
        %dma_start3A_409 = tpu.memref_slice %arg9[%add3A_336, %dma_start3A_403, %dma_start3A_408] : memref<32x8x100xi32, #tpu.memory_space<vmem>> -> memref<1x1x100xi32, #tpu.memory_space<vmem>>
        %dma_start3A_410 = tpu.memref_squeeze %dma_start3A_409 : memref<1x1x100xi32, #tpu.memory_space<vmem>> -> memref<100xi32, #tpu.memory_space<vmem>>
        %dma_start3A_411 = arith.constant 0 : i32
        %dma_start3A_412 = arith.constant 0 : i32
        %dma_start3A_413 = tpu.memref_slice %arg4[%dma_start3A_411, %dma_start3A_412] : memref<1000000x32xf32, #tpu.memory_space<hbm>> -> memref<1000000x32xf32, #tpu.memory_space<hbm>>
        %dma_start3A_414 = tpu.memref_slice %arg14[%sub3A_337] : memref<2x!tpu.dma_semaphore, #tpu.memory_space<semaphore_mem>> -> memref<1x!tpu.dma_semaphore, #tpu.memory_space<semaphore_mem>>
        %dma_start3A_415 = tpu.memref_squeeze %dma_start3A_414 : memref<1x!tpu.dma_semaphore, #tpu.memory_space<semaphore_mem>> -> memref<!tpu.dma_semaphore, #tpu.memory_space<semaphore_mem>>
        tpu.enqueue_indirect_dma source(%dma_start3A_413 : memref<1000000x32xf32, #tpu.memory_space<hbm>>) target(%dma_start3A_407 : memref<100x32xf32, #tpu.memory_space<vmem>>) offsets(%dma_start3A_410 : memref<100xi32, #tpu.memory_space<vmem>>) semaphore(%dma_start3A_415 : memref<!tpu.dma_semaphore, #tpu.memory_space<semaphore_mem>>)
        %dma_start3A_416 = arith.constant 6 : i32
        %dma_start3A_417 = arith.constant 600 : i32
        %dma_start3A_418 = arith.constant 0 : i32
        %dma_start3A_419 = tpu.memref_slice %arg10[%sub3A_337, %dma_start3A_417, %dma_start3A_418] : memref<2x800x32xf32, #tpu.memory_space<vmem>> -> memref<1x100x32xf32, #tpu.memory_space<vmem>>
        %dma_start3A_420 = tpu.memref_squeeze %dma_start3A_419 : memref<1x100x32xf32, #tpu.memory_space<vmem>> -> memref<100x32xf32, #tpu.memory_space<vmem>>
        %dma_start3A_421 = arith.constant 0 : i32
        %dma_start3A_422 = tpu.memref_slice %arg9[%add3A_336, %dma_start3A_416, %dma_start3A_421] : memref<32x8x100xi32, #tpu.memory_space<vmem>> -> memref<1x1x100xi32, #tpu.memory_space<vmem>>
        %dma_start3A_423 = tpu.memref_squeeze %dma_start3A_422 : memref<1x1x100xi32, #tpu.memory_space<vmem>> -> memref<100xi32, #tpu.memory_space<vmem>>
        %dma_start3A_424 = arith.constant 0 : i32
        %dma_start3A_425 = arith.constant 0 : i32
        %dma_start3A_426 = tpu.memref_slice %arg4[%dma_start3A_424, %dma_start3A_425] : memref<1000000x32xf32, #tpu.memory_space<hbm>> -> memref<1000000x32xf32, #tpu.memory_space<hbm>>
        %dma_start3A_427 = tpu.memref_slice %arg14[%sub3A_337] : memref<2x!tpu.dma_semaphore, #tpu.memory_space<semaphore_mem>> -> memref<1x!tpu.dma_semaphore, #tpu.memory_space<semaphore_mem>>
        %dma_start3A_428 = tpu.memref_squeeze %dma_start3A_427 : memref<1x!tpu.dma_semaphore, #tpu.memory_space<semaphore_mem>> -> memref<!tpu.dma_semaphore, #tpu.memory_space<semaphore_mem>>
        tpu.enqueue_indirect_dma source(%dma_start3A_426 : memref<1000000x32xf32, #tpu.memory_space<hbm>>) target(%dma_start3A_420 : memref<100x32xf32, #tpu.memory_space<vmem>>) offsets(%dma_start3A_423 : memref<100xi32, #tpu.memory_space<vmem>>) semaphore(%dma_start3A_428 : memref<!tpu.dma_semaphore, #tpu.memory_space<semaphore_mem>>)
        %dma_start3A_429 = arith.constant 7 : i32
        %dma_start3A_430 = arith.constant 700 : i32
        %dma_start3A_431 = arith.constant 0 : i32
        %dma_start3A_432 = tpu.memref_slice %arg10[%sub3A_337, %dma_start3A_430, %dma_start3A_431] : memref<2x800x32xf32, #tpu.memory_space<vmem>> -> memref<1x100x32xf32, #tpu.memory_space<vmem>>
        %dma_start3A_433 = tpu.memref_squeeze %dma_start3A_432 : memref<1x100x32xf32, #tpu.memory_space<vmem>> -> memref<100x32xf32, #tpu.memory_space<vmem>>
        %dma_start3A_434 = arith.constant 0 : i32
        %dma_start3A_435 = tpu.memref_slice %arg9[%add3A_336, %dma_start3A_429, %dma_start3A_434] : memref<32x8x100xi32, #tpu.memory_space<vmem>> -> memref<1x1x100xi32, #tpu.memory_space<vmem>>
        %dma_start3A_436 = tpu.memref_squeeze %dma_start3A_435 : memref<1x1x100xi32, #tpu.memory_space<vmem>> -> memref<100xi32, #tpu.memory_space<vmem>>
        %dma_start3A_437 = arith.constant 0 : i32
        %dma_start3A_438 = arith.constant 0 : i32
        %dma_start3A_439 = tpu.memref_slice %arg4[%dma_start3A_437, %dma_start3A_438] : memref<1000000x32xf32, #tpu.memory_space<hbm>> -> memref<1000000x32xf32, #tpu.memory_space<hbm>>
        %dma_start3A_440 = tpu.memref_slice %arg14[%sub3A_337] : memref<2x!tpu.dma_semaphore, #tpu.memory_space<semaphore_mem>> -> memref<1x!tpu.dma_semaphore, #tpu.memory_space<semaphore_mem>>
        %dma_start3A_441 = tpu.memref_squeeze %dma_start3A_440 : memref<1x!tpu.dma_semaphore, #tpu.memory_space<semaphore_mem>> -> memref<!tpu.dma_semaphore, #tpu.memory_space<semaphore_mem>>
        tpu.enqueue_indirect_dma source(%dma_start3A_439 : memref<1000000x32xf32, #tpu.memory_space<hbm>>) target(%dma_start3A_433 : memref<100x32xf32, #tpu.memory_space<vmem>>) offsets(%dma_start3A_436 : memref<100xi32, #tpu.memory_space<vmem>>) semaphore(%dma_start3A_441 : memref<!tpu.dma_semaphore, #tpu.memory_space<semaphore_mem>>)
      } else {
      }
      %parallel_loop3A = arith.constant 0 : i32
      %parallel_loop3A_332 = arith.constant 16 : i32
      %parallel_loop3A_333 = arith.constant 1 : i32
      scf.for %parallel_loop3A_335 = %parallel_loop3A to %parallel_loop3A_332 step %parallel_loop3A_333  : i32 {
        %parallel_loop3A_336 = arith.constant 50 : i32
        %parallel_loop3A_337 = arith.muli %parallel_loop3A_335, %parallel_loop3A_336 : i32
        %parallel_loop3A_338 = arith.constant 0 : i32
        %parallel_loop3A_339 = arith.addi %parallel_loop3A_337, %parallel_loop3A_338 : i32
        %parallel_loop3A_340 = arith.index_cast %rem3A_225 : i32 to index
        %parallel_loop3A_341 = arith.index_cast %parallel_loop3A_339 : i32 to index
        %parallel_loop3A_342 = arith.constant 0 : index
        %parallel_loop3A_343 = tpu.vector_load %arg10[%parallel_loop3A_340, %parallel_loop3A_341, %parallel_loop3A_342] {strides = array<i32>} : memref<2x800x32xf32, #tpu.memory_space<vmem>>, vector<16xf32>,
        %parallel_loop3A_344 = arith.constant 1 : i32
        %parallel_loop3A_345 = arith.addi %parallel_loop3A_337, %parallel_loop3A_344 : i32
        %parallel_loop3A_346 = arith.index_cast %rem3A_225 : i32 to index
        %parallel_loop3A_347 = arith.index_cast %parallel_loop3A_345 : i32 to index
        %parallel_loop3A_348 = arith.constant 0 : index
        %parallel_loop3A_349 = tpu.vector_load %arg10[%parallel_loop3A_346, %parallel_loop3A_347, %parallel_loop3A_348] {strides = array<i32>} : memref<2x800x32xf32, #tpu.memory_space<vmem>>, vector<16xf32>,
        %parallel_loop3A_350 = arith.constant 2 : i32
        %parallel_loop3A_351 = arith.addi %parallel_loop3A_337, %parallel_loop3A_350 : i32
        %parallel_loop3A_352 = arith.index_cast %rem3A_225 : i32 to index
        %parallel_loop3A_353 = arith.index_cast %parallel_loop3A_351 : i32 to index
        %parallel_loop3A_354 = arith.constant 0 : index
        %parallel_loop3A_355 = tpu.vector_load %arg10[%parallel_loop3A_352, %parallel_loop3A_353, %parallel_loop3A_354] {strides = array<i32>} : memref<2x800x32xf32, #tpu.memory_space<vmem>>, vector<16xf32>,
        %parallel_loop3A_356 = arith.constant 3 : i32
        %parallel_loop3A_357 = arith.addi %parallel_loop3A_337, %parallel_loop3A_356 : i32
        %parallel_loop3A_358 = arith.index_cast %rem3A_225 : i32 to index
        %parallel_loop3A_359 = arith.index_cast %parallel_loop3A_357 : i32 to index
        %parallel_loop3A_360 = arith.constant 0 : index
        %parallel_loop3A_361 = tpu.vector_load %arg10[%parallel_loop3A_358, %parallel_loop3A_359, %parallel_loop3A_360] {strides = array<i32>} : memref<2x800x32xf32, #tpu.memory_space<vmem>>, vector<16xf32>,
        %parallel_loop3A_362 = arith.constant 4 : i32
        %parallel_loop3A_363 = arith.addi %parallel_loop3A_337, %parallel_loop3A_362 : i32
        %parallel_loop3A_364 = arith.index_cast %rem3A_225 : i32 to index
        %parallel_loop3A_365 = arith.index_cast %parallel_loop3A_363 : i32 to index
        %parallel_loop3A_366 = arith.constant 0 : index
        %parallel_loop3A_367 = tpu.vector_load %arg10[%parallel_loop3A_364, %parallel_loop3A_365, %parallel_loop3A_366] {strides = array<i32>} : memref<2x800x32xf32, #tpu.memory_space<vmem>>, vector<16xf32>,
        %parallel_loop3A_368 = arith.constant 5 : i32
        %parallel_loop3A_369 = arith.addi %parallel_loop3A_337, %parallel_loop3A_368 : i32
        %parallel_loop3A_370 = arith.index_cast %rem3A_225 : i32 to index
        %parallel_loop3A_371 = arith.index_cast %parallel_loop3A_369 : i32 to index
        %parallel_loop3A_372 = arith.constant 0 : index
        %parallel_loop3A_373 = tpu.vector_load %arg10[%parallel_loop3A_370, %parallel_loop3A_371, %parallel_loop3A_372] {strides = array<i32>} : memref<2x800x32xf32, #tpu.memory_space<vmem>>, vector<16xf32>,
        %parallel_loop3A_374 = arith.constant 6 : i32
        %parallel_loop3A_375 = arith.addi %parallel_loop3A_337, %parallel_loop3A_374 : i32
        %parallel_loop3A_376 = arith.index_cast %rem3A_225 : i32 to index
        %parallel_loop3A_377 = arith.index_cast %parallel_loop3A_375 : i32 to index
        %parallel_loop3A_378 = arith.constant 0 : index
        %parallel_loop3A_379 = tpu.vector_load %arg10[%parallel_loop3A_376, %parallel_loop3A_377, %parallel_loop3A_378] {strides = array<i32>} : memref<2x800x32xf32, #tpu.memory_space<vmem>>, vector<16xf32>,
        %parallel_loop3A_380 = arith.constant 7 : i32
        %parallel_loop3A_381 = arith.addi %parallel_loop3A_337, %parallel_loop3A_380 : i32
        %parallel_loop3A_382 = arith.index_cast %rem3A_225 : i32 to index
        %parallel_loop3A_383 = arith.index_cast %parallel_loop3A_381 : i32 to index
        %parallel_loop3A_384 = arith.constant 0 : index
        %parallel_loop3A_385 = tpu.vector_load %arg10[%parallel_loop3A_382, %parallel_loop3A_383, %parallel_loop3A_384] {strides = array<i32>} : memref<2x800x32xf32, #tpu.memory_space<vmem>>, vector<16xf32>,
        %parallel_loop3A_386 = arith.constant 8 : i32
        %parallel_loop3A_387 = arith.addi %parallel_loop3A_337, %parallel_loop3A_386 : i32
        %parallel_loop3A_388 = arith.index_cast %rem3A_225 : i32 to index
        %parallel_loop3A_389 = arith.index_cast %parallel_loop3A_387 : i32 to index
        %parallel_loop3A_390 = arith.constant 0 : index
        %parallel_loop3A_391 = tpu.vector_load %arg10[%parallel_loop3A_388, %parallel_loop3A_389, %parallel_loop3A_390] {strides = array<i32>} : memref<2x800x32xf32, #tpu.memory_space<vmem>>, vector<16xf32>,
        %parallel_loop3A_392 = arith.constant 9 : i32
        %parallel_loop3A_393 = arith.addi %parallel_loop3A_337, %parallel_loop3A_392 : i32
        %parallel_loop3A_394 = arith.index_cast %rem3A_225 : i32 to index
        %parallel_loop3A_395 = arith.index_cast %parallel_loop3A_393 : i32 to index
        %parallel_loop3A_396 = arith.constant 0 : index
        %parallel_loop3A_397 = tpu.vector_load %arg10[%parallel_loop3A_394, %parallel_loop3A_395, %parallel_loop3A_396] {strides = array<i32>} : memref<2x800x32xf32, #tpu.memory_space<vmem>>, vector<16xf32>,
        %parallel_loop3A_398 = arith.constant 10 : i32
        %parallel_loop3A_399 = arith.addi %parallel_loop3A_337, %parallel_loop3A_398 : i32
        %parallel_loop3A_400 = arith.index_cast %rem3A_225 : i32 to index
        %parallel_loop3A_401 = arith.index_cast %parallel_loop3A_399 : i32 to index
        %parallel_loop3A_402 = arith.constant 0 : index
        %parallel_loop3A_403 = tpu.vector_load %arg10[%parallel_loop3A_400, %parallel_loop3A_401, %parallel_loop3A_402] {strides = array<i32>} : memref<2x800x32xf32, #tpu.memory_space<vmem>>, vector<16xf32>,
        %parallel_loop3A_404 = arith.constant 11 : i32
        %parallel_loop3A_405 = arith.addi %parallel_loop3A_337, %parallel_loop3A_404 : i32
        %parallel_loop3A_406 = arith.index_cast %rem3A_225 : i32 to index
        %parallel_loop3A_407 = arith.index_cast %parallel_loop3A_405 : i32 to index
        %parallel_loop3A_408 = arith.constant 0 : index
        %parallel_loop3A_409 = tpu.vector_load %arg10[%parallel_loop3A_406, %parallel_loop3A_407, %parallel_loop3A_408] {strides = array<i32>} : memref<2x800x32xf32, #tpu.memory_space<vmem>>, vector<16xf32>,
        %parallel_loop3A_410 = arith.constant 12 : i32
        %parallel_loop3A_411 = arith.addi %parallel_loop3A_337, %parallel_loop3A_410 : i32
        %parallel_loop3A_412 = arith.index_cast %rem3A_225 : i32 to index
        %parallel_loop3A_413 = arith.index_cast %parallel_loop3A_411 : i32 to index
        %parallel_loop3A_414 = arith.constant 0 : index
        %parallel_loop3A_415 = tpu.vector_load %arg10[%parallel_loop3A_412, %parallel_loop3A_413, %parallel_loop3A_414] {strides = array<i32>} : memref<2x800x32xf32, #tpu.memory_space<vmem>>, vector<16xf32>,
        %parallel_loop3A_416 = arith.constant 13 : i32
        %parallel_loop3A_417 = arith.addi %parallel_loop3A_337, %parallel_loop3A_416 : i32
        %parallel_loop3A_418 = arith.index_cast %rem3A_225 : i32 to index
        %parallel_loop3A_419 = arith.index_cast %parallel_loop3A_417 : i32 to index
        %parallel_loop3A_420 = arith.constant 0 : index
        %parallel_loop3A_421 = tpu.vector_load %arg10[%parallel_loop3A_418, %parallel_loop3A_419, %parallel_loop3A_420] {strides = array<i32>} : memref<2x800x32xf32, #tpu.memory_space<vmem>>, vector<16xf32>,
        %parallel_loop3A_422 = arith.constant 14 : i32
        %parallel_loop3A_423 = arith.addi %parallel_loop3A_337, %parallel_loop3A_422 : i32
        %parallel_loop3A_424 = arith.index_cast %rem3A_225 : i32 to index
        %parallel_loop3A_425 = arith.index_cast %parallel_loop3A_423 : i32 to index
        %parallel_loop3A_426 = arith.constant 0 : index
        %parallel_loop3A_427 = tpu.vector_load %arg10[%parallel_loop3A_424, %parallel_loop3A_425, %parallel_loop3A_426] {strides = array<i32>} : memref<2x800x32xf32, #tpu.memory_space<vmem>>, vector<16xf32>,
        %parallel_loop3A_428 = arith.constant 15 : i32
        %parallel_loop3A_429 = arith.addi %parallel_loop3A_337, %parallel_loop3A_428 : i32
        %parallel_loop3A_430 = arith.index_cast %rem3A_225 : i32 to index
        %parallel_loop3A_431 = arith.index_cast %parallel_loop3A_429 : i32 to index
        %parallel_loop3A_432 = arith.constant 0 : index
        %parallel_loop3A_433 = tpu.vector_load %arg10[%parallel_loop3A_430, %parallel_loop3A_431, %parallel_loop3A_432] {strides = array<i32>} : memref<2x800x32xf32, #tpu.memory_space<vmem>>, vector<16xf32>,
        %parallel_loop3A_434 = arith.constant 16 : i32
        %parallel_loop3A_435 = arith.addi %parallel_loop3A_337, %parallel_loop3A_434 : i32
        %parallel_loop3A_436 = arith.index_cast %rem3A_225 : i32 to index
        %parallel_loop3A_437 = arith.index_cast %parallel_loop3A_435 : i32 to index
        %parallel_loop3A_438 = arith.constant 0 : index
        %parallel_loop3A_439 = tpu.vector_load %arg10[%parallel_loop3A_436, %parallel_loop3A_437, %parallel_loop3A_438] {strides = array<i32>} : memref<2x800x32xf32, #tpu.memory_space<vmem>>, vector<16xf32>,
        %parallel_loop3A_440 = arith.constant 17 : i32
        %parallel_loop3A_441 = arith.addi %parallel_loop3A_337, %parallel_loop3A_440 : i32
        %parallel_loop3A_442 = arith.index_cast %rem3A_225 : i32 to index
        %parallel_loop3A_443 = arith.index_cast %parallel_loop3A_441 : i32 to index
        %parallel_loop3A_444 = arith.constant 0 : index
        %parallel_loop3A_445 = tpu.vector_load %arg10[%parallel_loop3A_442, %parallel_loop3A_443, %parallel_loop3A_444] {strides = array<i32>} : memref<2x800x32xf32, #tpu.memory_space<vmem>>, vector<16xf32>,
        %parallel_loop3A_446 = arith.constant 18 : i32
        %parallel_loop3A_447 = arith.addi %parallel_loop3A_337, %parallel_loop3A_446 : i32
        %parallel_loop3A_448 = arith.index_cast %rem3A_225 : i32 to index
        %parallel_loop3A_449 = arith.index_cast %parallel_loop3A_447 : i32 to index
        %parallel_loop3A_450 = arith.constant 0 : index
        %parallel_loop3A_451 = tpu.vector_load %arg10[%parallel_loop3A_448, %parallel_loop3A_449, %parallel_loop3A_450] {strides = array<i32>} : memref<2x800x32xf32, #tpu.memory_space<vmem>>, vector<16xf32>,
        %parallel_loop3A_452 = arith.constant 19 : i32
        %parallel_loop3A_453 = arith.addi %parallel_loop3A_337, %parallel_loop3A_452 : i32
        %parallel_loop3A_454 = arith.index_cast %rem3A_225 : i32 to index
        %parallel_loop3A_455 = arith.index_cast %parallel_loop3A_453 : i32 to index
        %parallel_loop3A_456 = arith.constant 0 : index
        %parallel_loop3A_457 = tpu.vector_load %arg10[%parallel_loop3A_454, %parallel_loop3A_455, %parallel_loop3A_456] {strides = array<i32>} : memref<2x800x32xf32, #tpu.memory_space<vmem>>, vector<16xf32>,
        %parallel_loop3A_458 = arith.constant 20 : i32
        %parallel_loop3A_459 = arith.addi %parallel_loop3A_337, %parallel_loop3A_458 : i32
        %parallel_loop3A_460 = arith.index_cast %rem3A_225 : i32 to index
        %parallel_loop3A_461 = arith.index_cast %parallel_loop3A_459 : i32 to index
        %parallel_loop3A_462 = arith.constant 0 : index
        %parallel_loop3A_463 = tpu.vector_load %arg10[%parallel_loop3A_460, %parallel_loop3A_461, %parallel_loop3A_462] {strides = array<i32>} : memref<2x800x32xf32, #tpu.memory_space<vmem>>, vector<16xf32>,
        %parallel_loop3A_464 = arith.constant 21 : i32
        %parallel_loop3A_465 = arith.addi %parallel_loop3A_337, %parallel_loop3A_464 : i32
        %parallel_loop3A_466 = arith.index_cast %rem3A_225 : i32 to index
        %parallel_loop3A_467 = arith.index_cast %parallel_loop3A_465 : i32 to index
        %parallel_loop3A_468 = arith.constant 0 : index
        %parallel_loop3A_469 = tpu.vector_load %arg10[%parallel_loop3A_466, %parallel_loop3A_467, %parallel_loop3A_468] {strides = array<i32>} : memref<2x800x32xf32, #tpu.memory_space<vmem>>, vector<16xf32>,
        %parallel_loop3A_470 = arith.constant 22 : i32
        %parallel_loop3A_471 = arith.addi %parallel_loop3A_337, %parallel_loop3A_470 : i32
        %parallel_loop3A_472 = arith.index_cast %rem3A_225 : i32 to index
        %parallel_loop3A_473 = arith.index_cast %parallel_loop3A_471 : i32 to index
        %parallel_loop3A_474 = arith.constant 0 : index
        %parallel_loop3A_475 = tpu.vector_load %arg10[%parallel_loop3A_472, %parallel_loop3A_473, %parallel_loop3A_474] {strides = array<i32>} : memref<2x800x32xf32, #tpu.memory_space<vmem>>, vector<16xf32>,
        %parallel_loop3A_476 = arith.constant 23 : i32
        %parallel_loop3A_477 = arith.addi %parallel_loop3A_337, %parallel_loop3A_476 : i32
        %parallel_loop3A_478 = arith.index_cast %rem3A_225 : i32 to index
        %parallel_loop3A_479 = arith.index_cast %parallel_loop3A_477 : i32 to index
        %parallel_loop3A_480 = arith.constant 0 : index
        %parallel_loop3A_481 = tpu.vector_load %arg10[%parallel_loop3A_478, %parallel_loop3A_479, %parallel_loop3A_480] {strides = array<i32>} : memref<2x800x32xf32, #tpu.memory_space<vmem>>, vector<16xf32>,
        %parallel_loop3A_482 = arith.constant 24 : i32
        %parallel_loop3A_483 = arith.addi %parallel_loop3A_337, %parallel_loop3A_482 : i32
        %parallel_loop3A_484 = arith.index_cast %rem3A_225 : i32 to index
        %parallel_loop3A_485 = arith.index_cast %parallel_loop3A_483 : i32 to index
        %parallel_loop3A_486 = arith.constant 0 : index
        %parallel_loop3A_487 = tpu.vector_load %arg10[%parallel_loop3A_484, %parallel_loop3A_485, %parallel_loop3A_486] {strides = array<i32>} : memref<2x800x32xf32, #tpu.memory_space<vmem>>, vector<16xf32>,
        %parallel_loop3A_488 = arith.constant 25 : i32
        %parallel_loop3A_489 = arith.addi %parallel_loop3A_337, %parallel_loop3A_488 : i32
        %parallel_loop3A_490 = arith.index_cast %rem3A_225 : i32 to index
        %parallel_loop3A_491 = arith.index_cast %parallel_loop3A_489 : i32 to index
        %parallel_loop3A_492 = arith.constant 0 : index
        %parallel_loop3A_493 = tpu.vector_load %arg10[%parallel_loop3A_490, %parallel_loop3A_491, %parallel_loop3A_492] {strides = array<i32>} : memref<2x800x32xf32, #tpu.memory_space<vmem>>, vector<16xf32>,
        %parallel_loop3A_494 = arith.constant 26 : i32
        %parallel_loop3A_495 = arith.addi %parallel_loop3A_337, %parallel_loop3A_494 : i32
        %parallel_loop3A_496 = arith.index_cast %rem3A_225 : i32 to index
        %parallel_loop3A_497 = arith.index_cast %parallel_loop3A_495 : i32 to index
        %parallel_loop3A_498 = arith.constant 0 : index
        %parallel_loop3A_499 = tpu.vector_load %arg10[%parallel_loop3A_496, %parallel_loop3A_497, %parallel_loop3A_498] {strides = array<i32>} : memref<2x800x32xf32, #tpu.memory_space<vmem>>, vector<16xf32>,
        %parallel_loop3A_500 = arith.constant 27 : i32
        %parallel_loop3A_501 = arith.addi %parallel_loop3A_337, %parallel_loop3A_500 : i32
        %parallel_loop3A_502 = arith.index_cast %rem3A_225 : i32 to index
        %parallel_loop3A_503 = arith.index_cast %parallel_loop3A_501 : i32 to index
        %parallel_loop3A_504 = arith.constant 0 : index
        %parallel_loop3A_505 = tpu.vector_load %arg10[%parallel_loop3A_502, %parallel_loop3A_503, %parallel_loop3A_504] {strides = array<i32>} : memref<2x800x32xf32, #tpu.memory_space<vmem>>, vector<16xf32>,
        %parallel_loop3A_506 = arith.constant 28 : i32
        %parallel_loop3A_507 = arith.addi %parallel_loop3A_337, %parallel_loop3A_506 : i32
        %parallel_loop3A_508 = arith.index_cast %rem3A_225 : i32 to index
        %parallel_loop3A_509 = arith.index_cast %parallel_loop3A_507 : i32 to index
        %parallel_loop3A_510 = arith.constant 0 : index
        %parallel_loop3A_511 = tpu.vector_load %arg10[%parallel_loop3A_508, %parallel_loop3A_509, %parallel_loop3A_510] {strides = array<i32>} : memref<2x800x32xf32, #tpu.memory_space<vmem>>, vector<16xf32>,
        %parallel_loop3A_512 = arith.constant 29 : i32
        %parallel_loop3A_513 = arith.addi %parallel_loop3A_337, %parallel_loop3A_512 : i32
        %parallel_loop3A_514 = arith.index_cast %rem3A_225 : i32 to index
        %parallel_loop3A_515 = arith.index_cast %parallel_loop3A_513 : i32 to index
        %parallel_loop3A_516 = arith.constant 0 : index
        %parallel_loop3A_517 = tpu.vector_load %arg10[%parallel_loop3A_514, %parallel_loop3A_515, %parallel_loop3A_516] {strides = array<i32>} : memref<2x800x32xf32, #tpu.memory_space<vmem>>, vector<16xf32>,
        %parallel_loop3A_518 = arith.constant 30 : i32
        %parallel_loop3A_519 = arith.addi %parallel_loop3A_337, %parallel_loop3A_518 : i32
        %parallel_loop3A_520 = arith.index_cast %rem3A_225 : i32 to index
        %parallel_loop3A_521 = arith.index_cast %parallel_loop3A_519 : i32 to index
        %parallel_loop3A_522 = arith.constant 0 : index
        %parallel_loop3A_523 = tpu.vector_load %arg10[%parallel_loop3A_520, %parallel_loop3A_521, %parallel_loop3A_522] {strides = array<i32>} : memref<2x800x32xf32, #tpu.memory_space<vmem>>, vector<16xf32>,
        %parallel_loop3A_524 = arith.constant 31 : i32
        %parallel_loop3A_525 = arith.addi %parallel_loop3A_337, %parallel_loop3A_524 : i32
        %parallel_loop3A_526 = arith.index_cast %rem3A_225 : i32 to index
        %parallel_loop3A_527 = arith.index_cast %parallel_loop3A_525 : i32 to index
        %parallel_loop3A_528 = arith.constant 0 : index
        %parallel_loop3A_529 = tpu.vector_load %arg10[%parallel_loop3A_526, %parallel_loop3A_527, %parallel_loop3A_528] {strides = array<i32>} : memref<2x800x32xf32, #tpu.memory_space<vmem>>, vector<16xf32>,
        %parallel_loop3A_530 = arith.constant 32 : i32
        %parallel_loop3A_531 = arith.addi %parallel_loop3A_337, %parallel_loop3A_530 : i32
        %parallel_loop3A_532 = arith.index_cast %rem3A_225 : i32 to index
        %parallel_loop3A_533 = arith.index_cast %parallel_loop3A_531 : i32 to index
        %parallel_loop3A_534 = arith.constant 0 : index
        %parallel_loop3A_535 = tpu.vector_load %arg10[%parallel_loop3A_532, %parallel_loop3A_533, %parallel_loop3A_534] {strides = array<i32>} : memref<2x800x32xf32, #tpu.memory_space<vmem>>, vector<16xf32>,
        %parallel_loop3A_536 = arith.constant 33 : i32
        %parallel_loop3A_537 = arith.addi %parallel_loop3A_337, %parallel_loop3A_536 : i32
        %parallel_loop3A_538 = arith.index_cast %rem3A_225 : i32 to index
        %parallel_loop3A_539 = arith.index_cast %parallel_loop3A_537 : i32 to index
        %parallel_loop3A_540 = arith.constant 0 : index
        %parallel_loop3A_541 = tpu.vector_load %arg10[%parallel_loop3A_538, %parallel_loop3A_539, %parallel_loop3A_540] {strides = array<i32>} : memref<2x800x32xf32, #tpu.memory_space<vmem>>, vector<16xf32>,
        %parallel_loop3A_542 = arith.constant 34 : i32
        %parallel_loop3A_543 = arith.addi %parallel_loop3A_337, %parallel_loop3A_542 : i32
        %parallel_loop3A_544 = arith.index_cast %rem3A_225 : i32 to index
        %parallel_loop3A_545 = arith.index_cast %parallel_loop3A_543 : i32 to index
        %parallel_loop3A_546 = arith.constant 0 : index
        %parallel_loop3A_547 = tpu.vector_load %arg10[%parallel_loop3A_544, %parallel_loop3A_545, %parallel_loop3A_546] {strides = array<i32>} : memref<2x800x32xf32, #tpu.memory_space<vmem>>, vector<16xf32>,
        %parallel_loop3A_548 = arith.constant 35 : i32
        %parallel_loop3A_549 = arith.addi %parallel_loop3A_337, %parallel_loop3A_548 : i32
        %parallel_loop3A_550 = arith.index_cast %rem3A_225 : i32 to index
        %parallel_loop3A_551 = arith.index_cast %parallel_loop3A_549 : i32 to index
        %parallel_loop3A_552 = arith.constant 0 : index
        %parallel_loop3A_553 = tpu.vector_load %arg10[%parallel_loop3A_550, %parallel_loop3A_551, %parallel_loop3A_552] {strides = array<i32>} : memref<2x800x32xf32, #tpu.memory_space<vmem>>, vector<16xf32>,
        %parallel_loop3A_554 = arith.constant 36 : i32
        %parallel_loop3A_555 = arith.addi %parallel_loop3A_337, %parallel_loop3A_554 : i32
        %parallel_loop3A_556 = arith.index_cast %rem3A_225 : i32 to index
        %parallel_loop3A_557 = arith.index_cast %parallel_loop3A_555 : i32 to index
        %parallel_loop3A_558 = arith.constant 0 : index
        %parallel_loop3A_559 = tpu.vector_load %arg10[%parallel_loop3A_556, %parallel_loop3A_557, %parallel_loop3A_558] {strides = array<i32>} : memref<2x800x32xf32, #tpu.memory_space<vmem>>, vector<16xf32>,
        %parallel_loop3A_560 = arith.constant 37 : i32
        %parallel_loop3A_561 = arith.addi %parallel_loop3A_337, %parallel_loop3A_560 : i32
        %parallel_loop3A_562 = arith.index_cast %rem3A_225 : i32 to index
        %parallel_loop3A_563 = arith.index_cast %parallel_loop3A_561 : i32 to index
        %parallel_loop3A_564 = arith.constant 0 : index
        %parallel_loop3A_565 = tpu.vector_load %arg10[%parallel_loop3A_562, %parallel_loop3A_563, %parallel_loop3A_564] {strides = array<i32>} : memref<2x800x32xf32, #tpu.memory_space<vmem>>, vector<16xf32>,
        %parallel_loop3A_566 = arith.constant 38 : i32
        %parallel_loop3A_567 = arith.addi %parallel_loop3A_337, %parallel_loop3A_566 : i32
        %parallel_loop3A_568 = arith.index_cast %rem3A_225 : i32 to index
        %parallel_loop3A_569 = arith.index_cast %parallel_loop3A_567 : i32 to index
        %parallel_loop3A_570 = arith.constant 0 : index
        %parallel_loop3A_571 = tpu.vector_load %arg10[%parallel_loop3A_568, %parallel_loop3A_569, %parallel_loop3A_570] {strides = array<i32>} : memref<2x800x32xf32, #tpu.memory_space<vmem>>, vector<16xf32>,
        %parallel_loop3A_572 = arith.constant 39 : i32
        %parallel_loop3A_573 = arith.addi %parallel_loop3A_337, %parallel_loop3A_572 : i32
        %parallel_loop3A_574 = arith.index_cast %rem3A_225 : i32 to index
        %parallel_loop3A_575 = arith.index_cast %parallel_loop3A_573 : i32 to index
        %parallel_loop3A_576 = arith.constant 0 : index
        %parallel_loop3A_577 = tpu.vector_load %arg10[%parallel_loop3A_574, %parallel_loop3A_575, %parallel_loop3A_576] {strides = array<i32>} : memref<2x800x32xf32, #tpu.memory_space<vmem>>, vector<16xf32>,
        %parallel_loop3A_578 = arith.constant 40 : i32
        %parallel_loop3A_579 = arith.addi %parallel_loop3A_337, %parallel_loop3A_578 : i32
        %parallel_loop3A_580 = arith.index_cast %rem3A_225 : i32 to index
        %parallel_loop3A_581 = arith.index_cast %parallel_loop3A_579 : i32 to index
        %parallel_loop3A_582 = arith.constant 0 : index
        %parallel_loop3A_583 = tpu.vector_load %arg10[%parallel_loop3A_580, %parallel_loop3A_581, %parallel_loop3A_582] {strides = array<i32>} : memref<2x800x32xf32, #tpu.memory_space<vmem>>, vector<16xf32>,
        %parallel_loop3A_584 = arith.constant 41 : i32
        %parallel_loop3A_585 = arith.addi %parallel_loop3A_337, %parallel_loop3A_584 : i32
        %parallel_loop3A_586 = arith.index_cast %rem3A_225 : i32 to index
        %parallel_loop3A_587 = arith.index_cast %parallel_loop3A_585 : i32 to index
        %parallel_loop3A_588 = arith.constant 0 : index
        %parallel_loop3A_589 = tpu.vector_load %arg10[%parallel_loop3A_586, %parallel_loop3A_587, %parallel_loop3A_588] {strides = array<i32>} : memref<2x800x32xf32, #tpu.memory_space<vmem>>, vector<16xf32>,
        %parallel_loop3A_590 = arith.constant 42 : i32
        %parallel_loop3A_591 = arith.addi %parallel_loop3A_337, %parallel_loop3A_590 : i32
        %parallel_loop3A_592 = arith.index_cast %rem3A_225 : i32 to index
        %parallel_loop3A_593 = arith.index_cast %parallel_loop3A_591 : i32 to index
        %parallel_loop3A_594 = arith.constant 0 : index
        %parallel_loop3A_595 = tpu.vector_load %arg10[%parallel_loop3A_592, %parallel_loop3A_593, %parallel_loop3A_594] {strides = array<i32>} : memref<2x800x32xf32, #tpu.memory_space<vmem>>, vector<16xf32>,
        %parallel_loop3A_596 = arith.constant 43 : i32
        %parallel_loop3A_597 = arith.addi %parallel_loop3A_337, %parallel_loop3A_596 : i32
        %parallel_loop3A_598 = arith.index_cast %rem3A_225 : i32 to index
        %parallel_loop3A_599 = arith.index_cast %parallel_loop3A_597 : i32 to index
        %parallel_loop3A_600 = arith.constant 0 : index
        %parallel_loop3A_601 = tpu.vector_load %arg10[%parallel_loop3A_598, %parallel_loop3A_599, %parallel_loop3A_600] {strides = array<i32>} : memref<2x800x32xf32, #tpu.memory_space<vmem>>, vector<16xf32>,
        %parallel_loop3A_602 = arith.constant 44 : i32
        %parallel_loop3A_603 = arith.addi %parallel_loop3A_337, %parallel_loop3A_602 : i32
        %parallel_loop3A_604 = arith.index_cast %rem3A_225 : i32 to index
        %parallel_loop3A_605 = arith.index_cast %parallel_loop3A_603 : i32 to index
        %parallel_loop3A_606 = arith.constant 0 : index
        %parallel_loop3A_607 = tpu.vector_load %arg10[%parallel_loop3A_604, %parallel_loop3A_605, %parallel_loop3A_606] {strides = array<i32>} : memref<2x800x32xf32, #tpu.memory_space<vmem>>, vector<16xf32>,
        %parallel_loop3A_608 = arith.constant 45 : i32
        %parallel_loop3A_609 = arith.addi %parallel_loop3A_337, %parallel_loop3A_608 : i32
        %parallel_loop3A_610 = arith.index_cast %rem3A_225 : i32 to index
        %parallel_loop3A_611 = arith.index_cast %parallel_loop3A_609 : i32 to index
        %parallel_loop3A_612 = arith.constant 0 : index
        %parallel_loop3A_613 = tpu.vector_load %arg10[%parallel_loop3A_610, %parallel_loop3A_611, %parallel_loop3A_612] {strides = array<i32>} : memref<2x800x32xf32, #tpu.memory_space<vmem>>, vector<16xf32>,
        %parallel_loop3A_614 = arith.constant 46 : i32
        %parallel_loop3A_615 = arith.addi %parallel_loop3A_337, %parallel_loop3A_614 : i32
        %parallel_loop3A_616 = arith.index_cast %rem3A_225 : i32 to index
        %parallel_loop3A_617 = arith.index_cast %parallel_loop3A_615 : i32 to index
        %parallel_loop3A_618 = arith.constant 0 : index
        %parallel_loop3A_619 = tpu.vector_load %arg10[%parallel_loop3A_616, %parallel_loop3A_617, %parallel_loop3A_618] {strides = array<i32>} : memref<2x800x32xf32, #tpu.memory_space<vmem>>, vector<16xf32>,
        %parallel_loop3A_620 = arith.constant 47 : i32
        %parallel_loop3A_621 = arith.addi %parallel_loop3A_337, %parallel_loop3A_620 : i32
        %parallel_loop3A_622 = arith.index_cast %rem3A_225 : i32 to index
        %parallel_loop3A_623 = arith.index_cast %parallel_loop3A_621 : i32 to index
        %parallel_loop3A_624 = arith.constant 0 : index
        %parallel_loop3A_625 = tpu.vector_load %arg10[%parallel_loop3A_622, %parallel_loop3A_623, %parallel_loop3A_624] {strides = array<i32>} : memref<2x800x32xf32, #tpu.memory_space<vmem>>, vector<16xf32>,
        %parallel_loop3A_626 = arith.constant 48 : i32
        %parallel_loop3A_627 = arith.addi %parallel_loop3A_337, %parallel_loop3A_626 : i32
        %parallel_loop3A_628 = arith.index_cast %rem3A_225 : i32 to index
        %parallel_loop3A_629 = arith.index_cast %parallel_loop3A_627 : i32 to index
        %parallel_loop3A_630 = arith.constant 0 : index
        %parallel_loop3A_631 = tpu.vector_load %arg10[%parallel_loop3A_628, %parallel_loop3A_629, %parallel_loop3A_630] {strides = array<i32>} : memref<2x800x32xf32, #tpu.memory_space<vmem>>, vector<16xf32>,
        %parallel_loop3A_632 = arith.constant 49 : i32
        %parallel_loop3A_633 = arith.addi %parallel_loop3A_337, %parallel_loop3A_632 : i32
        %parallel_loop3A_634 = arith.index_cast %rem3A_225 : i32 to index
        %parallel_loop3A_635 = arith.index_cast %parallel_loop3A_633 : i32 to index
        %parallel_loop3A_636 = arith.constant 0 : index
        %parallel_loop3A_637 = tpu.vector_load %arg10[%parallel_loop3A_634, %parallel_loop3A_635, %parallel_loop3A_636] {strides = array<i32>} : memref<2x800x32xf32, #tpu.memory_space<vmem>>, vector<16xf32>,
        %parallel_loop3A_638 = arith.addf %parallel_loop3A_343, %parallel_loop3A_349 : vector<16xf32>
        %parallel_loop3A_639 = arith.addf %parallel_loop3A_355, %parallel_loop3A_361 : vector<16xf32>
        %parallel_loop3A_640 = arith.addf %parallel_loop3A_367, %parallel_loop3A_373 : vector<16xf32>
        %parallel_loop3A_641 = arith.addf %parallel_loop3A_379, %parallel_loop3A_385 : vector<16xf32>
        %parallel_loop3A_642 = arith.addf %parallel_loop3A_391, %parallel_loop3A_397 : vector<16xf32>
        %parallel_loop3A_643 = arith.addf %parallel_loop3A_403, %parallel_loop3A_409 : vector<16xf32>
        %parallel_loop3A_644 = arith.addf %parallel_loop3A_415, %parallel_loop3A_421 : vector<16xf32>
        %parallel_loop3A_645 = arith.addf %parallel_loop3A_427, %parallel_loop3A_433 : vector<16xf32>
        %parallel_loop3A_646 = arith.addf %parallel_loop3A_439, %parallel_loop3A_445 : vector<16xf32>
        %parallel_loop3A_647 = arith.addf %parallel_loop3A_451, %parallel_loop3A_457 : vector<16xf32>
        %parallel_loop3A_648 = arith.addf %parallel_loop3A_463, %parallel_loop3A_469 : vector<16xf32>
        %parallel_loop3A_649 = arith.addf %parallel_loop3A_475, %parallel_loop3A_481 : vector<16xf32>
        %parallel_loop3A_650 = arith.addf %parallel_loop3A_487, %parallel_loop3A_493 : vector<16xf32>
        %parallel_loop3A_651 = arith.addf %parallel_loop3A_499, %parallel_loop3A_505 : vector<16xf32>
        %parallel_loop3A_652 = arith.addf %parallel_loop3A_511, %parallel_loop3A_517 : vector<16xf32>
        %parallel_loop3A_653 = arith.addf %parallel_loop3A_523, %parallel_loop3A_529 : vector<16xf32>
        %parallel_loop3A_654 = arith.addf %parallel_loop3A_535, %parallel_loop3A_541 : vector<16xf32>
        %parallel_loop3A_655 = arith.addf %parallel_loop3A_547, %parallel_loop3A_553 : vector<16xf32>
        %parallel_loop3A_656 = arith.addf %parallel_loop3A_559, %parallel_loop3A_565 : vector<16xf32>
        %parallel_loop3A_657 = arith.addf %parallel_loop3A_571, %parallel_loop3A_577 : vector<16xf32>
        %parallel_loop3A_658 = arith.addf %parallel_loop3A_583, %parallel_loop3A_589 : vector<16xf32>
        %parallel_loop3A_659 = arith.addf %parallel_loop3A_595, %parallel_loop3A_601 : vector<16xf32>
        %parallel_loop3A_660 = arith.addf %parallel_loop3A_607, %parallel_loop3A_613 : vector<16xf32>
        %parallel_loop3A_661 = arith.addf %parallel_loop3A_619, %parallel_loop3A_625 : vector<16xf32>
        %parallel_loop3A_662 = arith.addf %parallel_loop3A_631, %parallel_loop3A_637 : vector<16xf32>
        %parallel_loop3A_663 = arith.addf %parallel_loop3A_638, %parallel_loop3A_639 : vector<16xf32>
        %parallel_loop3A_664 = arith.addf %parallel_loop3A_640, %parallel_loop3A_641 : vector<16xf32>
        %parallel_loop3A_665 = arith.addf %parallel_loop3A_642, %parallel_loop3A_643 : vector<16xf32>
        %parallel_loop3A_666 = arith.addf %parallel_loop3A_644, %parallel_loop3A_645 : vector<16xf32>
        %parallel_loop3A_667 = arith.addf %parallel_loop3A_646, %parallel_loop3A_647 : vector<16xf32>
        %parallel_loop3A_668 = arith.addf %parallel_loop3A_648, %parallel_loop3A_649 : vector<16xf32>
        %parallel_loop3A_669 = arith.addf %parallel_loop3A_650, %parallel_loop3A_651 : vector<16xf32>
        %parallel_loop3A_670 = arith.addf %parallel_loop3A_652, %parallel_loop3A_653 : vector<16xf32>
        %parallel_loop3A_671 = arith.addf %parallel_loop3A_654, %parallel_loop3A_655 : vector<16xf32>
        %parallel_loop3A_672 = arith.addf %parallel_loop3A_656, %parallel_loop3A_657 : vector<16xf32>
        %parallel_loop3A_673 = arith.addf %parallel_loop3A_658, %parallel_loop3A_659 : vector<16xf32>
        %parallel_loop3A_674 = arith.addf %parallel_loop3A_660, %parallel_loop3A_661 : vector<16xf32>
        %parallel_loop3A_675 = arith.addf %parallel_loop3A_663, %parallel_loop3A_664 : vector<16xf32>
        %parallel_loop3A_676 = arith.addf %parallel_loop3A_665, %parallel_loop3A_666 : vector<16xf32>
        %parallel_loop3A_677 = arith.addf %parallel_loop3A_667, %parallel_loop3A_668 : vector<16xf32>
        %parallel_loop3A_678 = arith.addf %parallel_loop3A_669, %parallel_loop3A_670 : vector<16xf32>
        %parallel_loop3A_679 = arith.addf %parallel_loop3A_671, %parallel_loop3A_672 : vector<16xf32>
        %parallel_loop3A_680 = arith.addf %parallel_loop3A_673, %parallel_loop3A_674 : vector<16xf32>
        %parallel_loop3A_681 = arith.addf %parallel_loop3A_675, %parallel_loop3A_676 : vector<16xf32>
        %parallel_loop3A_682 = arith.addf %parallel_loop3A_677, %parallel_loop3A_678 : vector<16xf32>
        %parallel_loop3A_683 = arith.addf %parallel_loop3A_679, %parallel_loop3A_680 : vector<16xf32>
        %parallel_loop3A_684 = arith.addf %parallel_loop3A_681, %parallel_loop3A_682 : vector<16xf32>
        %parallel_loop3A_685 = arith.addf %parallel_loop3A_683, %parallel_loop3A_662 : vector<16xf32>
        %parallel_loop3A_686 = arith.addf %parallel_loop3A_684, %parallel_loop3A_685 : vector<16xf32>
        %parallel_loop3A_687 = arith.constant 0 : i32
        %parallel_loop3A_688 = arith.addi %parallel_loop3A_337, %parallel_loop3A_687 : i32
        %parallel_loop3A_689 = arith.index_cast %rem3A_225 : i32 to index
        %parallel_loop3A_690 = arith.index_cast %parallel_loop3A_688 : i32 to index
        %parallel_loop3A_691 = arith.constant 16 : index
        %parallel_loop3A_692 = tpu.vector_load %arg10[%parallel_loop3A_689, %parallel_loop3A_690, %parallel_loop3A_691] {strides = array<i32>} : memref<2x800x32xf32, #tpu.memory_space<vmem>>, vector<16xf32>,
        %parallel_loop3A_693 = arith.constant 1 : i32
        %parallel_loop3A_694 = arith.addi %parallel_loop3A_337, %parallel_loop3A_693 : i32
        %parallel_loop3A_695 = arith.index_cast %rem3A_225 : i32 to index
        %parallel_loop3A_696 = arith.index_cast %parallel_loop3A_694 : i32 to index
        %parallel_loop3A_697 = arith.constant 16 : index
        %parallel_loop3A_698 = tpu.vector_load %arg10[%parallel_loop3A_695, %parallel_loop3A_696, %parallel_loop3A_697] {strides = array<i32>} : memref<2x800x32xf32, #tpu.memory_space<vmem>>, vector<16xf32>,
        %parallel_loop3A_699 = arith.constant 2 : i32
        %parallel_loop3A_700 = arith.addi %parallel_loop3A_337, %parallel_loop3A_699 : i32
        %parallel_loop3A_701 = arith.index_cast %rem3A_225 : i32 to index
        %parallel_loop3A_702 = arith.index_cast %parallel_loop3A_700 : i32 to index
        %parallel_loop3A_703 = arith.constant 16 : index
        %parallel_loop3A_704 = tpu.vector_load %arg10[%parallel_loop3A_701, %parallel_loop3A_702, %parallel_loop3A_703] {strides = array<i32>} : memref<2x800x32xf32, #tpu.memory_space<vmem>>, vector<16xf32>,
        %parallel_loop3A_705 = arith.constant 3 : i32
        %parallel_loop3A_706 = arith.addi %parallel_loop3A_337, %parallel_loop3A_705 : i32
        %parallel_loop3A_707 = arith.index_cast %rem3A_225 : i32 to index
        %parallel_loop3A_708 = arith.index_cast %parallel_loop3A_706 : i32 to index
        %parallel_loop3A_709 = arith.constant 16 : index
        %parallel_loop3A_710 = tpu.vector_load %arg10[%parallel_loop3A_707, %parallel_loop3A_708, %parallel_loop3A_709] {strides = array<i32>} : memref<2x800x32xf32, #tpu.memory_space<vmem>>, vector<16xf32>,
        %parallel_loop3A_711 = arith.constant 4 : i32
        %parallel_loop3A_712 = arith.addi %parallel_loop3A_337, %parallel_loop3A_711 : i32
        %parallel_loop3A_713 = arith.index_cast %rem3A_225 : i32 to index
        %parallel_loop3A_714 = arith.index_cast %parallel_loop3A_712 : i32 to index
        %parallel_loop3A_715 = arith.constant 16 : index
        %parallel_loop3A_716 = tpu.vector_load %arg10[%parallel_loop3A_713, %parallel_loop3A_714, %parallel_loop3A_715] {strides = array<i32>} : memref<2x800x32xf32, #tpu.memory_space<vmem>>, vector<16xf32>,
        %parallel_loop3A_717 = arith.constant 5 : i32
        %parallel_loop3A_718 = arith.addi %parallel_loop3A_337, %parallel_loop3A_717 : i32
        %parallel_loop3A_719 = arith.index_cast %rem3A_225 : i32 to index
        %parallel_loop3A_720 = arith.index_cast %parallel_loop3A_718 : i32 to index
        %parallel_loop3A_721 = arith.constant 16 : index
        %parallel_loop3A_722 = tpu.vector_load %arg10[%parallel_loop3A_719, %parallel_loop3A_720, %parallel_loop3A_721] {strides = array<i32>} : memref<2x800x32xf32, #tpu.memory_space<vmem>>, vector<16xf32>,
        %parallel_loop3A_723 = arith.constant 6 : i32
        %parallel_loop3A_724 = arith.addi %parallel_loop3A_337, %parallel_loop3A_723 : i32
        %parallel_loop3A_725 = arith.index_cast %rem3A_225 : i32 to index
        %parallel_loop3A_726 = arith.index_cast %parallel_loop3A_724 : i32 to index
        %parallel_loop3A_727 = arith.constant 16 : index
        %parallel_loop3A_728 = tpu.vector_load %arg10[%parallel_loop3A_725, %parallel_loop3A_726, %parallel_loop3A_727] {strides = array<i32>} : memref<2x800x32xf32, #tpu.memory_space<vmem>>, vector<16xf32>,
        %parallel_loop3A_729 = arith.constant 7 : i32
        %parallel_loop3A_730 = arith.addi %parallel_loop3A_337, %parallel_loop3A_729 : i32
        %parallel_loop3A_731 = arith.index_cast %rem3A_225 : i32 to index
        %parallel_loop3A_732 = arith.index_cast %parallel_loop3A_730 : i32 to index
        %parallel_loop3A_733 = arith.constant 16 : index
        %parallel_loop3A_734 = tpu.vector_load %arg10[%parallel_loop3A_731, %parallel_loop3A_732, %parallel_loop3A_733] {strides = array<i32>} : memref<2x800x32xf32, #tpu.memory_space<vmem>>, vector<16xf32>,
        %parallel_loop3A_735 = arith.constant 8 : i32
        %parallel_loop3A_736 = arith.addi %parallel_loop3A_337, %parallel_loop3A_735 : i32
        %parallel_loop3A_737 = arith.index_cast %rem3A_225 : i32 to index
        %parallel_loop3A_738 = arith.index_cast %parallel_loop3A_736 : i32 to index
        %parallel_loop3A_739 = arith.constant 16 : index
        %parallel_loop3A_740 = tpu.vector_load %arg10[%parallel_loop3A_737, %parallel_loop3A_738, %parallel_loop3A_739] {strides = array<i32>} : memref<2x800x32xf32, #tpu.memory_space<vmem>>, vector<16xf32>,
        %parallel_loop3A_741 = arith.constant 9 : i32
        %parallel_loop3A_742 = arith.addi %parallel_loop3A_337, %parallel_loop3A_741 : i32
        %parallel_loop3A_743 = arith.index_cast %rem3A_225 : i32 to index
        %parallel_loop3A_744 = arith.index_cast %parallel_loop3A_742 : i32 to index
        %parallel_loop3A_745 = arith.constant 16 : index
        %parallel_loop3A_746 = tpu.vector_load %arg10[%parallel_loop3A_743, %parallel_loop3A_744, %parallel_loop3A_745] {strides = array<i32>} : memref<2x800x32xf32, #tpu.memory_space<vmem>>, vector<16xf32>,
        %parallel_loop3A_747 = arith.constant 10 : i32
        %parallel_loop3A_748 = arith.addi %parallel_loop3A_337, %parallel_loop3A_747 : i32
        %parallel_loop3A_749 = arith.index_cast %rem3A_225 : i32 to index
        %parallel_loop3A_750 = arith.index_cast %parallel_loop3A_748 : i32 to index
        %parallel_loop3A_751 = arith.constant 16 : index
        %parallel_loop3A_752 = tpu.vector_load %arg10[%parallel_loop3A_749, %parallel_loop3A_750, %parallel_loop3A_751] {strides = array<i32>} : memref<2x800x32xf32, #tpu.memory_space<vmem>>, vector<16xf32>,
        %parallel_loop3A_753 = arith.constant 11 : i32
        %parallel_loop3A_754 = arith.addi %parallel_loop3A_337, %parallel_loop3A_753 : i32
        %parallel_loop3A_755 = arith.index_cast %rem3A_225 : i32 to index
        %parallel_loop3A_756 = arith.index_cast %parallel_loop3A_754 : i32 to index
        %parallel_loop3A_757 = arith.constant 16 : index
        %parallel_loop3A_758 = tpu.vector_load %arg10[%parallel_loop3A_755, %parallel_loop3A_756, %parallel_loop3A_757] {strides = array<i32>} : memref<2x800x32xf32, #tpu.memory_space<vmem>>, vector<16xf32>,
        %parallel_loop3A_759 = arith.constant 12 : i32
        %parallel_loop3A_760 = arith.addi %parallel_loop3A_337, %parallel_loop3A_759 : i32
        %parallel_loop3A_761 = arith.index_cast %rem3A_225 : i32 to index
        %parallel_loop3A_762 = arith.index_cast %parallel_loop3A_760 : i32 to index
        %parallel_loop3A_763 = arith.constant 16 : index
        %parallel_loop3A_764 = tpu.vector_load %arg10[%parallel_loop3A_761, %parallel_loop3A_762, %parallel_loop3A_763] {strides = array<i32>} : memref<2x800x32xf32, #tpu.memory_space<vmem>>, vector<16xf32>,
        %parallel_loop3A_765 = arith.constant 13 : i32
        %parallel_loop3A_766 = arith.addi %parallel_loop3A_337, %parallel_loop3A_765 : i32
        %parallel_loop3A_767 = arith.index_cast %rem3A_225 : i32 to index
        %parallel_loop3A_768 = arith.index_cast %parallel_loop3A_766 : i32 to index
        %parallel_loop3A_769 = arith.constant 16 : index
        %parallel_loop3A_770 = tpu.vector_load %arg10[%parallel_loop3A_767, %parallel_loop3A_768, %parallel_loop3A_769] {strides = array<i32>} : memref<2x800x32xf32, #tpu.memory_space<vmem>>, vector<16xf32>,
        %parallel_loop3A_771 = arith.constant 14 : i32
        %parallel_loop3A_772 = arith.addi %parallel_loop3A_337, %parallel_loop3A_771 : i32
        %parallel_loop3A_773 = arith.index_cast %rem3A_225 : i32 to index
        %parallel_loop3A_774 = arith.index_cast %parallel_loop3A_772 : i32 to index
        %parallel_loop3A_775 = arith.constant 16 : index
        %parallel_loop3A_776 = tpu.vector_load %arg10[%parallel_loop3A_773, %parallel_loop3A_774, %parallel_loop3A_775] {strides = array<i32>} : memref<2x800x32xf32, #tpu.memory_space<vmem>>, vector<16xf32>,
        %parallel_loop3A_777 = arith.constant 15 : i32
        %parallel_loop3A_778 = arith.addi %parallel_loop3A_337, %parallel_loop3A_777 : i32
        %parallel_loop3A_779 = arith.index_cast %rem3A_225 : i32 to index
        %parallel_loop3A_780 = arith.index_cast %parallel_loop3A_778 : i32 to index
        %parallel_loop3A_781 = arith.constant 16 : index
        %parallel_loop3A_782 = tpu.vector_load %arg10[%parallel_loop3A_779, %parallel_loop3A_780, %parallel_loop3A_781] {strides = array<i32>} : memref<2x800x32xf32, #tpu.memory_space<vmem>>, vector<16xf32>,
        %parallel_loop3A_783 = arith.constant 16 : i32
        %parallel_loop3A_784 = arith.addi %parallel_loop3A_337, %parallel_loop3A_783 : i32
        %parallel_loop3A_785 = arith.index_cast %rem3A_225 : i32 to index
        %parallel_loop3A_786 = arith.index_cast %parallel_loop3A_784 : i32 to index
        %parallel_loop3A_787 = arith.constant 16 : index
        %parallel_loop3A_788 = tpu.vector_load %arg10[%parallel_loop3A_785, %parallel_loop3A_786, %parallel_loop3A_787] {strides = array<i32>} : memref<2x800x32xf32, #tpu.memory_space<vmem>>, vector<16xf32>,
        %parallel_loop3A_789 = arith.constant 17 : i32
        %parallel_loop3A_790 = arith.addi %parallel_loop3A_337, %parallel_loop3A_789 : i32
        %parallel_loop3A_791 = arith.index_cast %rem3A_225 : i32 to index
        %parallel_loop3A_792 = arith.index_cast %parallel_loop3A_790 : i32 to index
        %parallel_loop3A_793 = arith.constant 16 : index
        %parallel_loop3A_794 = tpu.vector_load %arg10[%parallel_loop3A_791, %parallel_loop3A_792, %parallel_loop3A_793] {strides = array<i32>} : memref<2x800x32xf32, #tpu.memory_space<vmem>>, vector<16xf32>,
        %parallel_loop3A_795 = arith.constant 18 : i32
        %parallel_loop3A_796 = arith.addi %parallel_loop3A_337, %parallel_loop3A_795 : i32
        %parallel_loop3A_797 = arith.index_cast %rem3A_225 : i32 to index
        %parallel_loop3A_798 = arith.index_cast %parallel_loop3A_796 : i32 to index
        %parallel_loop3A_799 = arith.constant 16 : index
        %parallel_loop3A_800 = tpu.vector_load %arg10[%parallel_loop3A_797, %parallel_loop3A_798, %parallel_loop3A_799] {strides = array<i32>} : memref<2x800x32xf32, #tpu.memory_space<vmem>>, vector<16xf32>,
        %parallel_loop3A_801 = arith.constant 19 : i32
        %parallel_loop3A_802 = arith.addi %parallel_loop3A_337, %parallel_loop3A_801 : i32
        %parallel_loop3A_803 = arith.index_cast %rem3A_225 : i32 to index
        %parallel_loop3A_804 = arith.index_cast %parallel_loop3A_802 : i32 to index
        %parallel_loop3A_805 = arith.constant 16 : index
        %parallel_loop3A_806 = tpu.vector_load %arg10[%parallel_loop3A_803, %parallel_loop3A_804, %parallel_loop3A_805] {strides = array<i32>} : memref<2x800x32xf32, #tpu.memory_space<vmem>>, vector<16xf32>,
        %parallel_loop3A_807 = arith.constant 20 : i32
        %parallel_loop3A_808 = arith.addi %parallel_loop3A_337, %parallel_loop3A_807 : i32
        %parallel_loop3A_809 = arith.index_cast %rem3A_225 : i32 to index
        %parallel_loop3A_810 = arith.index_cast %parallel_loop3A_808 : i32 to index
        %parallel_loop3A_811 = arith.constant 16 : index
        %parallel_loop3A_812 = tpu.vector_load %arg10[%parallel_loop3A_809, %parallel_loop3A_810, %parallel_loop3A_811] {strides = array<i32>} : memref<2x800x32xf32, #tpu.memory_space<vmem>>, vector<16xf32>,
        %parallel_loop3A_813 = arith.constant 21 : i32
        %parallel_loop3A_814 = arith.addi %parallel_loop3A_337, %parallel_loop3A_813 : i32
        %parallel_loop3A_815 = arith.index_cast %rem3A_225 : i32 to index
        %parallel_loop3A_816 = arith.index_cast %parallel_loop3A_814 : i32 to index
        %parallel_loop3A_817 = arith.constant 16 : index
        %parallel_loop3A_818 = tpu.vector_load %arg10[%parallel_loop3A_815, %parallel_loop3A_816, %parallel_loop3A_817] {strides = array<i32>} : memref<2x800x32xf32, #tpu.memory_space<vmem>>, vector<16xf32>,
        %parallel_loop3A_819 = arith.constant 22 : i32
        %parallel_loop3A_820 = arith.addi %parallel_loop3A_337, %parallel_loop3A_819 : i32
        %parallel_loop3A_821 = arith.index_cast %rem3A_225 : i32 to index
        %parallel_loop3A_822 = arith.index_cast %parallel_loop3A_820 : i32 to index
        %parallel_loop3A_823 = arith.constant 16 : index
        %parallel_loop3A_824 = tpu.vector_load %arg10[%parallel_loop3A_821, %parallel_loop3A_822, %parallel_loop3A_823] {strides = array<i32>} : memref<2x800x32xf32, #tpu.memory_space<vmem>>, vector<16xf32>,
        %parallel_loop3A_825 = arith.constant 23 : i32
        %parallel_loop3A_826 = arith.addi %parallel_loop3A_337, %parallel_loop3A_825 : i32
        %parallel_loop3A_827 = arith.index_cast %rem3A_225 : i32 to index
        %parallel_loop3A_828 = arith.index_cast %parallel_loop3A_826 : i32 to index
        %parallel_loop3A_829 = arith.constant 16 : index
        %parallel_loop3A_830 = tpu.vector_load %arg10[%parallel_loop3A_827, %parallel_loop3A_828, %parallel_loop3A_829] {strides = array<i32>} : memref<2x800x32xf32, #tpu.memory_space<vmem>>, vector<16xf32>,
        %parallel_loop3A_831 = arith.constant 24 : i32
        %parallel_loop3A_832 = arith.addi %parallel_loop3A_337, %parallel_loop3A_831 : i32
        %parallel_loop3A_833 = arith.index_cast %rem3A_225 : i32 to index
        %parallel_loop3A_834 = arith.index_cast %parallel_loop3A_832 : i32 to index
        %parallel_loop3A_835 = arith.constant 16 : index
        %parallel_loop3A_836 = tpu.vector_load %arg10[%parallel_loop3A_833, %parallel_loop3A_834, %parallel_loop3A_835] {strides = array<i32>} : memref<2x800x32xf32, #tpu.memory_space<vmem>>, vector<16xf32>,
        %parallel_loop3A_837 = arith.constant 25 : i32
        %parallel_loop3A_838 = arith.addi %parallel_loop3A_337, %parallel_loop3A_837 : i32
        %parallel_loop3A_839 = arith.index_cast %rem3A_225 : i32 to index
        %parallel_loop3A_840 = arith.index_cast %parallel_loop3A_838 : i32 to index
        %parallel_loop3A_841 = arith.constant 16 : index
        %parallel_loop3A_842 = tpu.vector_load %arg10[%parallel_loop3A_839, %parallel_loop3A_840, %parallel_loop3A_841] {strides = array<i32>} : memref<2x800x32xf32, #tpu.memory_space<vmem>>, vector<16xf32>,
        %parallel_loop3A_843 = arith.constant 26 : i32
        %parallel_loop3A_844 = arith.addi %parallel_loop3A_337, %parallel_loop3A_843 : i32
        %parallel_loop3A_845 = arith.index_cast %rem3A_225 : i32 to index
        %parallel_loop3A_846 = arith.index_cast %parallel_loop3A_844 : i32 to index
        %parallel_loop3A_847 = arith.constant 16 : index
        %parallel_loop3A_848 = tpu.vector_load %arg10[%parallel_loop3A_845, %parallel_loop3A_846, %parallel_loop3A_847] {strides = array<i32>} : memref<2x800x32xf32, #tpu.memory_space<vmem>>, vector<16xf32>,
        %parallel_loop3A_849 = arith.constant 27 : i32
        %parallel_loop3A_850 = arith.addi %parallel_loop3A_337, %parallel_loop3A_849 : i32
        %parallel_loop3A_851 = arith.index_cast %rem3A_225 : i32 to index
        %parallel_loop3A_852 = arith.index_cast %parallel_loop3A_850 : i32 to index
        %parallel_loop3A_853 = arith.constant 16 : index
        %parallel_loop3A_854 = tpu.vector_load %arg10[%parallel_loop3A_851, %parallel_loop3A_852, %parallel_loop3A_853] {strides = array<i32>} : memref<2x800x32xf32, #tpu.memory_space<vmem>>, vector<16xf32>,
        %parallel_loop3A_855 = arith.constant 28 : i32
        %parallel_loop3A_856 = arith.addi %parallel_loop3A_337, %parallel_loop3A_855 : i32
        %parallel_loop3A_857 = arith.index_cast %rem3A_225 : i32 to index
        %parallel_loop3A_858 = arith.index_cast %parallel_loop3A_856 : i32 to index
        %parallel_loop3A_859 = arith.constant 16 : index
        %parallel_loop3A_860 = tpu.vector_load %arg10[%parallel_loop3A_857, %parallel_loop3A_858, %parallel_loop3A_859] {strides = array<i32>} : memref<2x800x32xf32, #tpu.memory_space<vmem>>, vector<16xf32>,
        %parallel_loop3A_861 = arith.constant 29 : i32
        %parallel_loop3A_862 = arith.addi %parallel_loop3A_337, %parallel_loop3A_861 : i32
        %parallel_loop3A_863 = arith.index_cast %rem3A_225 : i32 to index
        %parallel_loop3A_864 = arith.index_cast %parallel_loop3A_862 : i32 to index
        %parallel_loop3A_865 = arith.constant 16 : index
        %parallel_loop3A_866 = tpu.vector_load %arg10[%parallel_loop3A_863, %parallel_loop3A_864, %parallel_loop3A_865] {strides = array<i32>} : memref<2x800x32xf32, #tpu.memory_space<vmem>>, vector<16xf32>,
        %parallel_loop3A_867 = arith.constant 30 : i32
        %parallel_loop3A_868 = arith.addi %parallel_loop3A_337, %parallel_loop3A_867 : i32
        %parallel_loop3A_869 = arith.index_cast %rem3A_225 : i32 to index
        %parallel_loop3A_870 = arith.index_cast %parallel_loop3A_868 : i32 to index
        %parallel_loop3A_871 = arith.constant 16 : index
        %parallel_loop3A_872 = tpu.vector_load %arg10[%parallel_loop3A_869, %parallel_loop3A_870, %parallel_loop3A_871] {strides = array<i32>} : memref<2x800x32xf32, #tpu.memory_space<vmem>>, vector<16xf32>,
        %parallel_loop3A_873 = arith.constant 31 : i32
        %parallel_loop3A_874 = arith.addi %parallel_loop3A_337, %parallel_loop3A_873 : i32
        %parallel_loop3A_875 = arith.index_cast %rem3A_225 : i32 to index
        %parallel_loop3A_876 = arith.index_cast %parallel_loop3A_874 : i32 to index
        %parallel_loop3A_877 = arith.constant 16 : index
        %parallel_loop3A_878 = tpu.vector_load %arg10[%parallel_loop3A_875, %parallel_loop3A_876, %parallel_loop3A_877] {strides = array<i32>} : memref<2x800x32xf32, #tpu.memory_space<vmem>>, vector<16xf32>,
        %parallel_loop3A_879 = arith.constant 32 : i32
        %parallel_loop3A_880 = arith.addi %parallel_loop3A_337, %parallel_loop3A_879 : i32
        %parallel_loop3A_881 = arith.index_cast %rem3A_225 : i32 to index
        %parallel_loop3A_882 = arith.index_cast %parallel_loop3A_880 : i32 to index
        %parallel_loop3A_883 = arith.constant 16 : index
        %parallel_loop3A_884 = tpu.vector_load %arg10[%parallel_loop3A_881, %parallel_loop3A_882, %parallel_loop3A_883] {strides = array<i32>} : memref<2x800x32xf32, #tpu.memory_space<vmem>>, vector<16xf32>,
        %parallel_loop3A_885 = arith.constant 33 : i32
        %parallel_loop3A_886 = arith.addi %parallel_loop3A_337, %parallel_loop3A_885 : i32
        %parallel_loop3A_887 = arith.index_cast %rem3A_225 : i32 to index
        %parallel_loop3A_888 = arith.index_cast %parallel_loop3A_886 : i32 to index
        %parallel_loop3A_889 = arith.constant 16 : index
        %parallel_loop3A_890 = tpu.vector_load %arg10[%parallel_loop3A_887, %parallel_loop3A_888, %parallel_loop3A_889] {strides = array<i32>} : memref<2x800x32xf32, #tpu.memory_space<vmem>>, vector<16xf32>,
        %parallel_loop3A_891 = arith.constant 34 : i32
        %parallel_loop3A_892 = arith.addi %parallel_loop3A_337, %parallel_loop3A_891 : i32
        %parallel_loop3A_893 = arith.index_cast %rem3A_225 : i32 to index
        %parallel_loop3A_894 = arith.index_cast %parallel_loop3A_892 : i32 to index
        %parallel_loop3A_895 = arith.constant 16 : index
        %parallel_loop3A_896 = tpu.vector_load %arg10[%parallel_loop3A_893, %parallel_loop3A_894, %parallel_loop3A_895] {strides = array<i32>} : memref<2x800x32xf32, #tpu.memory_space<vmem>>, vector<16xf32>,
        %parallel_loop3A_897 = arith.constant 35 : i32
        %parallel_loop3A_898 = arith.addi %parallel_loop3A_337, %parallel_loop3A_897 : i32
        %parallel_loop3A_899 = arith.index_cast %rem3A_225 : i32 to index
        %parallel_loop3A_900 = arith.index_cast %parallel_loop3A_898 : i32 to index
        %parallel_loop3A_901 = arith.constant 16 : index
        %parallel_loop3A_902 = tpu.vector_load %arg10[%parallel_loop3A_899, %parallel_loop3A_900, %parallel_loop3A_901] {strides = array<i32>} : memref<2x800x32xf32, #tpu.memory_space<vmem>>, vector<16xf32>,
        %parallel_loop3A_903 = arith.constant 36 : i32
        %parallel_loop3A_904 = arith.addi %parallel_loop3A_337, %parallel_loop3A_903 : i32
        %parallel_loop3A_905 = arith.index_cast %rem3A_225 : i32 to index
        %parallel_loop3A_906 = arith.index_cast %parallel_loop3A_904 : i32 to index
        %parallel_loop3A_907 = arith.constant 16 : index
        %parallel_loop3A_908 = tpu.vector_load %arg10[%parallel_loop3A_905, %parallel_loop3A_906, %parallel_loop3A_907] {strides = array<i32>} : memref<2x800x32xf32, #tpu.memory_space<vmem>>, vector<16xf32>,
        %parallel_loop3A_909 = arith.constant 37 : i32
        %parallel_loop3A_910 = arith.addi %parallel_loop3A_337, %parallel_loop3A_909 : i32
        %parallel_loop3A_911 = arith.index_cast %rem3A_225 : i32 to index
        %parallel_loop3A_912 = arith.index_cast %parallel_loop3A_910 : i32 to index
        %parallel_loop3A_913 = arith.constant 16 : index
        %parallel_loop3A_914 = tpu.vector_load %arg10[%parallel_loop3A_911, %parallel_loop3A_912, %parallel_loop3A_913] {strides = array<i32>} : memref<2x800x32xf32, #tpu.memory_space<vmem>>, vector<16xf32>,
        %parallel_loop3A_915 = arith.constant 38 : i32
        %parallel_loop3A_916 = arith.addi %parallel_loop3A_337, %parallel_loop3A_915 : i32
        %parallel_loop3A_917 = arith.index_cast %rem3A_225 : i32 to index
        %parallel_loop3A_918 = arith.index_cast %parallel_loop3A_916 : i32 to index
        %parallel_loop3A_919 = arith.constant 16 : index
        %parallel_loop3A_920 = tpu.vector_load %arg10[%parallel_loop3A_917, %parallel_loop3A_918, %parallel_loop3A_919] {strides = array<i32>} : memref<2x800x32xf32, #tpu.memory_space<vmem>>, vector<16xf32>,
        %parallel_loop3A_921 = arith.constant 39 : i32
        %parallel_loop3A_922 = arith.addi %parallel_loop3A_337, %parallel_loop3A_921 : i32
        %parallel_loop3A_923 = arith.index_cast %rem3A_225 : i32 to index
        %parallel_loop3A_924 = arith.index_cast %parallel_loop3A_922 : i32 to index
        %parallel_loop3A_925 = arith.constant 16 : index
        %parallel_loop3A_926 = tpu.vector_load %arg10[%parallel_loop3A_923, %parallel_loop3A_924, %parallel_loop3A_925] {strides = array<i32>} : memref<2x800x32xf32, #tpu.memory_space<vmem>>, vector<16xf32>,
        %parallel_loop3A_927 = arith.constant 40 : i32
        %parallel_loop3A_928 = arith.addi %parallel_loop3A_337, %parallel_loop3A_927 : i32
        %parallel_loop3A_929 = arith.index_cast %rem3A_225 : i32 to index
        %parallel_loop3A_930 = arith.index_cast %parallel_loop3A_928 : i32 to index
        %parallel_loop3A_931 = arith.constant 16 : index
        %parallel_loop3A_932 = tpu.vector_load %arg10[%parallel_loop3A_929, %parallel_loop3A_930, %parallel_loop3A_931] {strides = array<i32>} : memref<2x800x32xf32, #tpu.memory_space<vmem>>, vector<16xf32>,
        %parallel_loop3A_933 = arith.constant 41 : i32
        %parallel_loop3A_934 = arith.addi %parallel_loop3A_337, %parallel_loop3A_933 : i32
        %parallel_loop3A_935 = arith.index_cast %rem3A_225 : i32 to index
        %parallel_loop3A_936 = arith.index_cast %parallel_loop3A_934 : i32 to index
        %parallel_loop3A_937 = arith.constant 16 : index
        %parallel_loop3A_938 = tpu.vector_load %arg10[%parallel_loop3A_935, %parallel_loop3A_936, %parallel_loop3A_937] {strides = array<i32>} : memref<2x800x32xf32, #tpu.memory_space<vmem>>, vector<16xf32>,
        %parallel_loop3A_939 = arith.constant 42 : i32
        %parallel_loop3A_940 = arith.addi %parallel_loop3A_337, %parallel_loop3A_939 : i32
        %parallel_loop3A_941 = arith.index_cast %rem3A_225 : i32 to index
        %parallel_loop3A_942 = arith.index_cast %parallel_loop3A_940 : i32 to index
        %parallel_loop3A_943 = arith.constant 16 : index
        %parallel_loop3A_944 = tpu.vector_load %arg10[%parallel_loop3A_941, %parallel_loop3A_942, %parallel_loop3A_943] {strides = array<i32>} : memref<2x800x32xf32, #tpu.memory_space<vmem>>, vector<16xf32>,
        %parallel_loop3A_945 = arith.constant 43 : i32
        %parallel_loop3A_946 = arith.addi %parallel_loop3A_337, %parallel_loop3A_945 : i32
        %parallel_loop3A_947 = arith.index_cast %rem3A_225 : i32 to index
        %parallel_loop3A_948 = arith.index_cast %parallel_loop3A_946 : i32 to index
        %parallel_loop3A_949 = arith.constant 16 : index
        %parallel_loop3A_950 = tpu.vector_load %arg10[%parallel_loop3A_947, %parallel_loop3A_948, %parallel_loop3A_949] {strides = array<i32>} : memref<2x800x32xf32, #tpu.memory_space<vmem>>, vector<16xf32>,
        %parallel_loop3A_951 = arith.constant 44 : i32
        %parallel_loop3A_952 = arith.addi %parallel_loop3A_337, %parallel_loop3A_951 : i32
        %parallel_loop3A_953 = arith.index_cast %rem3A_225 : i32 to index
        %parallel_loop3A_954 = arith.index_cast %parallel_loop3A_952 : i32 to index
        %parallel_loop3A_955 = arith.constant 16 : index
        %parallel_loop3A_956 = tpu.vector_load %arg10[%parallel_loop3A_953, %parallel_loop3A_954, %parallel_loop3A_955] {strides = array<i32>} : memref<2x800x32xf32, #tpu.memory_space<vmem>>, vector<16xf32>,
        %parallel_loop3A_957 = arith.constant 45 : i32
        %parallel_loop3A_958 = arith.addi %parallel_loop3A_337, %parallel_loop3A_957 : i32
        %parallel_loop3A_959 = arith.index_cast %rem3A_225 : i32 to index
        %parallel_loop3A_960 = arith.index_cast %parallel_loop3A_958 : i32 to index
        %parallel_loop3A_961 = arith.constant 16 : index
        %parallel_loop3A_962 = tpu.vector_load %arg10[%parallel_loop3A_959, %parallel_loop3A_960, %parallel_loop3A_961] {strides = array<i32>} : memref<2x800x32xf32, #tpu.memory_space<vmem>>, vector<16xf32>,
        %parallel_loop3A_963 = arith.constant 46 : i32
        %parallel_loop3A_964 = arith.addi %parallel_loop3A_337, %parallel_loop3A_963 : i32
        %parallel_loop3A_965 = arith.index_cast %rem3A_225 : i32 to index
        %parallel_loop3A_966 = arith.index_cast %parallel_loop3A_964 : i32 to index
        %parallel_loop3A_967 = arith.constant 16 : index
        %parallel_loop3A_968 = tpu.vector_load %arg10[%parallel_loop3A_965, %parallel_loop3A_966, %parallel_loop3A_967] {strides = array<i32>} : memref<2x800x32xf32, #tpu.memory_space<vmem>>, vector<16xf32>,
        %parallel_loop3A_969 = arith.constant 47 : i32
        %parallel_loop3A_970 = arith.addi %parallel_loop3A_337, %parallel_loop3A_969 : i32
        %parallel_loop3A_971 = arith.index_cast %rem3A_225 : i32 to index
        %parallel_loop3A_972 = arith.index_cast %parallel_loop3A_970 : i32 to index
        %parallel_loop3A_973 = arith.constant 16 : index
        %parallel_loop3A_974 = tpu.vector_load %arg10[%parallel_loop3A_971, %parallel_loop3A_972, %parallel_loop3A_973] {strides = array<i32>} : memref<2x800x32xf32, #tpu.memory_space<vmem>>, vector<16xf32>,
        %parallel_loop3A_975 = arith.constant 48 : i32
        %parallel_loop3A_976 = arith.addi %parallel_loop3A_337, %parallel_loop3A_975 : i32
        %parallel_loop3A_977 = arith.index_cast %rem3A_225 : i32 to index
        %parallel_loop3A_978 = arith.index_cast %parallel_loop3A_976 : i32 to index
        %parallel_loop3A_979 = arith.constant 16 : index
        %parallel_loop3A_980 = tpu.vector_load %arg10[%parallel_loop3A_977, %parallel_loop3A_978, %parallel_loop3A_979] {strides = array<i32>} : memref<2x800x32xf32, #tpu.memory_space<vmem>>, vector<16xf32>,
        %parallel_loop3A_981 = arith.constant 49 : i32
        %parallel_loop3A_982 = arith.addi %parallel_loop3A_337, %parallel_loop3A_981 : i32
        %parallel_loop3A_983 = arith.index_cast %rem3A_225 : i32 to index
        %parallel_loop3A_984 = arith.index_cast %parallel_loop3A_982 : i32 to index
        %parallel_loop3A_985 = arith.constant 16 : index
        %parallel_loop3A_986 = tpu.vector_load %arg10[%parallel_loop3A_983, %parallel_loop3A_984, %parallel_loop3A_985] {strides = array<i32>} : memref<2x800x32xf32, #tpu.memory_space<vmem>>, vector<16xf32>,
        %parallel_loop3A_987 = arith.addf %parallel_loop3A_692, %parallel_loop3A_698 : vector<16xf32>
        %parallel_loop3A_988 = arith.addf %parallel_loop3A_704, %parallel_loop3A_710 : vector<16xf32>
        %parallel_loop3A_989 = arith.addf %parallel_loop3A_716, %parallel_loop3A_722 : vector<16xf32>
        %parallel_loop3A_990 = arith.addf %parallel_loop3A_728, %parallel_loop3A_734 : vector<16xf32>
        %parallel_loop3A_991 = arith.addf %parallel_loop3A_740, %parallel_loop3A_746 : vector<16xf32>
        %parallel_loop3A_992 = arith.addf %parallel_loop3A_752, %parallel_loop3A_758 : vector<16xf32>
        %parallel_loop3A_993 = arith.addf %parallel_loop3A_764, %parallel_loop3A_770 : vector<16xf32>
        %parallel_loop3A_994 = arith.addf %parallel_loop3A_776, %parallel_loop3A_782 : vector<16xf32>
        %parallel_loop3A_995 = arith.addf %parallel_loop3A_788, %parallel_loop3A_794 : vector<16xf32>
        %parallel_loop3A_996 = arith.addf %parallel_loop3A_800, %parallel_loop3A_806 : vector<16xf32>
        %parallel_loop3A_997 = arith.addf %parallel_loop3A_812, %parallel_loop3A_818 : vector<16xf32>
        %parallel_loop3A_998 = arith.addf %parallel_loop3A_824, %parallel_loop3A_830 : vector<16xf32>
        %parallel_loop3A_999 = arith.addf %parallel_loop3A_836, %parallel_loop3A_842 : vector<16xf32>
        %parallel_loop3A_1000 = arith.addf %parallel_loop3A_848, %parallel_loop3A_854 : vector<16xf32>
        %parallel_loop3A_1001 = arith.addf %parallel_loop3A_860, %parallel_loop3A_866 : vector<16xf32>
        %parallel_loop3A_1002 = arith.addf %parallel_loop3A_872, %parallel_loop3A_878 : vector<16xf32>
        %parallel_loop3A_1003 = arith.addf %parallel_loop3A_884, %parallel_loop3A_890 : vector<16xf32>
        %parallel_loop3A_1004 = arith.addf %parallel_loop3A_896, %parallel_loop3A_902 : vector<16xf32>
        %parallel_loop3A_1005 = arith.addf %parallel_loop3A_908, %parallel_loop3A_914 : vector<16xf32>
        %parallel_loop3A_1006 = arith.addf %parallel_loop3A_920, %parallel_loop3A_926 : vector<16xf32>
        %parallel_loop3A_1007 = arith.addf %parallel_loop3A_932, %parallel_loop3A_938 : vector<16xf32>
        %parallel_loop3A_1008 = arith.addf %parallel_loop3A_944, %parallel_loop3A_950 : vector<16xf32>
        %parallel_loop3A_1009 = arith.addf %parallel_loop3A_956, %parallel_loop3A_962 : vector<16xf32>
        %parallel_loop3A_1010 = arith.addf %parallel_loop3A_968, %parallel_loop3A_974 : vector<16xf32>
        %parallel_loop3A_1011 = arith.addf %parallel_loop3A_980, %parallel_loop3A_986 : vector<16xf32>
        %parallel_loop3A_1012 = arith.addf %parallel_loop3A_987, %parallel_loop3A_988 : vector<16xf32>
        %parallel_loop3A_1013 = arith.addf %parallel_loop3A_989, %parallel_loop3A_990 : vector<16xf32>
        %parallel_loop3A_1014 = arith.addf %parallel_loop3A_991, %parallel_loop3A_992 : vector<16xf32>
        %parallel_loop3A_1015 = arith.addf %parallel_loop3A_993, %parallel_loop3A_994 : vector<16xf32>
        %parallel_loop3A_1016 = arith.addf %parallel_loop3A_995, %parallel_loop3A_996 : vector<16xf32>
        %parallel_loop3A_1017 = arith.addf %parallel_loop3A_997, %parallel_loop3A_998 : vector<16xf32>
        %parallel_loop3A_1018 = arith.addf %parallel_loop3A_999, %parallel_loop3A_1000 : vector<16xf32>
        %parallel_loop3A_1019 = arith.addf %parallel_loop3A_1001, %parallel_loop3A_1002 : vector<16xf32>
        %parallel_loop3A_1020 = arith.addf %parallel_loop3A_1003, %parallel_loop3A_1004 : vector<16xf32>
        %parallel_loop3A_1021 = arith.addf %parallel_loop3A_1005, %parallel_loop3A_1006 : vector<16xf32>
        %parallel_loop3A_1022 = arith.addf %parallel_loop3A_1007, %parallel_loop3A_1008 : vector<16xf32>
        %parallel_loop3A_1023 = arith.addf %parallel_loop3A_1009, %parallel_loop3A_1010 : vector<16xf32>
        %parallel_loop3A_1024 = arith.addf %parallel_loop3A_1012, %parallel_loop3A_1013 : vector<16xf32>
        %parallel_loop3A_1025 = arith.addf %parallel_loop3A_1014, %parallel_loop3A_1015 : vector<16xf32>
        %parallel_loop3A_1026 = arith.addf %parallel_loop3A_1016, %parallel_loop3A_1017 : vector<16xf32>
        %parallel_loop3A_1027 = arith.addf %parallel_loop3A_1018, %parallel_loop3A_1019 : vector<16xf32>
        %parallel_loop3A_1028 = arith.addf %parallel_loop3A_1020, %parallel_loop3A_1021 : vector<16xf32>
        %parallel_loop3A_1029 = arith.addf %parallel_loop3A_1022, %parallel_loop3A_1023 : vector<16xf32>
        %parallel_loop3A_1030 = arith.addf %parallel_loop3A_1024, %parallel_loop3A_1025 : vector<16xf32>
        %parallel_loop3A_1031 = arith.addf %parallel_loop3A_1026, %parallel_loop3A_1027 : vector<16xf32>
        %parallel_loop3A_1032 = arith.addf %parallel_loop3A_1028, %parallel_loop3A_1029 : vector<16xf32>
        %parallel_loop3A_1033 = arith.addf %parallel_loop3A_1030, %parallel_loop3A_1031 : vector<16xf32>
        %parallel_loop3A_1034 = arith.addf %parallel_loop3A_1032, %parallel_loop3A_1011 : vector<16xf32>
        %parallel_loop3A_1035 = arith.addf %parallel_loop3A_1033, %parallel_loop3A_1034 : vector<16xf32>
        %parallel_loop3A_1036 = arith.constant 16 : i32
        %parallel_loop3A_1037 = arith.muli %scan3A_223, %parallel_loop3A_1036 : i32
        %parallel_loop3A_1038 = arith.addi %parallel_loop3A_1037, %parallel_loop3A_335 : i32
        %parallel_loop3A_1039 = arith.index_cast %parallel_loop3A_1038 : i32 to index
        %parallel_loop3A_1040 = arith.constant 0 : index
        %parallel_loop3A_1041 = tpu.vector_load %arg13[%parallel_loop3A_1039, %parallel_loop3A_1040] {strides = array<i32>} : memref<512x32xf32, #tpu.memory_space<vmem>>, vector<16xf32>,
        tpu.vector_store %arg13[%parallel_loop3A_1039, %parallel_loop3A_1040], %parallel_loop3A_686 {strides = array<i32>} : memref<512x32xf32, #tpu.memory_space<vmem>>, vector<16xf32>,
        %parallel_loop3A_1042 = arith.constant 16 : i32
        %parallel_loop3A_1043 = arith.muli %scan3A_223, %parallel_loop3A_1042 : i32
        %parallel_loop3A_1044 = arith.addi %parallel_loop3A_1043, %parallel_loop3A_335 : i32
        %parallel_loop3A_1045 = arith.index_cast %parallel_loop3A_1044 : i32 to index
        %parallel_loop3A_1046 = arith.constant 16 : index
        %parallel_loop3A_1047 = tpu.vector_load %arg13[%parallel_loop3A_1045, %parallel_loop3A_1046] {strides = array<i32>} : memref<512x32xf32, #tpu.memory_space<vmem>>, vector<16xf32>,
        tpu.vector_store %arg13[%parallel_loop3A_1045, %parallel_loop3A_1046], %parallel_loop3A_1035 {strides = array<i32>} : memref<512x32xf32, #tpu.memory_space<vmem>>, vector<16xf32>,
      } {sc.loop_unroll_factor = 2 : i64, sc.parallel_access}
      %scan3A_334 = arith.constant 0 : i32
      scf.yield %scan3A_334 : i32
    }
    %scan3A_176 = arith.constant 32 : i32
    %dma_wait3A = arith.constant 0 : i32
    %dma_wait3A_177 = arith.constant 0 : i32
    %dma_wait3A_178 = arith.constant 0 : i32
    %dma_wait3A_179 = tpu.memref_slice %arg12[%dma_wait3A_177, %dma_wait3A_178] : memref<512x32xf32, #tpu.memory_space<vmem>> -> memref<128x32xf32, #tpu.memory_space<vmem>>
    %dma_wait3A_180 = arith.constant 0 : i32
    %dma_wait3A_181 = tpu.memref_slice %arg11[%dma_wait3A, %dma_wait3A_180] : memref<4x128xi32, #tpu.memory_space<vmem>> -> memref<1x128xi32, #tpu.memory_space<vmem>>
    %dma_wait3A_182 = tpu.memref_squeeze %dma_wait3A_181 : memref<1x128xi32, #tpu.memory_space<vmem>> -> memref<128xi32, #tpu.memory_space<vmem>>
    %dma_wait3A_183 = arith.constant 0 : i32
    %dma_wait3A_184 = arith.constant 0 : i32
    %dma_wait3A_185 = tpu.memref_slice %arg5[%dma_wait3A_183, %dma_wait3A_184] : memref<1000000x32xf32, #tpu.memory_space<hbm>> -> memref<1000000x32xf32, #tpu.memory_space<hbm>>
    tpu.wait_indirect_dma semaphore(%arg15 : memref<!tpu.dma_semaphore, #tpu.memory_space<semaphore_mem>>) src(%dma_wait3A_185 : memref<1000000x32xf32, #tpu.memory_space<hbm>>) dst(%dma_wait3A_179 : memref<128x32xf32, #tpu.memory_space<vmem>>)
    %dma_wait3A_186 = arith.constant 1 : i32
    %dma_wait3A_187 = arith.constant 128 : i32
    %dma_wait3A_188 = arith.constant 0 : i32
    %dma_wait3A_189 = tpu.memref_slice %arg12[%dma_wait3A_187, %dma_wait3A_188] : memref<512x32xf32, #tpu.memory_space<vmem>> -> memref<128x32xf32, #tpu.memory_space<vmem>>
    %dma_wait3A_190 = arith.constant 0 : i32
    %dma_wait3A_191 = tpu.memref_slice %arg11[%dma_wait3A_186, %dma_wait3A_190] : memref<4x128xi32, #tpu.memory_space<vmem>> -> memref<1x128xi32, #tpu.memory_space<vmem>>
    %dma_wait3A_192 = tpu.memref_squeeze %dma_wait3A_191 : memref<1x128xi32, #tpu.memory_space<vmem>> -> memref<128xi32, #tpu.memory_space<vmem>>
    %dma_wait3A_193 = arith.constant 0 : i32
    %dma_wait3A_194 = arith.constant 0 : i32
    %dma_wait3A_195 = tpu.memref_slice %arg5[%dma_wait3A_193, %dma_wait3A_194] : memref<1000000x32xf32, #tpu.memory_space<hbm>> -> memref<1000000x32xf32, #tpu.memory_space<hbm>>
    tpu.wait_indirect_dma semaphore(%arg15 : memref<!tpu.dma_semaphore, #tpu.memory_space<semaphore_mem>>) src(%dma_wait3A_195 : memref<1000000x32xf32, #tpu.memory_space<hbm>>) dst(%dma_wait3A_189 : memref<128x32xf32, #tpu.memory_space<vmem>>)
    %dma_wait3A_196 = arith.constant 2 : i32
    %dma_wait3A_197 = arith.constant 256 : i32
    %dma_wait3A_198 = arith.constant 0 : i32
    %dma_wait3A_199 = tpu.memref_slice %arg12[%dma_wait3A_197, %dma_wait3A_198] : memref<512x32xf32, #tpu.memory_space<vmem>> -> memref<128x32xf32, #tpu.memory_space<vmem>>
    %dma_wait3A_200 = arith.constant 0 : i32
    %dma_wait3A_201 = tpu.memref_slice %arg11[%dma_wait3A_196, %dma_wait3A_200] : memref<4x128xi32, #tpu.memory_space<vmem>> -> memref<1x128xi32, #tpu.memory_space<vmem>>
    %dma_wait3A_202 = tpu.memref_squeeze %dma_wait3A_201 : memref<1x128xi32, #tpu.memory_space<vmem>> -> memref<128xi32, #tpu.memory_space<vmem>>
    %dma_wait3A_203 = arith.constant 0 : i32
    %dma_wait3A_204 = arith.constant 0 : i32
    %dma_wait3A_205 = tpu.memref_slice %arg5[%dma_wait3A_203, %dma_wait3A_204] : memref<1000000x32xf32, #tpu.memory_space<hbm>> -> memref<1000000x32xf32, #tpu.memory_space<hbm>>
    tpu.wait_indirect_dma semaphore(%arg15 : memref<!tpu.dma_semaphore, #tpu.memory_space<semaphore_mem>>) src(%dma_wait3A_205 : memref<1000000x32xf32, #tpu.memory_space<hbm>>) dst(%dma_wait3A_199 : memref<128x32xf32, #tpu.memory_space<vmem>>)
    %dma_wait3A_206 = arith.constant 3 : i32
    %dma_wait3A_207 = arith.constant 384 : i32
    %dma_wait3A_208 = arith.constant 0 : i32
    %dma_wait3A_209 = tpu.memref_slice %arg12[%dma_wait3A_207, %dma_wait3A_208] : memref<512x32xf32, #tpu.memory_space<vmem>> -> memref<128x32xf32, #tpu.memory_space<vmem>>
    %dma_wait3A_210 = arith.constant 0 : i32
    %dma_wait3A_211 = tpu.memref_slice %arg11[%dma_wait3A_206, %dma_wait3A_210] : memref<4x128xi32, #tpu.memory_space<vmem>> -> memref<1x128xi32, #tpu.memory_space<vmem>>
    %dma_wait3A_212 = tpu.memref_squeeze %dma_wait3A_211 : memref<1x128xi32, #tpu.memory_space<vmem>> -> memref<128xi32, #tpu.memory_space<vmem>>
    %dma_wait3A_213 = arith.constant 0 : i32
    %dma_wait3A_214 = arith.constant 0 : i32
    %dma_wait3A_215 = tpu.memref_slice %arg5[%dma_wait3A_213, %dma_wait3A_214] : memref<1000000x32xf32, #tpu.memory_space<hbm>> -> memref<1000000x32xf32, #tpu.memory_space<hbm>>
    tpu.wait_indirect_dma semaphore(%arg15 : memref<!tpu.dma_semaphore, #tpu.memory_space<semaphore_mem>>) src(%dma_wait3A_215 : memref<1000000x32xf32, #tpu.memory_space<hbm>>) dst(%dma_wait3A_209 : memref<128x32xf32, #tpu.memory_space<vmem>>)
    %scan3A_216 = arith.constant 0 : i32
    %scan3A_217 = arith.constant 0 : i32
    %scan3A_218 = arith.constant 32 : i32
    %scan3A_219 = arith.addi %scan3A_217, %scan3A_218 : i32
    %scan3A_220 = arith.constant 1 : i32
    %scan3A_221 = scf.for %scan3A_223 = %scan3A_217 to %scan3A_219 step %scan3A_220 iter_args(%scan3A_224 = %scan3A_216) -> (i32)  : i32 {
      %mul3A_225 = arith.constant 16 : i32
      %mul3A_226 = arith.muli %scan3A_223, %mul3A_225 : i32
      %add3A_227 = vector.broadcast %mul3A_226 : i32 to vector<16xi32>
      %add3A_228 = arith.addi %iota3A, %add3A_227 : vector<16xi32>
      %broadcast_in_dim3A = arith.constant 0 : i32
      %broadcast_in_dim3A_229 = vector.broadcast %broadcast_in_dim3A : i32 to vector<16xi32>
      %gather3A = tpu.vector_load_idx %arg12[%add3A_228, %broadcast_in_dim3A_229] : memref<512x32xf32, #tpu.memory_space<vmem>>[vector<16xi32>, vector<16xi32>], vector<16xf32>,
      %broadcast_in_dim3A_230 = arith.constant 1 : i32
      %broadcast_in_dim3A_231 = vector.broadcast %broadcast_in_dim3A_230 : i32 to vector<16xi32>
      %gather3A_232 = tpu.vector_load_idx %arg12[%add3A_228, %broadcast_in_dim3A_231] : memref<512x32xf32, #tpu.memory_space<vmem>>[vector<16xi32>, vector<16xi32>], vector<16xf32>,
      %broadcast_in_dim3A_233 = arith.constant 2 : i32
      %broadcast_in_dim3A_234 = vector.broadcast %broadcast_in_dim3A_233 : i32 to vector<16xi32>
      %gather3A_235 = tpu.vector_load_idx %arg12[%add3A_228, %broadcast_in_dim3A_234] : memref<512x32xf32, #tpu.memory_space<vmem>>[vector<16xi32>, vector<16xi32>], vector<16xf32>,
      %broadcast_in_dim3A_236 = arith.constant 3 : i32
      %broadcast_in_dim3A_237 = vector.broadcast %broadcast_in_dim3A_236 : i32 to vector<16xi32>
      %gather3A_238 = tpu.vector_load_idx %arg12[%add3A_228, %broadcast_in_dim3A_237] : memref<512x32xf32, #tpu.memory_space<vmem>>[vector<16xi32>, vector<16xi32>], vector<16xf32>,
      %broadcast_in_dim3A_239 = arith.constant 4 : i32
      %broadcast_in_dim3A_240 = vector.broadcast %broadcast_in_dim3A_239 : i32 to vector<16xi32>
      %gather3A_241 = tpu.vector_load_idx %arg12[%add3A_228, %broadcast_in_dim3A_240] : memref<512x32xf32, #tpu.memory_space<vmem>>[vector<16xi32>, vector<16xi32>], vector<16xf32>,
      %broadcast_in_dim3A_242 = arith.constant 5 : i32
      %broadcast_in_dim3A_243 = vector.broadcast %broadcast_in_dim3A_242 : i32 to vector<16xi32>
      %gather3A_244 = tpu.vector_load_idx %arg12[%add3A_228, %broadcast_in_dim3A_243] : memref<512x32xf32, #tpu.memory_space<vmem>>[vector<16xi32>, vector<16xi32>], vector<16xf32>,
      %broadcast_in_dim3A_245 = arith.constant 6 : i32
      %broadcast_in_dim3A_246 = vector.broadcast %broadcast_in_dim3A_245 : i32 to vector<16xi32>
      %gather3A_247 = tpu.vector_load_idx %arg12[%add3A_228, %broadcast_in_dim3A_246] : memref<512x32xf32, #tpu.memory_space<vmem>>[vector<16xi32>, vector<16xi32>], vector<16xf32>,
      %broadcast_in_dim3A_248 = arith.constant 7 : i32
      %broadcast_in_dim3A_249 = vector.broadcast %broadcast_in_dim3A_248 : i32 to vector<16xi32>
      %gather3A_250 = tpu.vector_load_idx %arg12[%add3A_228, %broadcast_in_dim3A_249] : memref<512x32xf32, #tpu.memory_space<vmem>>[vector<16xi32>, vector<16xi32>], vector<16xf32>,
      %broadcast_in_dim3A_251 = arith.constant 8 : i32
      %broadcast_in_dim3A_252 = vector.broadcast %broadcast_in_dim3A_251 : i32 to vector<16xi32>
      %gather3A_253 = tpu.vector_load_idx %arg12[%add3A_228, %broadcast_in_dim3A_252] : memref<512x32xf32, #tpu.memory_space<vmem>>[vector<16xi32>, vector<16xi32>], vector<16xf32>,
      %broadcast_in_dim3A_254 = arith.constant 9 : i32
      %broadcast_in_dim3A_255 = vector.broadcast %broadcast_in_dim3A_254 : i32 to vector<16xi32>
      %gather3A_256 = tpu.vector_load_idx %arg12[%add3A_228, %broadcast_in_dim3A_255] : memref<512x32xf32, #tpu.memory_space<vmem>>[vector<16xi32>, vector<16xi32>], vector<16xf32>,
      %broadcast_in_dim3A_257 = arith.constant 10 : i32
      %broadcast_in_dim3A_258 = vector.broadcast %broadcast_in_dim3A_257 : i32 to vector<16xi32>
      %gather3A_259 = tpu.vector_load_idx %arg12[%add3A_228, %broadcast_in_dim3A_258] : memref<512x32xf32, #tpu.memory_space<vmem>>[vector<16xi32>, vector<16xi32>], vector<16xf32>,
      %broadcast_in_dim3A_260 = arith.constant 11 : i32
      %broadcast_in_dim3A_261 = vector.broadcast %broadcast_in_dim3A_260 : i32 to vector<16xi32>
      %gather3A_262 = tpu.vector_load_idx %arg12[%add3A_228, %broadcast_in_dim3A_261] : memref<512x32xf32, #tpu.memory_space<vmem>>[vector<16xi32>, vector<16xi32>], vector<16xf32>,
      %broadcast_in_dim3A_263 = arith.constant 12 : i32
      %broadcast_in_dim3A_264 = vector.broadcast %broadcast_in_dim3A_263 : i32 to vector<16xi32>
      %gather3A_265 = tpu.vector_load_idx %arg12[%add3A_228, %broadcast_in_dim3A_264] : memref<512x32xf32, #tpu.memory_space<vmem>>[vector<16xi32>, vector<16xi32>], vector<16xf32>,
      %broadcast_in_dim3A_266 = arith.constant 13 : i32
      %broadcast_in_dim3A_267 = vector.broadcast %broadcast_in_dim3A_266 : i32 to vector<16xi32>
      %gather3A_268 = tpu.vector_load_idx %arg12[%add3A_228, %broadcast_in_dim3A_267] : memref<512x32xf32, #tpu.memory_space<vmem>>[vector<16xi32>, vector<16xi32>], vector<16xf32>,
      %broadcast_in_dim3A_269 = arith.constant 14 : i32
      %broadcast_in_dim3A_270 = vector.broadcast %broadcast_in_dim3A_269 : i32 to vector<16xi32>
      %gather3A_271 = tpu.vector_load_idx %arg12[%add3A_228, %broadcast_in_dim3A_270] : memref<512x32xf32, #tpu.memory_space<vmem>>[vector<16xi32>, vector<16xi32>], vector<16xf32>,
      %broadcast_in_dim3A_272 = arith.constant 15 : i32
      %broadcast_in_dim3A_273 = vector.broadcast %broadcast_in_dim3A_272 : i32 to vector<16xi32>
      %gather3A_274 = tpu.vector_load_idx %arg12[%add3A_228, %broadcast_in_dim3A_273] : memref<512x32xf32, #tpu.memory_space<vmem>>[vector<16xi32>, vector<16xi32>], vector<16xf32>,
      %broadcast_in_dim3A_275 = arith.constant 16 : i32
      %broadcast_in_dim3A_276 = vector.broadcast %broadcast_in_dim3A_275 : i32 to vector<16xi32>
      %gather3A_277 = tpu.vector_load_idx %arg12[%add3A_228, %broadcast_in_dim3A_276] : memref<512x32xf32, #tpu.memory_space<vmem>>[vector<16xi32>, vector<16xi32>], vector<16xf32>,
      %broadcast_in_dim3A_278 = arith.constant 17 : i32
      %broadcast_in_dim3A_279 = vector.broadcast %broadcast_in_dim3A_278 : i32 to vector<16xi32>
      %gather3A_280 = tpu.vector_load_idx %arg12[%add3A_228, %broadcast_in_dim3A_279] : memref<512x32xf32, #tpu.memory_space<vmem>>[vector<16xi32>, vector<16xi32>], vector<16xf32>,
      %broadcast_in_dim3A_281 = arith.constant 18 : i32
      %broadcast_in_dim3A_282 = vector.broadcast %broadcast_in_dim3A_281 : i32 to vector<16xi32>
      %gather3A_283 = tpu.vector_load_idx %arg12[%add3A_228, %broadcast_in_dim3A_282] : memref<512x32xf32, #tpu.memory_space<vmem>>[vector<16xi32>, vector<16xi32>], vector<16xf32>,
      %broadcast_in_dim3A_284 = arith.constant 19 : i32
      %broadcast_in_dim3A_285 = vector.broadcast %broadcast_in_dim3A_284 : i32 to vector<16xi32>
      %gather3A_286 = tpu.vector_load_idx %arg12[%add3A_228, %broadcast_in_dim3A_285] : memref<512x32xf32, #tpu.memory_space<vmem>>[vector<16xi32>, vector<16xi32>], vector<16xf32>,
      %broadcast_in_dim3A_287 = arith.constant 20 : i32
      %broadcast_in_dim3A_288 = vector.broadcast %broadcast_in_dim3A_287 : i32 to vector<16xi32>
      %gather3A_289 = tpu.vector_load_idx %arg12[%add3A_228, %broadcast_in_dim3A_288] : memref<512x32xf32, #tpu.memory_space<vmem>>[vector<16xi32>, vector<16xi32>], vector<16xf32>,
      %broadcast_in_dim3A_290 = arith.constant 21 : i32
      %broadcast_in_dim3A_291 = vector.broadcast %broadcast_in_dim3A_290 : i32 to vector<16xi32>
      %gather3A_292 = tpu.vector_load_idx %arg12[%add3A_228, %broadcast_in_dim3A_291] : memref<512x32xf32, #tpu.memory_space<vmem>>[vector<16xi32>, vector<16xi32>], vector<16xf32>,
      %broadcast_in_dim3A_293 = arith.constant 22 : i32
      %broadcast_in_dim3A_294 = vector.broadcast %broadcast_in_dim3A_293 : i32 to vector<16xi32>
      %gather3A_295 = tpu.vector_load_idx %arg12[%add3A_228, %broadcast_in_dim3A_294] : memref<512x32xf32, #tpu.memory_space<vmem>>[vector<16xi32>, vector<16xi32>], vector<16xf32>,
      %broadcast_in_dim3A_296 = arith.constant 23 : i32
      %broadcast_in_dim3A_297 = vector.broadcast %broadcast_in_dim3A_296 : i32 to vector<16xi32>
      %gather3A_298 = tpu.vector_load_idx %arg12[%add3A_228, %broadcast_in_dim3A_297] : memref<512x32xf32, #tpu.memory_space<vmem>>[vector<16xi32>, vector<16xi32>], vector<16xf32>,
      %broadcast_in_dim3A_299 = arith.constant 24 : i32
      %broadcast_in_dim3A_300 = vector.broadcast %broadcast_in_dim3A_299 : i32 to vector<16xi32>
      %gather3A_301 = tpu.vector_load_idx %arg12[%add3A_228, %broadcast_in_dim3A_300] : memref<512x32xf32, #tpu.memory_space<vmem>>[vector<16xi32>, vector<16xi32>], vector<16xf32>,
      %broadcast_in_dim3A_302 = arith.constant 25 : i32
      %broadcast_in_dim3A_303 = vector.broadcast %broadcast_in_dim3A_302 : i32 to vector<16xi32>
      %gather3A_304 = tpu.vector_load_idx %arg12[%add3A_228, %broadcast_in_dim3A_303] : memref<512x32xf32, #tpu.memory_space<vmem>>[vector<16xi32>, vector<16xi32>], vector<16xf32>,
      %broadcast_in_dim3A_305 = arith.constant 26 : i32
      %broadcast_in_dim3A_306 = vector.broadcast %broadcast_in_dim3A_305 : i32 to vector<16xi32>
      %gather3A_307 = tpu.vector_load_idx %arg12[%add3A_228, %broadcast_in_dim3A_306] : memref<512x32xf32, #tpu.memory_space<vmem>>[vector<16xi32>, vector<16xi32>], vector<16xf32>,
      %broadcast_in_dim3A_308 = arith.constant 27 : i32
      %broadcast_in_dim3A_309 = vector.broadcast %broadcast_in_dim3A_308 : i32 to vector<16xi32>
      %gather3A_310 = tpu.vector_load_idx %arg12[%add3A_228, %broadcast_in_dim3A_309] : memref<512x32xf32, #tpu.memory_space<vmem>>[vector<16xi32>, vector<16xi32>], vector<16xf32>,
      %broadcast_in_dim3A_311 = arith.constant 28 : i32
      %broadcast_in_dim3A_312 = vector.broadcast %broadcast_in_dim3A_311 : i32 to vector<16xi32>
      %gather3A_313 = tpu.vector_load_idx %arg12[%add3A_228, %broadcast_in_dim3A_312] : memref<512x32xf32, #tpu.memory_space<vmem>>[vector<16xi32>, vector<16xi32>], vector<16xf32>,
      %broadcast_in_dim3A_314 = arith.constant 29 : i32
      %broadcast_in_dim3A_315 = vector.broadcast %broadcast_in_dim3A_314 : i32 to vector<16xi32>
      %gather3A_316 = tpu.vector_load_idx %arg12[%add3A_228, %broadcast_in_dim3A_315] : memref<512x32xf32, #tpu.memory_space<vmem>>[vector<16xi32>, vector<16xi32>], vector<16xf32>,
      %broadcast_in_dim3A_317 = arith.constant 30 : i32
      %broadcast_in_dim3A_318 = vector.broadcast %broadcast_in_dim3A_317 : i32 to vector<16xi32>
      %gather3A_319 = tpu.vector_load_idx %arg12[%add3A_228, %broadcast_in_dim3A_318] : memref<512x32xf32, #tpu.memory_space<vmem>>[vector<16xi32>, vector<16xi32>], vector<16xf32>,
      %broadcast_in_dim3A_320 = arith.constant 31 : i32
      %broadcast_in_dim3A_321 = vector.broadcast %broadcast_in_dim3A_320 : i32 to vector<16xi32>
      %gather3A_322 = tpu.vector_load_idx %arg12[%add3A_228, %broadcast_in_dim3A_321] : memref<512x32xf32, #tpu.memory_space<vmem>>[vector<16xi32>, vector<16xi32>], vector<16xf32>,
      %mul3A_323 = arith.mulf %gather3A, %gather3A : vector<16xf32>
      %mul3A_324 = arith.mulf %gather3A_232, %gather3A_232 : vector<16xf32>
      %mul3A_325 = arith.mulf %gather3A_235, %gather3A_235 : vector<16xf32>
      %mul3A_326 = arith.mulf %gather3A_238, %gather3A_238 : vector<16xf32>
      %mul3A_327 = arith.mulf %gather3A_241, %gather3A_241 : vector<16xf32>
      %mul3A_328 = arith.mulf %gather3A_244, %gather3A_244 : vector<16xf32>
      %mul3A_329 = arith.mulf %gather3A_247, %gather3A_247 : vector<16xf32>
      %mul3A_330 = arith.mulf %gather3A_250, %gather3A_250 : vector<16xf32>
      %mul3A_331 = arith.mulf %gather3A_253, %gather3A_253 : vector<16xf32>
      %mul3A_332 = arith.mulf %gather3A_256, %gather3A_256 : vector<16xf32>
      %mul3A_333 = arith.mulf %gather3A_259, %gather3A_259 : vector<16xf32>
      %mul3A_334 = arith.mulf %gather3A_262, %gather3A_262 : vector<16xf32>
      %mul3A_335 = arith.mulf %gather3A_265, %gather3A_265 : vector<16xf32>
      %mul3A_336 = arith.mulf %gather3A_268, %gather3A_268 : vector<16xf32>
      %mul3A_337 = arith.mulf %gather3A_271, %gather3A_271 : vector<16xf32>
      %mul3A_338 = arith.mulf %gather3A_274, %gather3A_274 : vector<16xf32>
      %mul3A_339 = arith.mulf %gather3A_277, %gather3A_277 : vector<16xf32>
      %mul3A_340 = arith.mulf %gather3A_280, %gather3A_280 : vector<16xf32>
      %mul3A_341 = arith.mulf %gather3A_283, %gather3A_283 : vector<16xf32>
      %mul3A_342 = arith.mulf %gather3A_286, %gather3A_286 : vector<16xf32>
      %mul3A_343 = arith.mulf %gather3A_289, %gather3A_289 : vector<16xf32>
      %mul3A_344 = arith.mulf %gather3A_292, %gather3A_292 : vector<16xf32>
      %mul3A_345 = arith.mulf %gather3A_295, %gather3A_295 : vector<16xf32>
      %mul3A_346 = arith.mulf %gather3A_298, %gather3A_298 : vector<16xf32>
      %mul3A_347 = arith.mulf %gather3A_301, %gather3A_301 : vector<16xf32>
      %mul3A_348 = arith.mulf %gather3A_304, %gather3A_304 : vector<16xf32>
      %mul3A_349 = arith.mulf %gather3A_307, %gather3A_307 : vector<16xf32>
      %mul3A_350 = arith.mulf %gather3A_310, %gather3A_310 : vector<16xf32>
      %mul3A_351 = arith.mulf %gather3A_313, %gather3A_313 : vector<16xf32>
      %mul3A_352 = arith.mulf %gather3A_316, %gather3A_316 : vector<16xf32>
      %mul3A_353 = arith.mulf %gather3A_319, %gather3A_319 : vector<16xf32>
      %mul3A_354 = arith.mulf %gather3A_322, %gather3A_322 : vector<16xf32>
      %add3A_355 = arith.addf %mul3A_323, %mul3A_324 : vector<16xf32>
      %add3A_356 = arith.addf %mul3A_325, %mul3A_326 : vector<16xf32>
      %add3A_357 = arith.addf %mul3A_327, %mul3A_328 : vector<16xf32>
      %add3A_358 = arith.addf %mul3A_329, %mul3A_330 : vector<16xf32>
      %add3A_359 = arith.addf %mul3A_331, %mul3A_332 : vector<16xf32>
      %add3A_360 = arith.addf %mul3A_333, %mul3A_334 : vector<16xf32>
      %add3A_361 = arith.addf %mul3A_335, %mul3A_336 : vector<16xf32>
      %add3A_362 = arith.addf %mul3A_337, %mul3A_338 : vector<16xf32>
      %add3A_363 = arith.addf %mul3A_339, %mul3A_340 : vector<16xf32>
      %add3A_364 = arith.addf %mul3A_341, %mul3A_342 : vector<16xf32>
      %add3A_365 = arith.addf %mul3A_343, %mul3A_344 : vector<16xf32>
      %add3A_366 = arith.addf %mul3A_345, %mul3A_346 : vector<16xf32>
      %add3A_367 = arith.addf %mul3A_347, %mul3A_348 : vector<16xf32>
      %add3A_368 = arith.addf %mul3A_349, %mul3A_350 : vector<16xf32>
      %add3A_369 = arith.addf %mul3A_351, %mul3A_352 : vector<16xf32>
      %add3A_370 = arith.addf %mul3A_353, %mul3A_354 : vector<16xf32>
      %add3A_371 = arith.addf %add3A_355, %add3A_356 : vector<16xf32>
      %add3A_372 = arith.addf %add3A_357, %add3A_358 : vector<16xf32>
      %add3A_373 = arith.addf %add3A_359, %add3A_360 : vector<16xf32>
      %add3A_374 = arith.addf %add3A_361, %add3A_362 : vector<16xf32>
      %add3A_375 = arith.addf %add3A_363, %add3A_364 : vector<16xf32>
      %add3A_376 = arith.addf %add3A_365, %add3A_366 : vector<16xf32>
      %add3A_377 = arith.addf %add3A_367, %add3A_368 : vector<16xf32>
      %add3A_378 = arith.addf %add3A_369, %add3A_370 : vector<16xf32>
      %add3A_379 = arith.addf %add3A_371, %add3A_372 : vector<16xf32>
      %add3A_380 = arith.addf %add3A_373, %add3A_374 : vector<16xf32>
      %add3A_381 = arith.addf %add3A_375, %add3A_376 : vector<16xf32>
      %add3A_382 = arith.addf %add3A_377, %add3A_378 : vector<16xf32>
      %add3A_383 = arith.addf %add3A_379, %add3A_380 : vector<16xf32>
      %add3A_384 = arith.addf %add3A_381, %add3A_382 : vector<16xf32>
      %add3A_385 = arith.addf %add3A_383, %add3A_384 : vector<16xf32>
      %gt3A = vector.broadcast %squeeze3A : f32 to vector<16xf32>
      %gt3A_386 = arith.cmpf ogt, %add3A_385, %gt3A : vector<16xf32>
      %reduce_or3A = arith.constant 1.000000e+00 : f32
      %reduce_or3A_387 = arith.constant 0.000000e+00 : f32
      %reduce_or3A_388 = vector.broadcast %reduce_or3A : f32 to vector<16xf32>
      %reduce_or3A_389 = vector.broadcast %reduce_or3A_387 : f32 to vector<16xf32>
      %reduce_or3A_390 = arith.select %gt3A_386, %reduce_or3A_388, %reduce_or3A_389 : vector<16xi1>, vector<16xf32>
      %reduce_or3A_391 = arith.constant true
      %reduce_or3A_392 = vector.broadcast %reduce_or3A_391 : i1 to vector<16xi1>
      %reduce_or3A_393 = tpu.scan <max>, %reduce_or3A_390 masked %reduce_or3A_392 : vector<16xf32>, vector<16xi1> -> vector<16xf32>
      %reduce_or3A_394 = vector.extract %reduce_or3A_393[15] : f32 from vector<16xf32>
      %reduce_or3A_395 = arith.constant 0.000000e+00 : f32
      %reduce_or3A_396 = arith.cmpf ogt, %reduce_or3A_394, %reduce_or3A_395 : f32
      %convert_element_type3A = arith.extui %reduce_or3A_396 : i1 to i32
      %cond3A = arith.constant 0 : i32
      %cond3A_397 = arith.cmpi ne, %convert_element_type3A, %cond3A : i32
      scf.if %cond3A_397 {
        %max3A = arith.constant 9.99999982E-15 : f32
        %max3A_399 = vector.broadcast %max3A : f32 to vector<16xf32>
        %max3A_400 = arith.maximumf %add3A_385, %max3A_399 : vector<16xf32>
        %bitcast_convert_type3A = tpu.bitcast %max3A_400 : vector<16xf32> -> vector<16xi32>
        %shift_right_arithmetic3A = arith.constant 1 : i32
        %shift_right_arithmetic3A_401 = vector.broadcast %shift_right_arithmetic3A : i32 to vector<16xi32>
        %shift_right_arithmetic3A_402 = arith.shrsi %bitcast_convert_type3A, %shift_right_arithmetic3A_401 : vector<16xi32>
        %sub3A = arith.constant 1597463007 : i32
        %sub3A_403 = vector.broadcast %sub3A : i32 to vector<16xi32>
        %sub3A_404 = arith.subi %sub3A_403, %shift_right_arithmetic3A_402 : vector<16xi32>
        %bitcast_convert_type3A_405 = tpu.bitcast %sub3A_404 : vector<16xi32> -> vector<16xf32>
        %mul3A_406 = arith.constant 5.000000e-01 : f32
        %mul3A_407 = vector.broadcast %mul3A_406 : f32 to vector<16xf32>
        %mul3A_408 = arith.mulf %mul3A_407, %max3A_400 : vector<16xf32>
        %mul3A_409 = arith.mulf %mul3A_408, %bitcast_convert_type3A_405 : vector<16xf32>
        %mul3A_410 = arith.mulf %mul3A_409, %bitcast_convert_type3A_405 : vector<16xf32>
        %sub3A_411 = arith.constant 1.500000e+00 : f32
        %sub3A_412 = vector.broadcast %sub3A_411 : f32 to vector<16xf32>
        %sub3A_413 = arith.subf %sub3A_412, %mul3A_410 : vector<16xf32>
        %mul3A_414 = arith.mulf %bitcast_convert_type3A_405, %sub3A_413 : vector<16xf32>
        %mul3A_415 = arith.constant 5.000000e-01 : f32
        %mul3A_416 = vector.broadcast %mul3A_415 : f32 to vector<16xf32>
        %mul3A_417 = arith.mulf %mul3A_416, %max3A_400 : vector<16xf32>
        %mul3A_418 = arith.mulf %mul3A_417, %mul3A_414 : vector<16xf32>
        %mul3A_419 = arith.mulf %mul3A_418, %mul3A_414 : vector<16xf32>
        %sub3A_420 = arith.constant 1.500000e+00 : f32
        %sub3A_421 = vector.broadcast %sub3A_420 : f32 to vector<16xf32>
        %sub3A_422 = arith.subf %sub3A_421, %mul3A_419 : vector<16xf32>
        %mul3A_423 = arith.mulf %mul3A_414, %sub3A_422 : vector<16xf32>
        %mul3A_424 = arith.constant 5.000000e-01 : f32
        %mul3A_425 = vector.broadcast %mul3A_424 : f32 to vector<16xf32>
        %mul3A_426 = arith.mulf %mul3A_425, %max3A_400 : vector<16xf32>
        %mul3A_427 = arith.mulf %mul3A_426, %mul3A_423 : vector<16xf32>
        %mul3A_428 = arith.mulf %mul3A_427, %mul3A_423 : vector<16xf32>
        %sub3A_429 = arith.constant 1.500000e+00 : f32
        %sub3A_430 = vector.broadcast %sub3A_429 : f32 to vector<16xf32>
        %sub3A_431 = arith.subf %sub3A_430, %mul3A_428 : vector<16xf32>
        %mul3A_432 = arith.mulf %mul3A_423, %sub3A_431 : vector<16xf32>
        %mul3A_433 = arith.constant 1.000000e+01 : f32
        %mul3A_434 = vector.broadcast %mul3A_433 : f32 to vector<16xf32>
        %mul3A_435 = arith.mulf %mul3A_434, %mul3A_432 : vector<16xf32>
        %min3A = arith.constant 1.000000e+00 : f32
        %min3A_436 = vector.broadcast %min3A : f32 to vector<16xf32>
        %min3A_437 = arith.minimumf %min3A_436, %mul3A_435 : vector<16xf32>
        %broadcast_in_dim3A_438 = arith.constant 0 : i32
        %broadcast_in_dim3A_439 = vector.broadcast %broadcast_in_dim3A_438 : i32 to vector<16xi32>
        %mul3A_440 = arith.mulf %min3A_437, %gather3A : vector<16xf32>
        tpu.vector_store_idx %arg12[%add3A_228, %broadcast_in_dim3A_439], %mul3A_440 : memref<512x32xf32, #tpu.memory_space<vmem>>[vector<16xi32>, vector<16xi32>], vector<16xf32>,
        %broadcast_in_dim3A_441 = arith.constant 1 : i32
        %broadcast_in_dim3A_442 = vector.broadcast %broadcast_in_dim3A_441 : i32 to vector<16xi32>
        %mul3A_443 = arith.mulf %min3A_437, %gather3A_232 : vector<16xf32>
        tpu.vector_store_idx %arg12[%add3A_228, %broadcast_in_dim3A_442], %mul3A_443 : memref<512x32xf32, #tpu.memory_space<vmem>>[vector<16xi32>, vector<16xi32>], vector<16xf32>,
        %broadcast_in_dim3A_444 = arith.constant 2 : i32
        %broadcast_in_dim3A_445 = vector.broadcast %broadcast_in_dim3A_444 : i32 to vector<16xi32>
        %mul3A_446 = arith.mulf %min3A_437, %gather3A_235 : vector<16xf32>
        tpu.vector_store_idx %arg12[%add3A_228, %broadcast_in_dim3A_445], %mul3A_446 : memref<512x32xf32, #tpu.memory_space<vmem>>[vector<16xi32>, vector<16xi32>], vector<16xf32>,
        %broadcast_in_dim3A_447 = arith.constant 3 : i32
        %broadcast_in_dim3A_448 = vector.broadcast %broadcast_in_dim3A_447 : i32 to vector<16xi32>
        %mul3A_449 = arith.mulf %min3A_437, %gather3A_238 : vector<16xf32>
        tpu.vector_store_idx %arg12[%add3A_228, %broadcast_in_dim3A_448], %mul3A_449 : memref<512x32xf32, #tpu.memory_space<vmem>>[vector<16xi32>, vector<16xi32>], vector<16xf32>,
        %broadcast_in_dim3A_450 = arith.constant 4 : i32
        %broadcast_in_dim3A_451 = vector.broadcast %broadcast_in_dim3A_450 : i32 to vector<16xi32>
        %mul3A_452 = arith.mulf %min3A_437, %gather3A_241 : vector<16xf32>
        tpu.vector_store_idx %arg12[%add3A_228, %broadcast_in_dim3A_451], %mul3A_452 : memref<512x32xf32, #tpu.memory_space<vmem>>[vector<16xi32>, vector<16xi32>], vector<16xf32>,
        %broadcast_in_dim3A_453 = arith.constant 5 : i32
        %broadcast_in_dim3A_454 = vector.broadcast %broadcast_in_dim3A_453 : i32 to vector<16xi32>
        %mul3A_455 = arith.mulf %min3A_437, %gather3A_244 : vector<16xf32>
        tpu.vector_store_idx %arg12[%add3A_228, %broadcast_in_dim3A_454], %mul3A_455 : memref<512x32xf32, #tpu.memory_space<vmem>>[vector<16xi32>, vector<16xi32>], vector<16xf32>,
        %broadcast_in_dim3A_456 = arith.constant 6 : i32
        %broadcast_in_dim3A_457 = vector.broadcast %broadcast_in_dim3A_456 : i32 to vector<16xi32>
        %mul3A_458 = arith.mulf %min3A_437, %gather3A_247 : vector<16xf32>
        tpu.vector_store_idx %arg12[%add3A_228, %broadcast_in_dim3A_457], %mul3A_458 : memref<512x32xf32, #tpu.memory_space<vmem>>[vector<16xi32>, vector<16xi32>], vector<16xf32>,
        %broadcast_in_dim3A_459 = arith.constant 7 : i32
        %broadcast_in_dim3A_460 = vector.broadcast %broadcast_in_dim3A_459 : i32 to vector<16xi32>
        %mul3A_461 = arith.mulf %min3A_437, %gather3A_250 : vector<16xf32>
        tpu.vector_store_idx %arg12[%add3A_228, %broadcast_in_dim3A_460], %mul3A_461 : memref<512x32xf32, #tpu.memory_space<vmem>>[vector<16xi32>, vector<16xi32>], vector<16xf32>,
        %broadcast_in_dim3A_462 = arith.constant 8 : i32
        %broadcast_in_dim3A_463 = vector.broadcast %broadcast_in_dim3A_462 : i32 to vector<16xi32>
        %mul3A_464 = arith.mulf %min3A_437, %gather3A_253 : vector<16xf32>
        tpu.vector_store_idx %arg12[%add3A_228, %broadcast_in_dim3A_463], %mul3A_464 : memref<512x32xf32, #tpu.memory_space<vmem>>[vector<16xi32>, vector<16xi32>], vector<16xf32>,
        %broadcast_in_dim3A_465 = arith.constant 9 : i32
        %broadcast_in_dim3A_466 = vector.broadcast %broadcast_in_dim3A_465 : i32 to vector<16xi32>
        %mul3A_467 = arith.mulf %min3A_437, %gather3A_256 : vector<16xf32>
        tpu.vector_store_idx %arg12[%add3A_228, %broadcast_in_dim3A_466], %mul3A_467 : memref<512x32xf32, #tpu.memory_space<vmem>>[vector<16xi32>, vector<16xi32>], vector<16xf32>,
        %broadcast_in_dim3A_468 = arith.constant 10 : i32
        %broadcast_in_dim3A_469 = vector.broadcast %broadcast_in_dim3A_468 : i32 to vector<16xi32>
        %mul3A_470 = arith.mulf %min3A_437, %gather3A_259 : vector<16xf32>
        tpu.vector_store_idx %arg12[%add3A_228, %broadcast_in_dim3A_469], %mul3A_470 : memref<512x32xf32, #tpu.memory_space<vmem>>[vector<16xi32>, vector<16xi32>], vector<16xf32>,
        %broadcast_in_dim3A_471 = arith.constant 11 : i32
        %broadcast_in_dim3A_472 = vector.broadcast %broadcast_in_dim3A_471 : i32 to vector<16xi32>
        %mul3A_473 = arith.mulf %min3A_437, %gather3A_262 : vector<16xf32>
        tpu.vector_store_idx %arg12[%add3A_228, %broadcast_in_dim3A_472], %mul3A_473 : memref<512x32xf32, #tpu.memory_space<vmem>>[vector<16xi32>, vector<16xi32>], vector<16xf32>,
        %broadcast_in_dim3A_474 = arith.constant 12 : i32
        %broadcast_in_dim3A_475 = vector.broadcast %broadcast_in_dim3A_474 : i32 to vector<16xi32>
        %mul3A_476 = arith.mulf %min3A_437, %gather3A_265 : vector<16xf32>
        tpu.vector_store_idx %arg12[%add3A_228, %broadcast_in_dim3A_475], %mul3A_476 : memref<512x32xf32, #tpu.memory_space<vmem>>[vector<16xi32>, vector<16xi32>], vector<16xf32>,
        %broadcast_in_dim3A_477 = arith.constant 13 : i32
        %broadcast_in_dim3A_478 = vector.broadcast %broadcast_in_dim3A_477 : i32 to vector<16xi32>
        %mul3A_479 = arith.mulf %min3A_437, %gather3A_268 : vector<16xf32>
        tpu.vector_store_idx %arg12[%add3A_228, %broadcast_in_dim3A_478], %mul3A_479 : memref<512x32xf32, #tpu.memory_space<vmem>>[vector<16xi32>, vector<16xi32>], vector<16xf32>,
        %broadcast_in_dim3A_480 = arith.constant 14 : i32
        %broadcast_in_dim3A_481 = vector.broadcast %broadcast_in_dim3A_480 : i32 to vector<16xi32>
        %mul3A_482 = arith.mulf %min3A_437, %gather3A_271 : vector<16xf32>
        tpu.vector_store_idx %arg12[%add3A_228, %broadcast_in_dim3A_481], %mul3A_482 : memref<512x32xf32, #tpu.memory_space<vmem>>[vector<16xi32>, vector<16xi32>], vector<16xf32>,
        %broadcast_in_dim3A_483 = arith.constant 15 : i32
        %broadcast_in_dim3A_484 = vector.broadcast %broadcast_in_dim3A_483 : i32 to vector<16xi32>
        %mul3A_485 = arith.mulf %min3A_437, %gather3A_274 : vector<16xf32>
        tpu.vector_store_idx %arg12[%add3A_228, %broadcast_in_dim3A_484], %mul3A_485 : memref<512x32xf32, #tpu.memory_space<vmem>>[vector<16xi32>, vector<16xi32>], vector<16xf32>,
        %broadcast_in_dim3A_486 = arith.constant 16 : i32
        %broadcast_in_dim3A_487 = vector.broadcast %broadcast_in_dim3A_486 : i32 to vector<16xi32>
        %mul3A_488 = arith.mulf %min3A_437, %gather3A_277 : vector<16xf32>
        tpu.vector_store_idx %arg12[%add3A_228, %broadcast_in_dim3A_487], %mul3A_488 : memref<512x32xf32, #tpu.memory_space<vmem>>[vector<16xi32>, vector<16xi32>], vector<16xf32>,
        %broadcast_in_dim3A_489 = arith.constant 17 : i32
        %broadcast_in_dim3A_490 = vector.broadcast %broadcast_in_dim3A_489 : i32 to vector<16xi32>
        %mul3A_491 = arith.mulf %min3A_437, %gather3A_280 : vector<16xf32>
        tpu.vector_store_idx %arg12[%add3A_228, %broadcast_in_dim3A_490], %mul3A_491 : memref<512x32xf32, #tpu.memory_space<vmem>>[vector<16xi32>, vector<16xi32>], vector<16xf32>,
        %broadcast_in_dim3A_492 = arith.constant 18 : i32
        %broadcast_in_dim3A_493 = vector.broadcast %broadcast_in_dim3A_492 : i32 to vector<16xi32>
        %mul3A_494 = arith.mulf %min3A_437, %gather3A_283 : vector<16xf32>
        tpu.vector_store_idx %arg12[%add3A_228, %broadcast_in_dim3A_493], %mul3A_494 : memref<512x32xf32, #tpu.memory_space<vmem>>[vector<16xi32>, vector<16xi32>], vector<16xf32>,
        %broadcast_in_dim3A_495 = arith.constant 19 : i32
        %broadcast_in_dim3A_496 = vector.broadcast %broadcast_in_dim3A_495 : i32 to vector<16xi32>
        %mul3A_497 = arith.mulf %min3A_437, %gather3A_286 : vector<16xf32>
        tpu.vector_store_idx %arg12[%add3A_228, %broadcast_in_dim3A_496], %mul3A_497 : memref<512x32xf32, #tpu.memory_space<vmem>>[vector<16xi32>, vector<16xi32>], vector<16xf32>,
        %broadcast_in_dim3A_498 = arith.constant 20 : i32
        %broadcast_in_dim3A_499 = vector.broadcast %broadcast_in_dim3A_498 : i32 to vector<16xi32>
        %mul3A_500 = arith.mulf %min3A_437, %gather3A_289 : vector<16xf32>
        tpu.vector_store_idx %arg12[%add3A_228, %broadcast_in_dim3A_499], %mul3A_500 : memref<512x32xf32, #tpu.memory_space<vmem>>[vector<16xi32>, vector<16xi32>], vector<16xf32>,
        %broadcast_in_dim3A_501 = arith.constant 21 : i32
        %broadcast_in_dim3A_502 = vector.broadcast %broadcast_in_dim3A_501 : i32 to vector<16xi32>
        %mul3A_503 = arith.mulf %min3A_437, %gather3A_292 : vector<16xf32>
        tpu.vector_store_idx %arg12[%add3A_228, %broadcast_in_dim3A_502], %mul3A_503 : memref<512x32xf32, #tpu.memory_space<vmem>>[vector<16xi32>, vector<16xi32>], vector<16xf32>,
        %broadcast_in_dim3A_504 = arith.constant 22 : i32
        %broadcast_in_dim3A_505 = vector.broadcast %broadcast_in_dim3A_504 : i32 to vector<16xi32>
        %mul3A_506 = arith.mulf %min3A_437, %gather3A_295 : vector<16xf32>
        tpu.vector_store_idx %arg12[%add3A_228, %broadcast_in_dim3A_505], %mul3A_506 : memref<512x32xf32, #tpu.memory_space<vmem>>[vector<16xi32>, vector<16xi32>], vector<16xf32>,
        %broadcast_in_dim3A_507 = arith.constant 23 : i32
        %broadcast_in_dim3A_508 = vector.broadcast %broadcast_in_dim3A_507 : i32 to vector<16xi32>
        %mul3A_509 = arith.mulf %min3A_437, %gather3A_298 : vector<16xf32>
        tpu.vector_store_idx %arg12[%add3A_228, %broadcast_in_dim3A_508], %mul3A_509 : memref<512x32xf32, #tpu.memory_space<vmem>>[vector<16xi32>, vector<16xi32>], vector<16xf32>,
        %broadcast_in_dim3A_510 = arith.constant 24 : i32
        %broadcast_in_dim3A_511 = vector.broadcast %broadcast_in_dim3A_510 : i32 to vector<16xi32>
        %mul3A_512 = arith.mulf %min3A_437, %gather3A_301 : vector<16xf32>
        tpu.vector_store_idx %arg12[%add3A_228, %broadcast_in_dim3A_511], %mul3A_512 : memref<512x32xf32, #tpu.memory_space<vmem>>[vector<16xi32>, vector<16xi32>], vector<16xf32>,
        %broadcast_in_dim3A_513 = arith.constant 25 : i32
        %broadcast_in_dim3A_514 = vector.broadcast %broadcast_in_dim3A_513 : i32 to vector<16xi32>
        %mul3A_515 = arith.mulf %min3A_437, %gather3A_304 : vector<16xf32>
        tpu.vector_store_idx %arg12[%add3A_228, %broadcast_in_dim3A_514], %mul3A_515 : memref<512x32xf32, #tpu.memory_space<vmem>>[vector<16xi32>, vector<16xi32>], vector<16xf32>,
        %broadcast_in_dim3A_516 = arith.constant 26 : i32
        %broadcast_in_dim3A_517 = vector.broadcast %broadcast_in_dim3A_516 : i32 to vector<16xi32>
        %mul3A_518 = arith.mulf %min3A_437, %gather3A_307 : vector<16xf32>
        tpu.vector_store_idx %arg12[%add3A_228, %broadcast_in_dim3A_517], %mul3A_518 : memref<512x32xf32, #tpu.memory_space<vmem>>[vector<16xi32>, vector<16xi32>], vector<16xf32>,
        %broadcast_in_dim3A_519 = arith.constant 27 : i32
        %broadcast_in_dim3A_520 = vector.broadcast %broadcast_in_dim3A_519 : i32 to vector<16xi32>
        %mul3A_521 = arith.mulf %min3A_437, %gather3A_310 : vector<16xf32>
        tpu.vector_store_idx %arg12[%add3A_228, %broadcast_in_dim3A_520], %mul3A_521 : memref<512x32xf32, #tpu.memory_space<vmem>>[vector<16xi32>, vector<16xi32>], vector<16xf32>,
        %broadcast_in_dim3A_522 = arith.constant 28 : i32
        %broadcast_in_dim3A_523 = vector.broadcast %broadcast_in_dim3A_522 : i32 to vector<16xi32>
        %mul3A_524 = arith.mulf %min3A_437, %gather3A_313 : vector<16xf32>
        tpu.vector_store_idx %arg12[%add3A_228, %broadcast_in_dim3A_523], %mul3A_524 : memref<512x32xf32, #tpu.memory_space<vmem>>[vector<16xi32>, vector<16xi32>], vector<16xf32>,
        %broadcast_in_dim3A_525 = arith.constant 29 : i32
        %broadcast_in_dim3A_526 = vector.broadcast %broadcast_in_dim3A_525 : i32 to vector<16xi32>
        %mul3A_527 = arith.mulf %min3A_437, %gather3A_316 : vector<16xf32>
        tpu.vector_store_idx %arg12[%add3A_228, %broadcast_in_dim3A_526], %mul3A_527 : memref<512x32xf32, #tpu.memory_space<vmem>>[vector<16xi32>, vector<16xi32>], vector<16xf32>,
        %broadcast_in_dim3A_528 = arith.constant 30 : i32
        %broadcast_in_dim3A_529 = vector.broadcast %broadcast_in_dim3A_528 : i32 to vector<16xi32>
        %mul3A_530 = arith.mulf %min3A_437, %gather3A_319 : vector<16xf32>
        tpu.vector_store_idx %arg12[%add3A_228, %broadcast_in_dim3A_529], %mul3A_530 : memref<512x32xf32, #tpu.memory_space<vmem>>[vector<16xi32>, vector<16xi32>], vector<16xf32>,
        %broadcast_in_dim3A_531 = arith.constant 31 : i32
        %broadcast_in_dim3A_532 = vector.broadcast %broadcast_in_dim3A_531 : i32 to vector<16xi32>
        %mul3A_533 = arith.mulf %min3A_437, %gather3A_322 : vector<16xf32>
        tpu.vector_store_idx %arg12[%add3A_228, %broadcast_in_dim3A_532], %mul3A_533 : memref<512x32xf32, #tpu.memory_space<vmem>>[vector<16xi32>, vector<16xi32>], vector<16xf32>,
      } else {
      }
      %scan3A_398 = arith.constant 0 : i32
      scf.yield %scan3A_398 : i32
    }
    %scan3A_222 = arith.constant 32 : i32
    "tpu.region"() ({
      %run_scoped3A = tpu.sem_alloc : memref<!tpu.dma_semaphore, #tpu.memory_space<semaphore_mem>>
      %dma_start3A_223 = arith.constant 0 : i32
      %dma_start3A_224 = tpu.memref_slice %arg7[%mul3A_3, %dma_start3A_223] : memref<16384x32xf32, #tpu.memory_space<hbm>> -> memref<512x32xf32, #tpu.memory_space<hbm>>
      %dma_start3A_225 = arith.constant 0 : i32
      %dma_start3A_226 = tpu.memref_slice %arg7[%mul3A_3, %dma_start3A_225] : memref<16384x32xf32, #tpu.memory_space<hbm>> -> memref<512x32xf32, #tpu.memory_space<hbm>>
      tpu.enqueue_dma source(%arg13 : memref<512x32xf32, #tpu.memory_space<vmem>>) target(%dma_start3A_226 : memref<512x32xf32, #tpu.memory_space<hbm>>) target_semaphore(%run_scoped3A : memref<!tpu.dma_semaphore, #tpu.memory_space<semaphore_mem>>)
      %dma_wait3A_227 = arith.constant 0 : i32
      %dma_wait3A_228 = tpu.memref_slice %arg7[%mul3A_3, %dma_wait3A_227] : memref<16384x32xf32, #tpu.memory_space<hbm>> -> memref<512x32xf32, #tpu.memory_space<hbm>>
      %dma_wait3A_229 = arith.constant 0 : i32
      %dma_wait3A_230 = tpu.memref_slice %arg7[%mul3A_3, %dma_wait3A_229] : memref<16384x32xf32, #tpu.memory_space<hbm>> -> memref<512x32xf32, #tpu.memory_space<hbm>>
      tpu.wait_dma2 semaphore(%run_scoped3A : memref<!tpu.dma_semaphore, #tpu.memory_space<semaphore_mem>>) src(%arg13 : memref<512x32xf32, #tpu.memory_space<vmem>>) dst(%dma_wait3A_230 : memref<512x32xf32, #tpu.memory_space<hbm>>)
      tpu.yield
    }) : () -> ()
    "tpu.region"() ({
      %run_scoped3A = tpu.sem_alloc : memref<!tpu.dma_semaphore, #tpu.memory_space<semaphore_mem>>
      %dma_start3A_223 = arith.constant 0 : i32
      %dma_start3A_224 = tpu.memref_slice %arg8[%mul3A_3, %dma_start3A_223] : memref<16384x32xf32, #tpu.memory_space<hbm>> -> memref<512x32xf32, #tpu.memory_space<hbm>>
      %dma_start3A_225 = arith.constant 0 : i32
      %dma_start3A_226 = tpu.memref_slice %arg8[%mul3A_3, %dma_start3A_225] : memref<16384x32xf32, #tpu.memory_space<hbm>> -> memref<512x32xf32, #tpu.memory_space<hbm>>
      tpu.enqueue_dma source(%arg12 : memref<512x32xf32, #tpu.memory_space<vmem>>) target(%dma_start3A_226 : memref<512x32xf32, #tpu.memory_space<hbm>>) target_semaphore(%run_scoped3A : memref<!tpu.dma_semaphore, #tpu.memory_space<semaphore_mem>>)
      %dma_wait3A_227 = arith.constant 0 : i32
      %dma_wait3A_228 = tpu.memref_slice %arg8[%mul3A_3, %dma_wait3A_227] : memref<16384x32xf32, #tpu.memory_space<hbm>> -> memref<512x32xf32, #tpu.memory_space<hbm>>
      %dma_wait3A_229 = arith.constant 0 : i32
      %dma_wait3A_230 = tpu.memref_slice %arg8[%mul3A_3, %dma_wait3A_229] : memref<16384x32xf32, #tpu.memory_space<hbm>> -> memref<512x32xf32, #tpu.memory_space<hbm>>
      tpu.wait_dma2 semaphore(%run_scoped3A : memref<!tpu.dma_semaphore, #tpu.memory_space<semaphore_mem>>) src(%arg12 : memref<512x32xf32, #tpu.memory_space<vmem>>) dst(%dma_wait3A_230 : memref<512x32xf32, #tpu.memory_space<hbm>>)
      tpu.yield
    }) : () -> ()
    return
  }
}

module attributes {stable_mosaic.version = 14 : i64} {
  func.func @_prescale_body(%arg0: i32, %arg1: memref<8000x32xf32, #tpu.memory_space<vmem>>, %arg2: memref<2000x128xf32, #tpu.memory_space<vmem>>) attributes {dimension_semantics = [#tpu.dimension_semantics<arbitrary>], iteration_bounds = array<i64: 125>, scalar_prefetch = 0 : i64, scratch_operands = 0 : i64, tpu.core_type = #tpu.core_type<tc>, window_params = [{transform_indices = @transform_0, window_bounds = array<i64: 8000, 32>}, {transform_indices = @transform_1, window_bounds = array<i64: 2000, 128>}]} {
    %get3A = arith.constant 0 : index
    %get3A_0 = arith.constant 0 : index
    %get3A_1 = vector.load %arg1[%get3A, %get3A_0] : memref<8000x32xf32, #tpu.memory_space<vmem>>, vector<8000x32xf32>
    %mul3A = arith.mulf %get3A_1, %get3A_1 : vector<8000x32xf32>
    %reduce_sum3A = arith.constant dense<0.000000e+00> : vector<8000xf32>
    %reduce_sum3A_2 = vector.multi_reduction <add>, %mul3A, %reduce_sum3A [1] : vector<8000x32xf32> to vector<8000xf32>
    %broadcast_in_dim3A = vector.shape_cast %reduce_sum3A_2 : vector<8000xf32> to vector<8000x1xf32>
    %sqrt3A = math.sqrt %broadcast_in_dim3A : vector<8000x1xf32>
    %max3A = arith.constant 1.000000e-07 : f32
    %max3A_3 = vector.broadcast %max3A : f32 to vector<8000x1xf32>
    %max3A_4 = arith.maximumf %sqrt3A, %max3A_3 : vector<8000x1xf32>
    %div3A = arith.constant 1.000000e+01 : f32
    %div3A_5 = vector.broadcast %div3A : f32 to vector<8000x1xf32>
    %div3A_6 = arith.divf %div3A_5, %max3A_4 : vector<8000x1xf32>
    %min3A = arith.constant 1.000000e+00 : f32
    %min3A_7 = vector.broadcast %min3A : f32 to vector<8000x1xf32>
    %min3A_8 = arith.minimumf %min3A_7, %div3A_6 : vector<8000x1xf32>
    %mul3A_9 = vector.broadcast %min3A_8 : vector<8000x1xf32> to vector<8000x32xf32>
    %mul3A_10 = arith.mulf %get3A_1, %mul3A_9 : vector<8000x32xf32>
    %slice3A = vector.extract_strided_slice %mul3A_10 {offsets = [0, 0], sizes = [2000, 32], strides = [1, 1]} : vector<8000x32xf32> to vector<2000x32xf32>
    %slice3A_11 = vector.extract_strided_slice %mul3A_10 {offsets = [2000, 0], sizes = [2000, 32], strides = [1, 1]} : vector<8000x32xf32> to vector<2000x32xf32>
    %slice3A_12 = vector.extract_strided_slice %mul3A_10 {offsets = [4000, 0], sizes = [2000, 32], strides = [1, 1]} : vector<8000x32xf32> to vector<2000x32xf32>
    %slice3A_13 = vector.extract_strided_slice %mul3A_10 {offsets = [6000, 0], sizes = [2000, 32], strides = [1, 1]} : vector<8000x32xf32> to vector<2000x32xf32>
    %concatenate3A = tpu.concatenate %slice3A, %slice3A_11, %slice3A_12, %slice3A_13 in 1 : vector<2000x32xf32>, vector<2000x32xf32>, vector<2000x32xf32>, vector<2000x32xf32> -> vector<2000x128xf32>
    %swap3A = arith.constant 0 : index
    %swap3A_14 = arith.constant 0 : index
    %swap3A_15 = vector.load %arg2[%swap3A, %swap3A_14] : memref<2000x128xf32, #tpu.memory_space<vmem>>, vector<2000x128xf32>
    tpu.vector_store %arg2[%swap3A, %swap3A_14], %concatenate3A {strides = array<i32>} : memref<2000x128xf32, #tpu.memory_space<vmem>>, vector<2000x128xf32>,
    return
  }
  func.func @transform_0(%arg0: i32) -> (i32, i32) {
    %c0_i32 = arith.constant 0 : i32
    %c0_i32_0 = arith.constant 0 : i32
    return %arg0, %c0_i32 : i32, i32
  }
  func.func @transform_1(%arg0: i32) -> (i32, i32) {
    %c0_i32 = arith.constant 0 : i32
    %c0_i32_0 = arith.constant 0 : i32
    return %arg0, %c0_i32 : i32, i32
  }
}

</mosaic_0001>

<sc_bundles>
// kernel: kernel.4.cloned.1.call-start
scs
__scs_entry_jumppad:
0x0: {  	(pc) =	sbr.rel $0x88, $3  }
0x1: {  	(tag) =	ssettag $0x0;
	lr =	simm.s32 $0x1  }
0x2: {  	[smem:$0x3F9D] =	sst lr;
	_ =	strace $0xD0000000  }
0x3: {  	_ = 	snop  }
0x4: {  	_ = 	snop  }
0x5: {  	_ = 	snop  }
0x6: {  	_ = 	snop  }
0x7: {  	_ = 	snop  }
__scs_overlays_trampoline_lowered:
0x8: {  	[smem:$0x3FAC] =	sst s0  }
0x9: {  	[smem:$0x3FAD] =	sst s1  }
0xa: {  	[smem:$0x3FAE] =	sst s2  }
0xb: {  	[smem:$0x3FAF] =	sst s3  }
0xc: {  	[smem:$0x3FB0] =	sst s4  }
0xd: {  	[smem:$0x3FB1] =	sst s5  }
0xe: {  	[smem:$0x3FB2] =	sst s6  }
0xf: {  	[smem:$0x3FB3] =	sst s7  }
0x10: {  	[smem:$0x3FB4] =	sst s8  }
0x11: {  	[smem:$0x3FB5] =	sst s9;
	s0 =	simm.s32 @!p0 $0x0  }
0x12: {  	s1 =	sld [smem:$0x3F9B];
	s0 =	simm.s32 @p0 $0x1  }
0x13: {  	[smem:$0x3FB6] =	sst s0;
	s0 =	simm.s32 @!p1 $0x0  }
0x14: {  	s2 =	sld [smem:$0x3F9A];
	s0 =	simm.s32 @p1 $0x1  }
0x15: {  	[smem:$0x3FB7] =	sst s0;
	s0 =	simm.s32 @!p2 $0x0  }
0x16: {  	s3 =	sld [smem:$0x3FDB];
	s0 =	simm.s32 @p2 $0x1  }
0x17: {  	s4 =	simm.s32 $0x1BF5;
	[smem:$0x3FB9] =	sst s0  }
0x18: {  	s0 =	sld [smem:$0x3F9C];
	_ =	swait.ge [sflag:s4], $0x0  }
0x19: {  	s7 =	sld [smem:$0x3F9D]  }
0x1a: {  	s8 =	sadd.s32 $0xFFFFE003, lr  }
0x1b: {  	s9 =	sadd.s32 $0xFFFFFEF7, lr;
	s5 =	simm.s32 $0xFFFFFFFF;
	p2 =	slt.u32 s8, $0xFFFFF086  }
0x1c: {  	p1 =	slt.u32 s9, $0xF7A;
	s5 =	simm.s32 @!p2 $0x0  }
0x1d: {  	s5 =	simm.s32 @p1 $0x1;
	p0 =	seq.s32 s7, s2  }
0x1e: {  	s7 =	smul.u32 @!p0 $0xF7A, s2;
	p2 =	seq.s32 @!p0 s5, $0x0  }
0x1f: {  	s9 =	smul.u32 $0xF7A, s1;
	s8 =	simm.s32 @!p0 $0x1BF5;
	p2 =	por !p2, p0  }
0x20: {  	[sflag:s8] =	ssyncset.s32 @!p0 $0xFFFFF086;
	s6 =	sadd.s32 @!p0 s3, s7;
	s7 =	simm.s32 @!p0 $0x108  }
0x21: {  	s3 =	sadd.s32 s3, s9;
	s6 =	sadd.s32 @!p0 $0x88, s6;
	s7 =	simm.s32 @p2 $0x1082  }
0x22: {  	[simem:s7], [sflag:s8] =	dma.local @!p0 [hbm:s6], $0xF7A  }
0x23: {  	s9 =	sor.u32 $0xD0000000, s2;
	s6 =	simm.s32 $0x108;
	_ =	swait.ge @!p0 [sflag:s8], $0x0  }
0x24: {  	s3 =	sadd.s32 $0x88, s3;
	s6 =	simm.s32 @!p1 $0x1082;
	[sflag:s4] =	ssyncset.s32 $0xFFFFF086  }
0x25: {  	[simem:s6], [sflag:s4] =	dma.local [hbm:s3], $0xF7A  }
0x26: {  	[smem:$0x3F9D] =	sst s1;
	(tag) =	ssettag s2;
	_ =	strace s9  }
0x27: {  	s1 =	sld [smem:$0x3FAD]  }
0x28: {  	s2 =	sld [smem:$0x3FAE]  }
0x29: {  	s4 =	sld [smem:$0x3FB0]  }
0x2a: {  	p0 =	seq.s32 s5, $0x0;
	s5 =	sld [smem:$0x3FB1]  }
0x2b: {  	s6 =	sld [smem:$0x3FB2]  }
0x2c: {  	s7 =	sld [smem:$0x3FB3]  }
0x2d: {  	s3 =	simm.s32 $0x108;
	s8 =	sld [smem:$0x3FB4]  }
0x2e: {  	s3 =	simm.s32 @!p0 $0x1082;
	s9 =	sld [smem:$0x3FB5]  }
0x2f: {  	lr =	sadd.s32 s0, s3;
	s0 =	sld [smem:$0x3FAC]  }
0x30: {  	s3 =	sld [smem:$0x3FAF]  }
0x31: {  	[smem:$0x3FB8] =	sst s10  }
0x32: {  	s10 =	sld [smem:$0x3FB6];
	_ =	sdelay $0x3  }
0x33: {  	p0 =	seq.s32 s10, $0x1;
	s10 =	sld [smem:$0x3FB8];
	_ =	sdelay $0x3  }
0x34: {  	[smem:$0x3FB8] =	sst s10  }
0x35: {  	s10 =	sld [smem:$0x3FB7];
	_ =	sdelay $0x3  }
0x36: {  	p1 =	seq.s32 s10, $0x1;
	s10 =	sld [smem:$0x3FB8];
	_ =	sdelay $0x3  }
0x37: {  	[smem:$0x3FB8] =	sst s10  }
0x38: {  	s10 =	sld [smem:$0x3FB9]  }
0x39: {  	_ = 	snop;
	(pc) =	sbr.ind lr, $3  }
0x3a: {  	_ = 	snop  }
0x3b: {  	_ = 	snop  }
0x3c: {  	p2 =	seq.s32 s10, $0x1;
	s10 =	sld [smem:$0x3FB8]  }
0x3d: {  	_ =	shalt  }
0x3e: {  	_ =	shalt  }
0x3f: {  	_ =	shalt  }
0x40: {  	_ =	shalt  }
0x41: {  	_ =	shalt  }
0x42: {  	_ =	shalt  }
0x43: {  	_ =	shalt  }
0x44: {  	_ =	shalt  }
0x45: {  	_ =	shalt  }
0x46: {  	_ =	shalt  }
0x47: {  	_ =	shalt  }
0x48: {  	_ =	shalt  }
0x49: {  	_ =	shalt  }
0x4a: {  	_ =	shalt  }
0x4b: {  	_ =	shalt  }
0x4c: {  	_ =	shalt  }
0x4d: {  	_ =	shalt  }
0x4e: {  	_ =	shalt  }
0x4f: {  	_ =	shalt  }
0x50: {  	_ =	shalt  }
0x51: {  	_ =	shalt  }
0x52: {  	_ =	shalt  }
0x53: {  	_ =	shalt  }
0x54: {  	_ =	shalt  }
0x55: {  	_ =	shalt  }
0x56: {  	_ =	shalt  }
0x57: {  	_ =	shalt  }
0x58: {  	_ =	shalt  }
0x59: {  	_ =	shalt  }
0x5a: {  	_ =	shalt  }
0x5b: {  	_ =	shalt  }
0x5c: {  	_ =	shalt  }
0x5d: {  	_ =	shalt  }
0x5e: {  	_ =	shalt  }
0x5f: {  	_ =	shalt  }
0x60: {  	_ =	shalt  }
0x61: {  	_ =	shalt  }
0x62: {  	_ =	shalt  }
0x63: {  	_ =	shalt  }
0x64: {  	_ =	shalt  }
0x65: {  	_ =	shalt  }
0x66: {  	_ =	shalt  }
0x67: {  	_ =	shalt  }
0x68: {  	_ =	shalt  }
0x69: {  	_ =	shalt  }
0x6a: {  	_ =	shalt  }
0x6b: {  	_ =	shalt  }
0x6c: {  	_ =	shalt  }
0x6d: {  	_ =	shalt  }
0x6e: {  	_ =	shalt  }
0x6f: {  	_ =	shalt  }
0x70: {  	_ =	shalt  }
0x71: {  	_ =	shalt  }
0x72: {  	_ =	shalt  }
0x73: {  	_ =	shalt  }
0x74: {  	_ =	shalt  }
0x75: {  	_ =	shalt  }
0x76: {  	_ =	shalt  }
0x77: {  	_ =	shalt  }
0x78: {  	_ =	shalt  }
0x79: {  	_ =	shalt  }
0x7a: {  	_ =	shalt  }
0x7b: {  	_ =	shalt  }
0x7c: {  	_ =	shalt  }
0x7d: {  	_ =	shalt  }
0x7e: {  	_ =	shalt  }
0x7f: {  	_ =	shalt  }
0x80: {  	_ =	shalt  }
0x81: {  	_ =	shalt  }
0x82: {  	_ =	shalt  }
0x83: {  	_ =	shalt  }
0x84: {  	_ =	shalt  }
0x85: {  	_ =	shalt  }
0x86: {  	_ =	shalt  }
0x87: {  	_ =	shalt  }
.Lfunc_end0:
.L_simem_size_0:
called_computation_lowered:
.L_overlay_start_0:
0x88: {  	s2 =	sld [smem:$0x3FD9]  }
0x89: {  	s3 =	sld [smem:$0x3FFE];
	_ =	sdelay $0x1  }
0x8a: {  	s1 =	srdreg.scid  }
0x8b: {  	s0 =	sand.u32 $0x1, s1  }
0x8c: {  	s14 =	sshll.u32 s0, $0xA;
	s2 =	sadd.s32 s3, s2  }
0x8d: {  	s2 =	sadd.s32 s2, s14  }
0x8e: {  	[smem:$0x3FC4] =	sst s2  }
0x8f: {  	_ = 	snop  }
0x90: {  	s2 =	sld [smem:$0x3FD0];
	_ =	sdelay $0x2  }
0x91: {  	s4 =	simm.s32 $0xA;
	s5 =	simm.s32 $0x10;
	s15 =	sld [smem:$0x3FC8]  }
0x92: {  	[smem:s5], [sflag:s4] =	dma.local [hbm:s2], $0x1  }
0x93: {  	_ =	swait.eq [sflag:s4], $0x1  }
0x94: {  	[sflag:s4] =	ssyncset.done $0x0  }
0x95: {  	s16 =	sld [smem:$0x10];
	[sflag:s4] =	ssyncadd.s32 $0xFFFFFFFF  }
0x96: {  	s17 =	sld [smem:$0x11];
	(tm) =	ssettm $0x1  }
0x97: {  	s18 =	sld [smem:$0x3FFB];
	_ =	sdelay $0x3  }
0x98: {  	_ =	strace s18  }
0x99: {  	s5 =	sld [smem:$0x3FFC];
	_ =	sdelay $0x3  }
0x9a: {  	_ =	strace s5  }
0x9b: {  	s5 =	sld [smem:$0x3FFD];
	_ =	sdelay $0x3  }
0x9c: {  	_ =	strace s5  }
0x9d: {  	_ =	strace $0x8FFFFFFF  }
0x9e: {  	s19 =	sld [smem:$0x3FDB];
	_ =	sdelay $0x1  }
0x9f: {  	s6 =	simm.s32 $_scs_section_size  }
0xa0: {  	s7 =	simm.s32 $_size__tile_overlayer_lowered;
	s8 =	simm.s32 $_tile_overlayer_lowered  }
0xa1: {  	s22 =	simm.s32 $0x1BFF;
	s21 =	sshll.u32 s8, $0x1;
	s5 =	sadd.s32 s6, s19  }
0xa2: {  	s9 =	simm.s32 $0x0;
	s20 =	sshll.u32 s7, $0x1;
	s7 =	sadd.s32 s21, s5  }
0xa3: {  	[timem:s9], [sflag:s22] =	dma.local [hbm:s7], s20  }
0xa4: {  	_ =	swait.ge [sflag:s22], s20  }
0xa5: {  	s6 =	ssub.s32 $0x0, s20;
	[sflag:s22] =	ssyncset.done $0x0  }
0xa6: {  	[sflag:s22] =	ssyncadd.s32 s6;
	_ =	sdelay $0x1  }
0xa7: {  	s23 =	simm.s32 $0x1B8B  }
0xa8: {  	_ =	swait.ge [sflag:s23], $0x1  }
0xa9: {  	[sflag:s23] =	ssyncset.done $0x0  }
0xaa: {  	s25 =	simm.s32 $0x1B8E;
	s24 =	sld [smem:$0x3FFE];
	[sflag:s23] =	ssyncadd.s32 $0xFFFFFFFF  }
0xab: {  	s26 =	simm.s32 $execute0_lowered;
	[smem:$0x3FD2] =	sst s25  }
0xac: {  	s7 =	sshll.u32 s26, $0x1;
	_ =	strace $0x80000046;
	[dreg:$0x1] =	wrdreg $0xFFFFFFFF  }
0xad: {  	s28 =	simm.s32 $_size_execute0_lowered;
	s5 =	sadd.s32 s5, s7;
	[dreg:$0x0] =	wrdreg $0x0  }
0xae: {  	s7 =	sshll.u32 s28, $0x1;
	[dreg:$0x2] =	wrdreg s5  }
0xaf: {  	[dreg:$0x3] =	wrdreg s7  }
0xb0: {  	[dreg:$0x4] =	wrdreg $0xC0  }
0xb1: {  	_ =	task [dreg:s9], $0x5FFFF  }
0xb2: {  	[dreg:$0x1] =	wrdreg $0xFFFFFFFF  }
0xb3: {  	[dreg:$0x0] =	wrdreg $0x60  }
0xb4: {  	[dreg:$0x2] =	wrdreg s24  }
0xb5: {  	[dreg:$0x3] =	wrdreg s15  }
0xb6: {  	[dreg:$0x4] =	wrdreg s16  }
0xb7: {  	[dreg:$0x5] =	wrdreg s17  }
0xb8: {  	[dreg:$0x6] =	wrdreg $0x9  }
0xb9: {  	_ =	task.clear_ibuf [dreg:s9], $0x7FFFF;
	_ =	strace $0x90000046  }
0xba: {  	s29 =	simm.s32 $0x9;
	_ =	strace $0x80000048  }
0xbb: {  	_ =	swait.ge [sflag:s29], $0x1  }
0xbc: {  	[sflag:s29] =	ssyncadd.s32 $0xFFFFFFFF  }
0xbd: {  	_ =	strace $0x90000048  }
0xbe: {  	_ =	sfence  }
0xbf: {  	s30 =	sld [smem:$0x0];
	_ =	sdelay $0x2  }
0xc0: {  	s31 =	sshll.u32 s1, $0xD;
	s1 =	sshrl.u32 s1, $0x2  }
0xc1: {  	s3 =	sand.u32 $0x4000, s31;
	s1 =	sadd.s32 s1, s30  }
0xc2: {  	s0 =	sor.u32 s3, s0;
	s1 =	sshll.u32 s1, $0x11  }
0xc3: {  	s0 =	sor.u32 s1, s0  }
0xc4: {  	s0 =	sadd.s32 $0x8F2B, s0  }
0xc5: {  	[sflag:s0] =	ssyncadd.remote.s32 $0x1  }
0xc6: {  	_ =	sfence.sel $0xFFFF  }
0xc7: {  	[dreg:$0x0] =	wrdreg $0xFFFFFFFF;
	(pc) =	sbr.abs _section_cstart, $3  }
0xc8: {  	[dreg:$0x1] =	wrdreg $0xFFFFFFFF  }
0xc9: {  	_ =	task.clear_ibuf [dreg:s9], $0x2FFFF;
	_ =	strace $0x9FFFFFFF  }
0xca: {  	(tm) =	ssettm $0x7FFFFFFF  }
0xcb: {  	_ =	shalt  }
tec
execute0_lowered:
.L_overlay_start_1:
0x0: {  	(tag) =	ssettag $0x1  }
0x1: {  	s0 =	rddreg [dreg:$0x0]  }
0x2: {  	s1 =	rddreg [dreg:$0x1];
	s2 =	srdreg.scid  }
0x3: {  	s3 =	stileid.u32;
	s8 =	rddreg [dreg:$0x3];
	s12 =	simm.s32 $0x4  }
0x4: {  	s13 =	simm.s32 $0x13000;
	s14 =	simm.s32 $0x80;
	s15 =	simm.s32 $0x13200  }
0x5: {  	s22 =	simm.s32 $0x64;
	s16 =	simm.s32 $0xB300;
	s17 =	simm.s32 $0x2D8  }
0x6: {  	s18 =	simm.s32 $0xBF80;
	s19 =	simm.s32 $0x3;
	s20 =	simm.s32 $0x17200  }
0x7: {  	s21 =	simm.s32 $0x0;
	s2 =	sand.u32 $0x1, s2;
	s3 =	sshll.u32 s3, $0x1  }
0x8: {  	s5 =	sadd.s32 $0xF43000, s0;
	s6 =	sor.u32 s2, s3;
	s3 =	simm.s32 $0x0  }
0x9: {  	s2 =	ssub.s32 $0x2, s2;
	s4 =	smul.u32 $0xD00, s6;
	[smem:$0x7FF] =	sst s3  }
0xa: {  	s9 =	sshll.u32 s6, $0xB;
	s10 =	sshrl.u32 s2, $0x1;
	s11 =	sshll.u32 s6, $0x6  }
.Ltmp0:
0xb: {  	_ =	strace $0x80000047;
	s2 =	ssub.s32 s2, s10;
	(pc) =	sbr.rel .LBB2_1-.Ltmp0, $4  }
0xc: {  	v0 =	vlaneseq.u32;
	s8 =	sadd.s32 s8, s9;
	s7 =	sadd.s32 s4, s0;
	s4 =	sadd.s32 $0x1313A00, s0  }
0xd: {  	v0 =	vmul.u32 $0x20, v0;
	s0 =	sadd.s32 s9, s0;
	s10 =	smax.u32 s2, $0x1;
	s2 =	simm.s32 $0xA680  }
0xe: {  	s6 =	sadd.s32 $0xC00, s7;
	s7 =	sadd.s32 s1, s11;
	s9 =	sadd.s32 $0x1AC00, s0  }
0xf: {  	[tilespmem:$0x1FFF0] =	vst v0;
	s1 =	simm.s32 $0x9A00;
	s0 =	simm.s32 $0x208;
	s11 =	simm.s32 $0x270  }
.LBB2_9:
0x10: {  	[hbm4b:s8+s3] =	stream.linear.scatter [tilespmem:s20], [sflag:$0x4], $0x4000, $0x38;
	[tilespmem:$0x1B210] =	vst v63  }
0x11: {  	s21 =	sadd.s32 $0x1, s21;
	_ =	swait.ge [sflag:s12], $0x4000  }
0x12: {  	p0 =	sne.s32 s21, s10;
	[sflag:s12] =	ssyncset.done $0x0  }
.Ltmp1:
0x13: {  	[sflag:s12] =	ssyncadd.s32 $0xFFFFC000;
	(pc) =	sbr.rel @!p0 .LBB2_10-.Ltmp1, $4  }
0x14: {  	[hbm4b:s9+s3] =	stream.linear.scatter [tilespmem:s15], [sflag:$0x4], $0x4000, $0x38;
	[tilespmem:$0x1B210] =	vst v63  }
0x15: {  	_ =	swait.ge [sflag:s12], $0x4000  }
0x16: {  	[sflag:s12] =	ssyncset.done $0x0  }
0x17: {  	[sflag:s12] =	ssyncadd.s32 $0xFFFFC000  }
.LBB2_1:
0x18: {  	s23 =	rddreg [dreg:$0x2];
	s24 =	simm.s32 $0x1B200  }
0x19: {  	[tilespmem:s24], [sflag:$0x4] =	stream.linear.gather [hbm4b:s23+s3], $0x1, $0x38;
	[tilespmem:$0x1B210] =	vst v63  }
0x1a: {  	_ =	swait.ge [sflag:s12], $0x1  }
0x1b: {  	[sflag:s12] =	ssyncset.done $0x0  }
0x1c: {  	[sflag:s12] =	ssyncadd.s32 $0xFFFFFFFF  }
0x1d: {  	v0 =	vld [tilespmem:$0x1B200];
	_ =	sdelay $0x3  }
0x1e: {  	[tilespmem:s3], [sflag:$0x4] =	stream.linear.gather [hbm4b:s6+s3], $0x6800, $0x38;
	[tilespmem:$0x1B210] =	vst v63  }
0x1f: {  	[tilespmem:$0x1FFE0] =	vst v0  }
0x20: {  	_ =	swait.ge [sflag:s12], $0x6800  }
0x21: {  	[sflag:s12] =	ssyncset.done $0x0  }
0x22: {  	[sflag:s12] =	ssyncadd.s32 $0xFFFF9800  }
0x23: {  	[tilespmem:s13], [sflag:$0x4] =	stream.linear.gather [hbm4b:s7+s3], $0x200, $0x38;
	[tilespmem:$0x1B210] =	vst v63  }
0x24: {  	_ =	swait.ge [sflag:s12], $0x200  }
0x25: {  	[sflag:s12] =	ssyncset.done $0x0  }
0x26: {  	[sflag:s12] =	ssyncadd.s32 $0xFFFFFE00  }
0x27: {  	[tilespmem:s15], [sflag:$0x3] =	stream.indirect.gather [hbm4b:s5+s14], $0x20, s13, s14, $0xb8;
	[tilespmem:$0x1B210] =	vst v63  }
0x28: {  	s25 =	simm.s32 $0x14200;
	s24 =	simm.s32 $0x13080  }
0x29: {  	[tilespmem:s25], [sflag:$0x3] =	stream.indirect.gather [hbm4b:s5+s14], $0x20, s24, s14, $0xb8;
	[tilespmem:$0x1B210] =	vst v63  }
0x2a: {  	s26 =	simm.s32 $0x13100;
	s28 =	simm.s32 $0x15200  }
0x2b: {  	[tilespmem:s28], [sflag:$0x3] =	stream.indirect.gather [hbm4b:s5+s14], $0x20, s26, s14, $0xb8;
	[tilespmem:$0x1B210] =	vst v63  }
0x2c: {  	s29 =	simm.s32 $0x13180;
	s30 =	simm.s32 $0x16200  }
0x2d: {  	[tilespmem:s30], [sflag:$0x3] =	stream.indirect.gather [hbm4b:s5+s14], $0x20, s29, s14, $0xb8;
	[tilespmem:$0x1B210] =	vst v63  }
0x2e: {  	s31 =	simm.s32 $0x6800  }
0x2f: {  	[tilespmem:s31], [sflag:$0x1] =	stream.indirect.gather [hbm4b:s4+s22], $0x20, s3, s22, $0xb8;
	[tilespmem:$0x1B210] =	vst v63  }
0x30: {  	s24 =	simm.s32 $0x68;
	s25 =	simm.s32 $0x7480  }
0x31: {  	[tilespmem:s25], [sflag:$0x1] =	stream.indirect.gather [hbm4b:s4+s22], $0x20, s24, s22, $0xb8;
	[tilespmem:$0x1B210] =	vst v63  }
0x32: {  	s26 =	simm.s32 $0xD0;
	s28 =	simm.s32 $0x8100  }
0x33: {  	[tilespmem:s28], [sflag:$0x1] =	stream.indirect.gather [hbm4b:s4+s22], $0x20, s26, s22, $0xb8;
	[tilespmem:$0x1B210] =	vst v63  }
0x34: {  	s29 =	simm.s32 $0x138;
	s30 =	simm.s32 $0x8D80  }
0x35: {  	[tilespmem:s30], [sflag:$0x1] =	stream.indirect.gather [hbm4b:s4+s22], $0x20, s29, s22, $0xb8;
	[tilespmem:$0x1B210] =	vst v63  }
0x36: {  	s31 =	simm.s32 $0x1A0  }
0x37: {  	[tilespmem:s1], [sflag:$0x1] =	stream.indirect.gather [hbm4b:s4+s22], $0x20, s31, s22, $0xb8;
	[tilespmem:$0x1B210] =	vst v63  }
0x38: {  	_ = 	snop  }
0x39: {  	[tilespmem:s2], [sflag:$0x1] =	stream.indirect.gather [hbm4b:s4+s22], $0x20, s0, s22, $0xb8;
	[tilespmem:$0x1B210] =	vst v63  }
0x3a: {  	_ = 	snop  }
0x3b: {  	[tilespmem:s16], [sflag:$0x1] =	stream.indirect.gather [hbm4b:s4+s22], $0x20, s11, s22, $0xb8;
	[tilespmem:$0x1B210] =	vst v63  }
0x3c: {  	s23 =	simm.s32 $0x0  }
0x3d: {  	[tilespmem:s18], [sflag:$0x1] =	stream.indirect.gather [hbm4b:s4+s22], $0x20, s17, s22, $0xb8;
	[tilespmem:$0x1B210] =	vst v63  }
.LBB2_2:
0x3e: {  	s24 =	sand.u32 $0x1, s23  }
0x3f: {  	s25 =	sadd.s32 $0x1, s24  }
0x40: {  	_ =	swait.ge [sflag:s25], $0xC80  }
0x41: {  	[sflag:s25] =	ssyncset.done $0x0  }
0x42: {  	[sflag:s25] =	ssyncadd.s32 $0xFFFFF380  }
0x43: {  	_ =	swait.ge [sflag:s25], $0xC80  }
0x44: {  	[sflag:s25] =	ssyncset.done $0x0  }
0x45: {  	[sflag:s25] =	ssyncadd.s32 $0xFFFFF380  }
0x46: {  	_ =	swait.ge [sflag:s25], $0xC80  }
0x47: {  	[sflag:s25] =	ssyncset.done $0x0  }
0x48: {  	[sflag:s25] =	ssyncadd.s32 $0xFFFFF380  }
0x49: {  	_ =	swait.ge [sflag:s25], $0xC80  }
0x4a: {  	[sflag:s25] =	ssyncset.done $0x0  }
0x4b: {  	[sflag:s25] =	ssyncadd.s32 $0xFFFFF380  }
0x4c: {  	_ =	swait.ge [sflag:s25], $0xC80  }
0x4d: {  	[sflag:s25] =	ssyncset.done $0x0  }
0x4e: {  	[sflag:s25] =	ssyncadd.s32 $0xFFFFF380  }
0x4f: {  	_ =	swait.ge [sflag:s25], $0xC80  }
0x50: {  	[sflag:s25] =	ssyncset.done $0x0  }
0x51: {  	[sflag:s25] =	ssyncadd.s32 $0xFFFFF380  }
0x52: {  	p0 =	seq.s32 s23, $0x1F;
	_ =	swait.ge [sflag:s25], $0xC80  }
0x53: {  	s26 =	sxor.u32 @!p0 $0x1, s24;
	s29 =	smul.u32 @!p0 $0xD00, s23;
	[sflag:s25] =	ssyncset.done $0x0  }
0x54: {  	s28 =	smul.u32 @!p0 $0x19000, s26;
	[sflag:s25] =	ssyncadd.s32 $0xFFFFF380  }
0x55: {  	s31 =	simm.s32 @!p0 $0x64;
	s26 =	sadd.s32 @!p0 $0x1, s26;
	_ =	swait.ge [sflag:s25], $0xC80  }
0x56: {  	s29 =	sshra.s32 @!p0 s29, $0x2;
	s28 =	sshrl.u32 @!p0 s28, $0x2;
	[sflag:s25] =	ssyncset.done $0x0  }
0x57: {  	s30 =	sadd.s32 @!p0 $0x340, s29;
	[sflag:s25] =	ssyncadd.s32 $0xFFFFF380;
	s25 =	sadd.s32 @!p0 $0x6800, s28  }
0x58: {  	[tilespmem:s25], [sflag:s26] =	stream.indirect.gather @!p0 [hbm4b:s4+s31], $0x20, s30, s31, $0xb8;
	[tilespmem:$0x1B210] =	vst v63  }
0x59: {  	s25 =	sadd.s32 @!p0 $0x7480, s28;
	s30 =	sadd.s32 @!p0 $0x3A8, s29  }
0x5a: {  	[tilespmem:s25], [sflag:s26] =	stream.indirect.gather @!p0 [hbm4b:s4+s31], $0x20, s30, s31, $0xb8;
	[tilespmem:$0x1B210] =	vst v63  }
0x5b: {  	s25 =	sor.u32 @!p0 $0x8100, s28;
	s30 =	sadd.s32 @!p0 $0x410, s29  }
0x5c: {  	[tilespmem:s25], [sflag:s26] =	stream.indirect.gather @!p0 [hbm4b:s4+s31], $0x20, s30, s31, $0xb8;
	[tilespmem:$0x1B210] =	vst v63  }
0x5d: {  	s25 =	sadd.s32 @!p0 $0x8D80, s28;
	s30 =	sadd.s32 @!p0 $0x478, s29  }
0x5e: {  	[tilespmem:s25], [sflag:s26] =	stream.indirect.gather @!p0 [hbm4b:s4+s31], $0x20, s30, s31, $0xb8;
	[tilespmem:$0x1B210] =	vst v63  }
0x5f: {  	s25 =	sadd.s32 @!p0 $0x9A00, s28;
	s30 =	sadd.s32 @!p0 $0x4E0, s29  }
0x60: {  	[tilespmem:s25], [sflag:s26] =	stream.indirect.gather @!p0 [hbm4b:s4+s31], $0x20, s30, s31, $0xb8;
	[tilespmem:$0x1B210] =	vst v63  }
0x61: {  	s25 =	sadd.s32 @!p0 $0xA680, s28;
	s30 =	sadd.s32 @!p0 $0x548, s29  }
0x62: {  	[tilespmem:s25], [sflag:s26] =	stream.indirect.gather @!p0 [hbm4b:s4+s31], $0x20, s30, s31, $0xb8;
	[tilespmem:$0x1B210] =	vst v63  }
0x63: {  	s24 =	smul.u32 $0x19000, s24;
	s25 =	sadd.s32 @!p0 $0xB300, s28;
	s30 =	sadd.s32 @!p0 $0x5B0, s29  }
0x64: {  	[tilespmem:s25], [sflag:s26] =	stream.indirect.gather @!p0 [hbm4b:s4+s31], $0x20, s30, s31, $0xb8;
	[tilespmem:$0x1B210] =	vst v63  }
0x65: {  	s24 =	sshrl.u32 s24, $0x2;
	s25 =	sadd.s32 @!p0 $0xBF80, s28;
	s28 =	sadd.s32 @!p0 $0x618, s29  }
0x66: {  	[tilespmem:s25], [sflag:s26] =	stream.indirect.gather @!p0 [hbm4b:s4+s31], $0x20, s28, s31, $0xb8;
	[tilespmem:$0x1B210] =	vst v63  }
0x67: {  	s31 =	sadd.s32 $0x6800, s24  }
0x68: {  	v3 =	vmov s31  }
0x69: {  	s24 =	sshll.u32 s23, $0x4;
	s25 =	simm.s32 $0x0  }
.LBB2_3:
0x6a: {  	s26 =	smul.u32 $0x1900, s25;
	_ =	sdelay $0x1  }
0x6b: {  	s29 =	sshra.s32 s26, $0x2  }
0x6c: {  	v60 =	vld.idx.msk [tilespmem:v3+s29+$0x30 ss:$0x1], $0xffff;
	_ =	sdelay $0x4  }
0x6d: {  	[tilespmem:$0x1FC10] =	vst v60;
	v60 =	vld.idx.msk [tilespmem:v3+s29+$0x190 ss:$0x1], $0xffff;
	_ =	sdelay $0x4  }
0x6e: {  	[tilespmem:$0x1FCC0] =	vst v60;
	v60 =	vld.idx.msk [tilespmem:v3+s29+$0x2F0 ss:$0x1], $0xffff;
	_ =	sdelay $0x4  }
0x6f: {  	[tilespmem:$0x1FD70] =	vst v60;
	v60 =	vld.idx.msk [tilespmem:v3+s29+$0x610 ss:$0x1], $0xffff;
	_ =	sdelay $0x4  }
0x70: {  	[tilespmem:$0x1FE20] =	vst v60;
	v60 =	vld.idx.msk [tilespmem:v3+s29+$0x630 ss:$0x1], $0xffff  }
0x71: {  	s31 =	sor.u32 $0x1, s25  }
0x72: {  	s28 =	smul.u32 $0x1900, s31;
	_ =	sdelay $0x1  }
0x73: {  	s28 =	sshra.s32 s28, $0x2  }
0x74: {  	[tilespmem:$0x1FE30] =	vst v60;
	v60 =	vld.idx.msk [tilespmem:v3+s28+$0x0 ss:$0x1], $0xffff;
	_ =	sdelay $0x4  }
0x75: {  	[tilespmem:$0x1FE40] =	vst v60;
	v60 =	vld.idx.msk [tilespmem:v3+s28+$0x20 ss:$0x1], $0xffff;
	_ =	sdelay $0x4  }
0x76: {  	[tilespmem:$0x1FE50] =	vst v60;
	v60 =	vld.idx.msk [tilespmem:v3+s28+$0x40 ss:$0x1], $0xffff;
	_ =	sdelay $0x4  }
0x77: {  	[tilespmem:$0x1FE60] =	vst v60;
	v60 =	vld.idx.msk [tilespmem:v3+s28+$0x60 ss:$0x1], $0xffff  }
0x78: {  	v47 =	vld.idx.msk [tilespmem:v3+s29+$0x0 ss:$0x1], $0xffff  }
0x79: {  	v44 =	vld.idx.msk [tilespmem:v3+s29+$0x20 ss:$0x1], $0xffff  }
0x7a: {  	v45 =	vld.idx.msk [tilespmem:v3+s29+$0x40 ss:$0x1], $0xffff  }
0x7b: {  	v38 =	vld.idx.msk [tilespmem:v3+s29+$0x60 ss:$0x1], $0xffff  }
0x7c: {  	[tilespmem:$0x1FE70] =	vst v60;
	v60 =	vld.idx.msk [tilespmem:v3+s28+$0x80 ss:$0x1], $0xffff  }
0x7d: {  	v43 =	vld.idx.msk [tilespmem:v3+s29+$0x80 ss:$0x1], $0xffff  }
0x7e: {  	v42 =	vld.idx.msk [tilespmem:v3+s29+$0xA0 ss:$0x1], $0xffff  }
0x7f: {  	v39 =	vld.idx.msk [tilespmem:v3+s29+$0xC0 ss:$0x1], $0xffff  }
0x80: {  	v36 =	vld.idx.msk [tilespmem:v3+s29+$0xE0 ss:$0x1], $0xffff  }
0x81: {  	[tilespmem:$0x1FE90] =	vst v60;
	v60 =	vld.idx.msk [tilespmem:v3+s28+$0xA0 ss:$0x1], $0xffff  }
0x82: {  	v40 =	vld.idx.msk [tilespmem:v3+s29+$0x100 ss:$0x1], $0xffff  }
0x83: {  	v37 =	vld.idx.msk [tilespmem:v3+s29+$0x120 ss:$0x1], $0xffff  }
0x84: {  	v35 =	vld.idx.msk [tilespmem:v3+s29+$0x140 ss:$0x1], $0xffff  }
0x85: {  	v41 =	vld.idx.msk [tilespmem:v3+s29+$0x160 ss:$0x1], $0xffff  }
0x86: {  	[tilespmem:$0x1FE80] =	vst v60;
	v60 =	vld.idx.msk [tilespmem:v3+s28+$0xC0 ss:$0x1], $0xffff  }
0x87: {  	v46 =	vld.idx.msk [tilespmem:v3+s29+$0x180 ss:$0x1], $0xffff  }
0x88: {  	v61 =	vld.idx.msk [tilespmem:v3+s29+$0x1A0 ss:$0x1], $0xffff  }
0x89: {  	v34 =	vld.idx.msk [tilespmem:v3+s29+$0x1C0 ss:$0x1], $0xffff  }
0x8a: {  	v32 =	vld.idx.msk [tilespmem:v3+s29+$0x1E0 ss:$0x1], $0xffff  }
0x8b: {  	[tilespmem:$0x1FEA0] =	vst v60;
	v60 =	vld.idx.msk [tilespmem:v3+s28+$0xE0 ss:$0x1], $0xffff  }
0x8c: {  	v33 =	vld.idx.msk [tilespmem:v3+s29+$0x200 ss:$0x1], $0xffff  }
0x8d: {  	v30 =	vld.idx.msk [tilespmem:v3+s29+$0x220 ss:$0x1], $0xffff  }
0x8e: {  	v31 =	vld.idx.msk [tilespmem:v3+s29+$0x240 ss:$0x1], $0xffff  }
0x8f: {  	v28 =	vld.idx.msk [tilespmem:v3+s29+$0x260 ss:$0x1], $0xffff  }
0x90: {  	[tilespmem:$0x1FEB0] =	vst v60;
	v60 =	vld.idx.msk [tilespmem:v3+s28+$0x100 ss:$0x1], $0xffff  }
0x91: {  	v25 =	vld.idx.msk [tilespmem:v3+s29+$0x300 ss:$0x1], $0xffff  }
0x92: {  	v22 =	vld.idx.msk [tilespmem:v3+s29+$0x320 ss:$0x1], $0xffff  }
0x93: {  	v23 =	vld.idx.msk [tilespmem:v3+s29+$0x340 ss:$0x1], $0xffff  }
0x94: {  	v20 =	vld.idx.msk [tilespmem:v3+s29+$0x360 ss:$0x1], $0xffff  }
0x95: {  	[tilespmem:$0x1FEC0] =	vst v60;
	v60 =	vld.idx.msk [tilespmem:v3+s28+$0x120 ss:$0x1], $0xffff  }
0x96: {  	v17 =	vld.idx.msk [tilespmem:v3+s29+$0x400 ss:$0x1], $0xffff  }
0x97: {  	v14 =	vld.idx.msk [tilespmem:v3+s29+$0x420 ss:$0x1], $0xffff  }
0x98: {  	v15 =	vld.idx.msk [tilespmem:v3+s29+$0x440 ss:$0x1], $0xffff  }
0x99: {  	v12 =	vld.idx.msk [tilespmem:v3+s29+$0x460 ss:$0x1], $0xffff  }
0x9a: {  	[tilespmem:$0x1FED0] =	vst v60;
	v60 =	vld.idx.msk [tilespmem:v3+s28+$0x140 ss:$0x1], $0xffff  }
0x9b: {  	v13 =	vld.idx.msk [tilespmem:v3+s29+$0x480 ss:$0x1], $0xffff  }
0x9c: {  	v10 =	vld.idx.msk [tilespmem:v3+s29+$0x4A0 ss:$0x1], $0xffff  }
0x9d: {  	v9 =	vld.idx.msk [tilespmem:v3+s29+$0x500 ss:$0x1], $0xffff  }
0x9e: {  	v6 =	vld.idx.msk [tilespmem:v3+s29+$0x520 ss:$0x1], $0xffff  }
0x9f: {  	[tilespmem:$0x1FEE0] =	vst v60;
	v60 =	vld.idx.msk [tilespmem:v3+s28+$0x160 ss:$0x1], $0xffff  }
0xa0: {  	v7 =	vld.idx.msk [tilespmem:v3+s29+$0x540 ss:$0x1], $0xffff  }
0xa1: {  	v4 =	vld.idx.msk [tilespmem:v3+s29+$0x560 ss:$0x1], $0xffff  }
0xa2: {  	v5 =	vld.idx.msk [tilespmem:v3+s29+$0x580 ss:$0x1], $0xffff  }
0xa3: {  	v1 =	vld.idx.msk [tilespmem:v3+s29+$0x5A0 ss:$0x1], $0xffff  }
0xa4: {  	[tilespmem:$0x1FEF0] =	vst v60;
	v60 =	vld.idx.msk [tilespmem:v3+s28+$0x180 ss:$0x1], $0xffff  }
0xa5: {  	v2 =	vld.idx.msk [tilespmem:v3+s29+$0x5C0 ss:$0x1], $0xffff  }
0xa6: {  	v0 =	vld.idx.msk [tilespmem:v3+s29+$0x5E0 ss:$0x1], $0xffff  }
0xa7: {  	v48 =	vld.idx.msk [tilespmem:v3+s29+$0x600 ss:$0x1], $0xffff  }
0xa8: {  	v58 =	vld.idx.msk [tilespmem:v3+s29+$0x620 ss:$0x1], $0xffff  }
0xa9: {  	[tilespmem:$0x1FF10] =	vst v60;
	v60 =	vld.idx.msk [tilespmem:v3+s28+$0x1A0 ss:$0x1], $0xffff  }
0xaa: {  	v11 =	vld.idx.msk [tilespmem:v3+s29+$0x4C0 ss:$0x1], $0xffff;
	v6 =	vadd.f32 v6, v9;
	v4 =	vadd.f32 v4, v7  }
0xab: {  	v8 =	vld.idx.msk [tilespmem:v3+s29+$0x4E0 ss:$0x1], $0xffff;
	v1 =	vadd.f32 v1, v5;
	v0 =	vadd.f32 v0, v2  }
0xac: {  	v59 =	vld.idx.msk [tilespmem:v3+s29+$0x10 ss:$0x1], $0xffff;
	[tilespmem:$0x1FBE0] =	vst v48  }
0xad: {  	[tilespmem:$0x1FBF0] =	vst v58;
	v4 =	vadd.f32 v4, v6;
	v0 =	vadd.f32 v0, v1;
	v1 =	vld [tilespmem:$0x1FBE0]  }
0xae: {  	v14 =	vadd.f32 v14, v17;
	[tilespmem:$0x1FF00] =	vst v60;
	v60 =	vld.idx.msk [tilespmem:v3+s28+$0x1C0 ss:$0x1], $0xffff  }
0xaf: {  	v12 =	vadd.f32 v12, v15;
	v0 =	vadd.f32 v0, v4;
	v4 =	vld [tilespmem:$0x1FBF0]  }
0xb0: {  	v21 =	vld.idx.msk [tilespmem:v3+s29+$0x380 ss:$0x1], $0xffff;
	v10 =	vadd.f32 v10, v13;
	v8 =	vadd.f32 v8, v11  }
0xb1: {  	v62 =	vld.idx.msk [tilespmem:v3+s29+$0x50 ss:$0x1], $0xffff  }
0xb2: {  	v63 =	vld.idx.msk [tilespmem:v3+s29+$0x70 ss:$0x1], $0xffff;
	[tilespmem:$0x1FC00] =	vst v59;
	v12 =	vadd.f32 v12, v14;
	v8 =	vadd.f32 v8, v10  }
0xb3: {  	[tilespmem:$0x1FF20] =	vst v60;
	v60 =	vld.idx.msk [tilespmem:v3+s28+$0x1E0 ss:$0x1], $0xffff  }
0xb4: {  	v8 =	vadd.f32 v8, v12;
	v12 =	vadd.f32 v4, v1;
	v1 =	vld [tilespmem:$0x1FC00]  }
0xb5: {  	v4 =	vld [tilespmem:$0x1FC10]  }
0xb6: {  	v18 =	vld.idx.msk [tilespmem:v3+s29+$0x3A0 ss:$0x1], $0xffff  }
0xb7: {  	v52 =	vld.idx.msk [tilespmem:v3+s29+$0x90 ss:$0x1], $0xffff  }
0xb8: {  	[tilespmem:$0x1FF30] =	vst v60;
	v60 =	vld.idx.msk [tilespmem:v3+s28+$0x200 ss:$0x1], $0xffff  }
0xb9: {  	v53 =	vld.idx.msk [tilespmem:v3+s29+$0xB0 ss:$0x1], $0xffff;
	[tilespmem:$0x1FC20] =	vst v62  }
0xba: {  	[tilespmem:$0x1FC30] =	vst v63;
	v11 =	vadd.f32 v4, v1;
	v1 =	vld [tilespmem:$0x1FC20]  }
0xbb: {  	v4 =	vld [tilespmem:$0x1FC30]  }
0xbc: {  	v19 =	vld.idx.msk [tilespmem:v3+s29+$0x3C0 ss:$0x1], $0xffff  }
0xbd: {  	[tilespmem:$0x1FF40] =	vst v60;
	v60 =	vld.idx.msk [tilespmem:v3+s28+$0x220 ss:$0x1], $0xffff  }
0xbe: {  	v54 =	vld.idx.msk [tilespmem:v3+s29+$0xD0 ss:$0x1], $0xffff  }
0xbf: {  	v55 =	vld.idx.msk [tilespmem:v3+s29+$0xF0 ss:$0x1], $0xffff;
	[tilespmem:$0x1FC40] =	vst v52  }
0xc0: {  	[tilespmem:$0x1FC50] =	vst v53;
	v14 =	vadd.f32 v4, v1;
	v1 =	vld [tilespmem:$0x1FC40]  }
0xc1: {  	v4 =	vld [tilespmem:$0x1FC50]  }
0xc2: {  	[tilespmem:$0x1FF50] =	vst v60;
	v60 =	vld.idx.msk [tilespmem:v3+s28+$0x240 ss:$0x1], $0xffff  }
0xc3: {  	v16 =	vld.idx.msk [tilespmem:v3+s29+$0x3E0 ss:$0x1], $0xffff  }
0xc4: {  	v56 =	vld.idx.msk [tilespmem:v3+s29+$0x110 ss:$0x1], $0xffff  }
0xc5: {  	v57 =	vld.idx.msk [tilespmem:v3+s29+$0x130 ss:$0x1], $0xffff;
	[tilespmem:$0x1FC60] =	vst v54  }
0xc6: {  	[tilespmem:$0x1FC70] =	vst v55;
	v17 =	vadd.f32 v4, v1;
	v1 =	vld [tilespmem:$0x1FC60]  }
0xc7: {  	v42 =	vadd.f32 v42, v43;
	[tilespmem:$0x1FF60] =	vst v60;
	v60 =	vld.idx.msk [tilespmem:v3+s28+$0x280 ss:$0x1], $0xffff  }
0xc8: {  	v22 =	vadd.f32 v22, v25;
	v20 =	vadd.f32 v20, v23;
	v4 =	vld [tilespmem:$0x1FC70]  }
0xc9: {  	v29 =	vld.idx.msk [tilespmem:v3+s29+$0x280 ss:$0x1], $0xffff;
	v18 =	vadd.f32 v18, v21;
	v16 =	vadd.f32 v16, v19  }
0xca: {  	v26 =	vld.idx.msk [tilespmem:v3+s29+$0x2A0 ss:$0x1], $0xffff;
	v43 =	vadd.f32 v61, v46;
	v34 =	vadd.f32 v32, v34  }
0xcb: {  	[tilespmem:$0x1FC80] =	vst v56;
	v58 =	vld.idx.msk [tilespmem:v3+s29+$0x150 ss:$0x1], $0xffff;
	v20 =	vadd.f32 v20, v22;
	v16 =	vadd.f32 v16, v18  }
0xcc: {  	v59 =	vld.idx.msk [tilespmem:v3+s29+$0x170 ss:$0x1], $0xffff;
	[tilespmem:$0x1FF80] =	vst v60;
	v60 =	vadd.f32 v34, v43  }
0xcd: {  	[tilespmem:$0x1FC90] =	vst v57;
	v34 =	vadd.f32 v16, v20;
	v20 =	vadd.f32 v4, v1;
	v1 =	vld [tilespmem:$0x1FC80]  }
0xce: {  	v4 =	vld [tilespmem:$0x1FC90]  }
0xcf: {  	v27 =	vld.idx.msk [tilespmem:v3+s29+$0x2C0 ss:$0x1], $0xffff  }
0xd0: {  	v24 =	vld.idx.msk [tilespmem:v3+s29+$0x2E0 ss:$0x1], $0xffff  }
0xd1: {  	v50 =	vld.idx.msk [tilespmem:v3+s29+$0x570 ss:$0x1], $0xffff  }
0xd2: {  	v62 =	vld.idx.msk [tilespmem:v3+s29+$0x1B0 ss:$0x1], $0xffff;
	[tilespmem:$0x1FCA0] =	vst v58  }
0xd3: {  	[tilespmem:$0x1FCB0] =	vst v59;
	v22 =	vadd.f32 v4, v1;
	v1 =	vld [tilespmem:$0x1FCA0]  }
0xd4: {  	v4 =	vld [tilespmem:$0x1FCB0]  }
0xd5: {  	v51 =	vld.idx.msk [tilespmem:v3+s29+$0x5B0 ss:$0x1], $0xffff  }
0xd6: {  	v44 =	vadd.f32 v44, v47;
	v47 =	vld.idx.msk [tilespmem:v3+s28+$0x260 ss:$0x1], $0xffff  }
0xd7: {  	v63 =	vld.idx.msk [tilespmem:v3+s29+$0x1D0 ss:$0x1], $0xffff  }
0xd8: {  	v52 =	vld.idx.msk [tilespmem:v3+s29+$0x1F0 ss:$0x1], $0xffff  }
0xd9: {  	[tilespmem:$0x1FCD0] =	vst v62;
	v23 =	vadd.f32 v4, v1;
	v1 =	vld [tilespmem:$0x1FCC0]  }
0xda: {  	v33 =	vadd.f32 v30, v33;
	v26 =	vadd.f32 v26, v29;
	v4 =	vld [tilespmem:$0x1FCD0]  }
0xdb: {  	v49 =	vld.idx.msk [tilespmem:v3+s29+$0x5D0 ss:$0x1], $0xffff;
	v24 =	vadd.f32 v24, v27;
	[tilespmem:$0x1FF70] =	vst v47;
	v47 =	vadd.f32 v28, v31  }
0xdc: {  	v53 =	vld.idx.msk [tilespmem:v3+s29+$0x210 ss:$0x1], $0xffff  }
0xdd: {  	v54 =	vld.idx.msk [tilespmem:v3+s29+$0x230 ss:$0x1], $0xffff;
	v26 =	vadd.f32 v24, v26;
	v25 =	vadd.f32 v47, v33  }
0xde: {  	v55 =	vld.idx.msk [tilespmem:v3+s29+$0x250 ss:$0x1], $0xffff;
	[tilespmem:$0x1FCE0] =	vst v63  }
0xdf: {  	[tilespmem:$0x1FCF0] =	vst v52;
	v33 =	vadd.f32 v26, v25;
	v25 =	vadd.f32 v4, v1;
	v1 =	vld [tilespmem:$0x1FCE0]  }
0xe0: {  	v4 =	vld [tilespmem:$0x1FCF0]  }
0xe1: {  	v56 =	vld.idx.msk [tilespmem:v3+s29+$0x270 ss:$0x1], $0xffff  }
0xe2: {  	v57 =	vld.idx.msk [tilespmem:v3+s29+$0x290 ss:$0x1], $0xffff  }
0xe3: {  	v48 =	vld.idx.msk [tilespmem:v3+s29+$0x5F0 ss:$0x1], $0xffff;
	v45 =	vadd.f32 v38, v45  }
0xe4: {  	v39 =	vadd.f32 v36, v39;
	v37 =	vadd.f32 v37, v40;
	v61 =	vld.idx.msk [tilespmem:v3+s28+$0x2A0 ss:$0x1], $0xffff;
	[tilespmem:$0x1FD00] =	vst v53  }
0xe5: {  	v40 =	vadd.f32 v41, v35;
	[tilespmem:$0x1FD10] =	vst v54;
	v26 =	vadd.f32 v4, v1;
	v1 =	vld [tilespmem:$0x1FD00]  }
0xe6: {  	v2 =	vadd.f32 v45, v44;
	v4 =	vld [tilespmem:$0x1FD10]  }
0xe7: {  	v32 =	vld.idx.msk [tilespmem:v3+s28+$0x2C0 ss:$0x1], $0xffff;
	v44 =	vadd.f32 v39, v42;
	v45 =	vadd.f32 v40, v37  }
0xe8: {  	v38 =	vld.idx.msk [tilespmem:v3+s28+$0x2E0 ss:$0x1], $0xffff  }
0xe9: {  	v35 =	vld.idx.msk [tilespmem:v3+s28+$0x300 ss:$0x1], $0xffff;
	v2 =	vadd.f32 v44, v2;
	v27 =	vadd.f32 v60, v45  }
0xea: {  	[tilespmem:$0x1FD20] =	vst v55;
	v58 =	vld.idx.msk [tilespmem:v3+s29+$0x2B0 ss:$0x1], $0xffff  }
0xeb: {  	[tilespmem:$0x1FD30] =	vst v56;
	v2 =	vadd.f32 v27, v2;
	v27 =	vadd.f32 v4, v1;
	v1 =	vld [tilespmem:$0x1FD20]  }
0xec: {  	v4 =	vld [tilespmem:$0x1FD30]  }
0xed: {  	v36 =	vld.idx.msk [tilespmem:v3+s28+$0x320 ss:$0x1], $0xffff  }
0xee: {  	v41 =	vld.idx.msk [tilespmem:v3+s28+$0x340 ss:$0x1], $0xffff  }
0xef: {  	v46 =	vld.idx.msk [tilespmem:v3+s28+$0x380 ss:$0x1], $0xffff  }
0xf0: {  	[tilespmem:$0x1FD40] =	vst v57;
	v59 =	vld.idx.msk [tilespmem:v3+s29+$0x2D0 ss:$0x1], $0xffff  }
0xf1: {  	[tilespmem:$0x1FD50] =	vst v58;
	v9 =	vadd.f32 v34, v33;
	v34 =	vadd.f32 v4, v1;
	v1 =	vld [tilespmem:$0x1FD40]  }
0xf2: {  	v4 =	vld [tilespmem:$0x1FD50]  }
0xf3: {  	v30 =	vld.idx.msk [tilespmem:v3+s28+$0x400 ss:$0x1], $0xffff  }
0xf4: {  	v29 =	vld.idx.msk [tilespmem:v3+s28+$0x420 ss:$0x1], $0xffff  }
0xf5: {  	v62 =	vld.idx.msk [tilespmem:v3+s29+$0x310 ss:$0x1], $0xffff  }
0xf6: {  	v63 =	vld.idx.msk [tilespmem:v3+s29+$0x330 ss:$0x1], $0xffff;
	[tilespmem:$0x1FD60] =	vst v59  }
0xf7: {  	v39 =	vadd.f32 v4, v1;
	v1 =	vld [tilespmem:$0x1FD60]  }
0xf8: {  	v4 =	vld [tilespmem:$0x1FD70]  }
0xf9: {  	v19 =	vld.idx.msk [tilespmem:v3+s28+$0x460 ss:$0x1], $0xffff  }
0xfa: {  	v15 =	vld.idx.msk [tilespmem:v3+s28+$0x480 ss:$0x1], $0xffff  }
0xfb: {  	v52 =	vld.idx.msk [tilespmem:v3+s29+$0x350 ss:$0x1], $0xffff;
	[tilespmem:$0x1FFB0] =	vst v35  }
0xfc: {  	v53 =	vld.idx.msk [tilespmem:v3+s29+$0x370 ss:$0x1], $0xffff;
	[tilespmem:$0x1FD80] =	vst v62  }
0xfd: {  	[tilespmem:$0x1FD90] =	vst v63;
	v35 =	vadd.f32 v4, v1;
	v1 =	vld [tilespmem:$0x1FD80]  }
0xfe: {  	v4 =	vld [tilespmem:$0x1FD90]  }
0xff: {  	v13 =	vld.idx.msk [tilespmem:v3+s28+$0x4A0 ss:$0x1], $0xffff  }
0x100: {  	v7 =	vld.idx.msk [tilespmem:v3+s28+$0x4C0 ss:$0x1], $0xffff  }
0x101: {  	v54 =	vld.idx.msk [tilespmem:v3+s29+$0x390 ss:$0x1], $0xffff  }
0x102: {  	v55 =	vld.idx.msk [tilespmem:v3+s29+$0x3B0 ss:$0x1], $0xffff;
	[tilespmem:$0x1FDA0] =	vst v52  }
0x103: {  	[tilespmem:$0x1FDB0] =	vst v53;
	v43 =	vadd.f32 v4, v1;
	v1 =	vld [tilespmem:$0x1FDA0]  }
0x104: {  	v4 =	vld [tilespmem:$0x1FDB0]  }
0x105: {  	v21 =	vld.idx.msk [tilespmem:v3+s28+$0x540 ss:$0x1], $0xffff  }
0x106: {  	v5 =	vld.idx.msk [tilespmem:v3+s28+$0x230 ss:$0x1], $0xffff  }
0x107: {  	v6 =	vld.idx.msk [tilespmem:v3+s28+$0x4E0 ss:$0x1], $0xffff  }
0x108: {  	v56 =	vld.idx.msk [tilespmem:v3+s29+$0x3D0 ss:$0x1], $0xffff;
	[tilespmem:$0x1FDC0] =	vst v54  }
0x109: {  	[tilespmem:$0x1FDD0] =	vst v55;
	v44 =	vadd.f32 v4, v1;
	v1 =	vld [tilespmem:$0x1FDC0]  }
0x10a: {  	v4 =	vld [tilespmem:$0x1FDD0]  }
0x10b: {  	v24 =	vld.idx.msk [tilespmem:v3+s28+$0x560 ss:$0x1], $0xffff  }
0x10c: {  	v37 =	vld.idx.msk [tilespmem:v3+s28+$0x5A0 ss:$0x1], $0xffff  }
0x10d: {  	v57 =	vld.idx.msk [tilespmem:v3+s29+$0x410 ss:$0x1], $0xffff  }
0x10e: {  	[tilespmem:$0x1FDE0] =	vst v56;
	v62 =	vld.idx.msk [tilespmem:v3+s29+$0x3F0 ss:$0x1], $0xffff  }
0x10f: {  	[tilespmem:$0x1FFC0] =	vst v36;
	v36 =	vadd.f32 v4, v1;
	v1 =	vld [tilespmem:$0x1FDE0]  }
0x110: {  	v42 =	vld.idx.msk [tilespmem:v3+s28+$0x5C0 ss:$0x1], $0xffff  }
0x111: {  	v63 =	vld.idx.msk [tilespmem:v3+s29+$0x430 ss:$0x1], $0xffff  }
0x112: {  	v58 =	vld.idx.msk [tilespmem:v3+s29+$0x450 ss:$0x1], $0xffff  }
0x113: {  	[tilespmem:$0x1FDF0] =	vst v57;
	v57 =	vld.idx.msk [tilespmem:v3+s29+$0x470 ss:$0x1], $0xffff  }
0x114: {  	v62 =	vadd.f32 v62, v1;
	v1 =	vld [tilespmem:$0x1FDF0]  }
0x115: {  	v59 =	vld.idx.msk [tilespmem:v3+s29+$0x490 ss:$0x1], $0xffff  }
0x116: {  	v56 =	vld.idx.msk [tilespmem:v3+s29+$0x510 ss:$0x1], $0xffff  }
0x117: {  	v55 =	vld.idx.msk [tilespmem:v3+s29+$0x530 ss:$0x1], $0xffff  }
0x118: {  	v52 =	vld.idx.msk [tilespmem:v3+s29+$0x550 ss:$0x1], $0xffff;
	[tilespmem:$0x1FE00] =	vst v58  }
0x119: {  	v63 =	vadd.f32 v63, v1;
	v1 =	vld [tilespmem:$0x1FE00]  }
0x11a: {  	v53 =	vld.idx.msk [tilespmem:v3+s29+$0x590 ss:$0x1], $0xffff  }
0x11b: {  	v18 =	vld.idx.msk [tilespmem:v3+s28+$0x600 ss:$0x1], $0xffff  }
0x11c: {  	v54 =	vld.idx.msk [tilespmem:v3+s29+$0x4F0 ss:$0x1], $0xffff  }
0x11d: {  	v48 =	vadd.f32 v48, v49;
	[tilespmem:$0x1FE10] =	vst v59;
	v58 =	vld.idx.msk [tilespmem:v3+s29+$0x4B0 ss:$0x1], $0xffff  }
0x11e: {  	v55 =	vadd.f32 v55, v56;
	v57 =	vadd.f32 v57, v1;
	v1 =	vld [tilespmem:$0x1FE10]  }
0x11f: {  	v59 =	vld.idx.msk [tilespmem:v3+s29+$0x4D0 ss:$0x1], $0xffff;
	v50 =	vadd.f32 v50, v52;
	v51 =	vadd.f32 v51, v53  }
0x120: {  	v10 =	vld.idx.msk [tilespmem:v3+s28+$0x620 ss:$0x1], $0xffff;
	v0 =	vadd.f32 v0, v8  }
0x121: {  	v40 =	vld.idx.msk [tilespmem:v3+s28+$0xD0 ss:$0x1], $0xffff;
	v50 =	vadd.f32 v50, v55;
	v48 =	vadd.f32 v48, v51  }
0x122: {  	v29 =	vadd.f32 v29, v30;
	v0 =	vadd.f32 v0, v12;
	v4 =	vld [tilespmem:$0x1FE30]  }
0x123: {  	v48 =	vadd.f32 v48, v50;
	v58 =	vadd.f32 v58, v1;
	v1 =	vld [tilespmem:$0x1FE20]  }
0x124: {  	[tilespmem:$0x1FFD0] =	vst v41;
	v41 =	vld.idx.msk [tilespmem:v3+s28+$0x360 ss:$0x1], $0xffff;
	v54 =	vadd.f32 v54, v59;
	v11 =	vadd.f32 v14, v11  }
0x125: {  	[tilespmem:$0x1FF90] =	vst v61;
	v61 =	vld.idx.msk [tilespmem:v3+s28+$0x3A0 ss:$0x1], $0xffff;
	v14 =	vadd.f32 v20, v17;
	v2 =	vadd.f32 v9, v2  }
0x126: {  	[tilespmem:$0x1FFA0] =	vst v32;
	v32 =	vld.idx.msk [tilespmem:v3+s28+$0x3C0 ss:$0x1], $0xffff;
	v20 =	vadd.f32 v23, v22;
	v60 =	vadd.f32 v26, v25  }
0x127: {  	v25 =	vadd.f32 v34, v27;
	v27 =	vadd.f32 v0, v2;
	v0 =	vld [tilespmem:$0x1FE40]  }
0x128: {  	v11 =	vadd.f32 v14, v11;
	v50 =	vadd.f32 v4, v1;
	v1 =	vld [tilespmem:$0x1FE50]  }
0x129: {  	v31 =	vld.idx.msk [tilespmem:v3+s28+$0x3E0 ss:$0x1], $0xffff;
	v60 =	vadd.f32 v60, v20;
	v26 =	vadd.f32 v35, v39  }
0x12a: {  	v28 =	vld.idx.msk [tilespmem:v3+s28+$0x440 ss:$0x1], $0xffff;
	v35 =	vadd.f32 v44, v43;
	v56 =	vadd.f32 v62, v36  }
0x12b: {  	v49 =	vld.idx.msk [tilespmem:v3+s28+$0x50 ss:$0x1], $0xffff;
	v57 =	vadd.f32 v57, v63;
	v58 =	vadd.f32 v54, v58  }
0x12c: {  	v30 =	vld.idx.msk [tilespmem:v3+s28+$0x3B0 ss:$0x1], $0xffff;
	v62 =	vadd.f32 v26, v25;
	v63 =	vadd.f32 v56, v35  }
0x12d: {  	v35 =	vadd.f32 v58, v57;
	v2 =	vadd.f32 v1, v0;
	v0 =	vld [tilespmem:$0x1FE60]  }
0x12e: {  	v11 =	vadd.f32 v60, v11;
	v1 =	vld [tilespmem:$0x1FE70]  }
0x12f: {  	v8 =	vld.idx.msk [tilespmem:v3+s28+$0x500 ss:$0x1], $0xffff;
	v22 =	vadd.f32 v63, v62;
	v53 =	vadd.f32 v48, v35  }
0x130: {  	v13 =	vadd.f32 v13, v15;
	v47 =	vld.idx.msk [tilespmem:v3+s28+$0xF0 ss:$0x1], $0xffff;
	v6 =	vadd.f32 v6, v7  }
0x131: {  	v7 =	vld.idx.msk [tilespmem:v3+s28+$0x370 ss:$0x1], $0xffff;
	v11 =	vadd.f32 v22, v11;
	v54 =	vadd.f32 v53, v50  }
0x132: {  	v6 =	vadd.f32 v6, v13;
	v13 =	vld.idx.msk [tilespmem:v3+s28+$0x450 ss:$0x1], $0xffff  }
0x133: {  	v25 =	vadd.f32 v54, v11;
	v11 =	vadd.f32 v1, v0;
	v0 =	vld [tilespmem:$0x1FE80]  }
0x134: {  	v1 =	vld [tilespmem:$0x1FE90]  }
0x135: {  	v31 =	vadd.f32 v31, v32;
	v32 =	vld.idx.msk [tilespmem:v3+s28+$0x330 ss:$0x1], $0xffff  }
0x136: {  	v19 =	vadd.f32 v19, v28;
	v28 =	vld.idx.msk [tilespmem:v3+s28+$0x350 ss:$0x1], $0xffff  }
0x137: {  	v12 =	vld.idx.msk [tilespmem:v3+s28+$0x250 ss:$0x1], $0xffff  }
0x138: {  	v52 =	vld.idx.msk [tilespmem:v3+s28+$0x30 ss:$0x1], $0xffff  }
0x139: {  	v48 =	vadd.f32 v0, v1;
	v0 =	vld [tilespmem:$0x1FEA0]  }
0x13a: {  	v1 =	vld [tilespmem:$0x1FEB0]  }
0x13b: {  	v51 =	vld.idx.msk [tilespmem:v3+s28+$0x110 ss:$0x1], $0xffff  }
0x13c: {  	v59 =	vld.idx.msk [tilespmem:v3+s28+$0x10 ss:$0x1], $0xffff  }
0x13d: {  	v16 =	vld.idx.msk [tilespmem:v3+s28+$0x520 ss:$0x1], $0xffff  }
0x13e: {  	v33 =	vld.idx.msk [tilespmem:v3+s28+$0x580 ss:$0x1], $0xffff  }
0x13f: {  	v50 =	vadd.f32 v1, v0;
	v0 =	vld [tilespmem:$0x1FEC0]  }
0x140: {  	v1 =	vld [tilespmem:$0x1FED0]  }
0x141: {  	v45 =	vld.idx.msk [tilespmem:v3+s28+$0x5E0 ss:$0x1], $0xffff  }
0x142: {  	v17 =	vld.idx.msk [tilespmem:v3+s28+$0x70 ss:$0x1], $0xffff  }
0x143: {  	v14 =	vld.idx.msk [tilespmem:v3+s28+$0x190 ss:$0x1], $0xffff  }
0x144: {  	v8 =	vadd.f32 v16, v8;
	v16 =	vld.idx.msk [tilespmem:v3+s28+$0x390 ss:$0x1], $0xffff  }
0x145: {  	v54 =	vadd.f32 v1, v0;
	v0 =	vld [tilespmem:$0x1FEE0]  }
0x146: {  	v1 =	vld [tilespmem:$0x1FEF0]  }
0x147: {  	v9 =	vld.idx.msk [tilespmem:v3+s28+$0x1D0 ss:$0x1], $0xffff  }
0x148: {  	v15 =	vadd.f32 v24, v21;
	v21 =	vadd.f32 v37, v33;
	v33 =	vld.idx.msk [tilespmem:v3+s28+$0x3D0 ss:$0x1], $0xffff  }
0x149: {  	v24 =	vadd.f32 v45, v42;
	v45 =	vld.idx.msk [tilespmem:v3+s28+$0x3F0 ss:$0x1], $0xffff  }
0x14a: {  	v17 =	vadd.f32 v17, v49;
	v49 =	vld.idx.msk [tilespmem:v3+s28+$0x5B0 ss:$0x1], $0xffff  }
0x14b: {  	v55 =	vadd.f32 v1, v0;
	v0 =	vld [tilespmem:$0x1FF00]  }
0x14c: {  	v1 =	vld [tilespmem:$0x1FF10]  }
0x14d: {  	v23 =	vld.idx.msk [tilespmem:v3+s28+$0x90 ss:$0x1], $0xffff  }
0x14e: {  	v20 =	vld.idx.msk [tilespmem:v3+s28+$0x130 ss:$0x1], $0xffff  }
0x14f: {  	v60 =	vld.idx.msk [tilespmem:v3+s28+$0x2B0 ss:$0x1], $0xffff  }
0x150: {  	v34 =	vld.idx.msk [tilespmem:v3+s28+$0xB0 ss:$0x1], $0xffff  }
0x151: {  	v57 =	vadd.f32 v0, v1;
	v0 =	vld [tilespmem:$0x1FF20]  }
0x152: {  	v1 =	vld [tilespmem:$0x1FF30]  }
0x153: {  	v39 =	vld.idx.msk [tilespmem:v3+s28+$0x1B0 ss:$0x1], $0xffff  }
0x154: {  	v43 =	vld.idx.msk [tilespmem:v3+s28+$0x170 ss:$0x1], $0xffff  }
0x155: {  	v36 =	vld [tilespmem:$0x1FFB0]  }
0x156: {  	v35 =	vld [tilespmem:$0x1FFC0]  }
0x157: {  	v58 =	vadd.f32 v1, v0;
	v0 =	vld [tilespmem:$0x1FF40]  }
0x158: {  	v1 =	vld [tilespmem:$0x1FF50]  }
0x159: {  	v44 =	vld.idx.msk [tilespmem:v3+s28+$0x210 ss:$0x1], $0xffff  }
0x15a: {  	v26 =	vld.idx.msk [tilespmem:v3+s28+$0x150 ss:$0x1], $0xffff  }
0x15b: {  	v46 =	vadd.f32 v61, v46;
	v56 =	vld.idx.msk [tilespmem:v3+s28+$0x290 ss:$0x1], $0xffff  }
0x15c: {  	v19 =	vadd.f32 v19, v29;
	v36 =	vadd.f32 v35, v36;
	v35 =	vld [tilespmem:$0x1FFD0]  }
0x15d: {  	v10 =	vadd.f32 v10, v18;
	v62 =	vadd.f32 v1, v0;
	v0 =	vld [tilespmem:$0x1FF60]  }
0x15e: {  	v31 =	vadd.f32 v31, v46;
	v6 =	vadd.f32 v6, v19;
	v1 =	vld [tilespmem:$0x1FF70]  }
0x15f: {  	v7 =	vadd.f32 v7, v28;
	v8 =	vadd.f32 v15, v8;
	v22 =	vld.idx.msk [tilespmem:v3+s28+$0x1F0 ss:$0x1], $0xffff  }
0x160: {  	v16 =	vadd.f32 v30, v16;
	v20 =	vadd.f32 v20, v51;
	v4 =	vld.idx.msk [tilespmem:v3+s28+$0x2D0 ss:$0x1], $0xffff  }
0x161: {  	v23 =	vadd.f32 v34, v23;
	v14 =	vadd.f32 v39, v14;
	v53 =	vld.idx.msk [tilespmem:v3+s28+$0x270 ss:$0x1], $0xffff  }
0x162: {  	v26 =	vadd.f32 v43, v26;
	v35 =	vadd.f32 v41, v35;
	v41 =	vld.idx.msk [tilespmem:v3+s28+$0x310 ss:$0x1], $0xffff  }
0x163: {  	v5 =	vadd.f32 v5, v44;
	v63 =	vadd.f32 v1, v0;
	v0 =	vld [tilespmem:$0x1FF80]  }
0x164: {  	v20 =	vadd.f32 v26, v20;
	v9 =	vadd.f32 v22, v9;
	v1 =	vld [tilespmem:$0x1FF90]  }
0x165: {  	v2 =	vadd.f32 v11, v2;
	v11 =	vadd.f32 v50, v48;
	v48 =	vld.idx.msk [tilespmem:v3+s28+$0x590 ss:$0x1], $0xffff  }
0x166: {  	v9 =	vadd.f32 v9, v14;
	v55 =	vadd.f32 v55, v54;
	v54 =	vld.idx.msk [tilespmem:v3+s28+$0x4B0 ss:$0x1], $0xffff  }
0x167: {  	v12 =	vadd.f32 v53, v12;
	v61 =	vadd.f32 v58, v57;
	v57 =	vld.idx.msk [tilespmem:v3+s28+$0x4F0 ss:$0x1], $0xffff  }
0x168: {  	v51 =	vadd.f32 v60, v56;
	v9 =	vadd.f32 v9, v20;
	v58 =	vld.idx.msk [tilespmem:v3+s28+$0x510 ss:$0x1], $0xffff  }
0x169: {  	v5 =	vadd.f32 v12, v5;
	v0 =	vadd.f32 v1, v0;
	v1 =	vld [tilespmem:$0x1FFA0]  }
0x16a: {  	v2 =	vadd.f32 v11, v2;
	v46 =	vadd.f32 v61, v55;
	v55 =	vld.idx.msk [tilespmem:v3+s28+$0x4D0 ss:$0x1], $0xffff  }
0x16b: {  	v35 =	vadd.f32 v35, v36;
	v32 =	vadd.f32 v32, v41;
	v61 =	vld.idx.msk [tilespmem:v3+s28+$0x530 ss:$0x1], $0xffff  }
0x16c: {  	v2 =	vadd.f32 v46, v2;
	v46 =	vadd.f32 v47, v40;
	v47 =	vld.idx.msk [tilespmem:v3+s28+$0x570 ss:$0x1], $0xffff  }
0x16d: {  	v62 =	vadd.f32 v63, v62;
	v63 =	vadd.f32 v24, v21;
	v21 =	vld.idx.msk [tilespmem:v3+s28+$0x470 ss:$0x1], $0xffff  }
0x16e: {  	v7 =	vadd.f32 v7, v32;
	v38 =	vadd.f32 v38, v1;
	v1 =	vld.idx.msk [tilespmem:v3+s28+$0x2F0 ss:$0x1], $0xffff  }
0x16f: {  	v50 =	vadd.f32 v31, v35;
	v56 =	vadd.f32 v49, v48;
	v24 =	vld.idx.msk [tilespmem:v3+s28+$0x490 ss:$0x1], $0xffff  }
0x170: {  	v8 =	vadd.f32 v63, v8;
	v63 =	vld.idx.msk [tilespmem:v3+s28+$0x550 ss:$0x1], $0xffff;
	v0 =	vadd.f32 v38, v0  }
0x171: {  	v36 =	vld.idx.msk [tilespmem:v3+s28+$0x430 ss:$0x1], $0xffff;
	v11 =	vadd.f32 v57, v55;
	v57 =	vadd.f32 v46, v23  }
0x172: {  	v6 =	vadd.f32 v8, v6;
	v38 =	vld.idx.msk [tilespmem:v3+s28+$0x410 ss:$0x1], $0xffff;
	v0 =	vadd.f32 v0, v62  }
0x173: {  	v8 =	vadd.f32 v61, v58;
	v1 =	vadd.f32 v1, v4;
	v4 =	vld.idx.msk [tilespmem:v3+s28+$0x5F0 ss:$0x1], $0xffff  }
0x174: {  	v13 =	vadd.f32 v21, v13;
	v0 =	vadd.f32 v50, v0;
	v50 =	vld.idx.msk [tilespmem:v3+s28+$0x5D0 ss:$0x1], $0xffff  }
0x175: {  	v54 =	vadd.f32 v54, v24;
	v55 =	vadd.f32 v47, v63  }
0x176: {  	v62 =	vadd.f32 v52, v59;
	v52 =	vadd.f32 v45, v33  }
0x177: {  	v11 =	vadd.f32 v11, v54;
	v8 =	vadd.f32 v55, v8  }
0x178: {  	v60 =	vld.idx.msk [tilespmem:v3+s28+$0x630 ss:$0x1], $0xffff;
	v17 =	vadd.f32 v17, v62;
	v59 =	vadd.f32 v52, v16  }
0x179: {  	v58 =	vld.idx.msk [tilespmem:v3+s28+$0x610 ss:$0x1], $0xffff;
	v53 =	vadd.f32 v36, v38;
	v4 =	vadd.f32 v4, v50  }
0x17a: {  	v1 =	vadd.f32 v1, v51;
	v61 =	vadd.f32 v57, v17  }
0x17b: {  	v13 =	vadd.f32 v13, v53;
	v4 =	vadd.f32 v4, v56  }
0x17c: {  	v1 =	vadd.f32 v1, v5;
	v5 =	vadd.f32 v59, v7  }
0x17d: {  	v62 =	vadd.f32 v11, v13;
	v4 =	vadd.f32 v4, v8  }
0x17e: {  	v63 =	vadd.f32 v60, v58;
	v9 =	vadd.f32 v9, v61  }
0x17f: {  	s30 =	sadd.s32 s24, s25;
	v1 =	vadd.f32 v5, v1;
	v4 =	vadd.f32 v4, v62  }
0x180: {  	p0 =	slt.u32 s25, $0xE;
	s28 =	sshll.u32 s30, $0x5;
	v0 =	vadd.f32 v0, v2;
	v2 =	vadd.f32 v6, v10  }
.Ltmp2:
0x181: {  	s26 =	sadd.s32 s24, s31;
	s28 =	sand.u32 $0x3FFFFFE0, s28;
	v1 =	vadd.f32 v1, v9;
	v4 =	vadd.f32 v4, v63;
	(pc) =	sbr.rel @p0 .LBB2_3-.Ltmp2, $4  }
0x182: {  	s26 =	sshll.u32 s26, $0x5;
	[tilespmem:s28+$0x17200] =	vst v27;
	v0 =	vadd.f32 v2, v0  }
0x183: {  	s26 =	sand.u32 $0x3FFFFFE0, s26;
	[tilespmem:s28+$0x17210] =	vst v25;
	v1 =	vadd.f32 v4, v1  }
0x184: {  	s31 =	sadd.s32 $0x2, s25;
	[tilespmem:s26+$0x17200] =	vst v0  }
0x185: {  	s25 =	smov.u32 s31;
	[tilespmem:s26+$0x17210] =	vst v1  }
0x186: {  	s23 =	sadd.s32 $0x1, s23  }
0x187: {  	p0 =	sne.s32 s23, $0x20  }
.Ltmp3:
0x188: {  	_ = 	snop;
	(pc) =	sbr.rel @p0 .LBB2_2-.Ltmp3, $1  }
0x189: {  	_ =	sdelay $0x3  }
0x18a: {  	_ =	swait.ge [sflag:s19], $0x1000  }
0x18b: {  	[sflag:s19] =	ssyncset.done $0x0  }
0x18c: {  	[sflag:s19] =	ssyncadd.s32 $0xFFFFF000  }
0x18d: {  	_ =	swait.ge [sflag:s19], $0x1000  }
0x18e: {  	[sflag:s19] =	ssyncset.done $0x0  }
0x18f: {  	[sflag:s19] =	ssyncadd.s32 $0xFFFFF000  }
0x190: {  	_ =	swait.ge [sflag:s19], $0x1000  }
0x191: {  	[sflag:s19] =	ssyncset.done $0x0  }
0x192: {  	[sflag:s19] =	ssyncadd.s32 $0xFFFFF000  }
0x193: {  	_ =	swait.ge [sflag:s19], $0x1000  }
0x194: {  	v0 =	vld [tilespmem:$0x1FFE0];
	_ =	sdelay $0x2  }
.Ltmp4:
0x195: {  	_ = 	snop;
	(pc) =	sbr.rel .LBB2_6-.Ltmp4, $4  }
0x196: {  	_ = 	snop  }
0x197: {  	v0 =	vbroadcast v0, $0x0  }
0x198: {  	[sflag:s19] =	ssyncset.done $0x0  }
0x199: {  	s23 =	simm.s32 $0x0;
	[sflag:s19] =	ssyncadd.s32 $0xFFFFF000;
	[tilespmem:$0x1FBD0] =	vst v0  }
.LBB2_8:
0x19a: {  	s23 =	sadd.s32 $0x10, s23  }
0x19b: {  	p0 =	sne.s32 s23, $0x200  }
.Ltmp5:
0x19c: {  	_ = 	snop;
	(pc) =	sbr.rel @!p0 .LBB2_9-.Ltmp5, $1  }
0x19d: {  	_ =	sdelay $0x3  }
.LBB2_6:
0x19e: {  	v1 =	vld [tilespmem:$0x1FFF0];
	_ =	sdelay $0x2  }
0x19f: {  	v0 =	vmov s23  }
0x1a0: {  	v0 =	vshll.u32 v0, $0x5  }
0x1a1: {  	v33 =	vor.u32 v1, v0  }
0x1a2: {  	v32 =	vor.u32 $0x1, v33  }
0x1a3: {  	v30 =	vor.u32 $0x2, v33  }
0x1a4: {  	v29 =	vor.u32 $0x3, v33  }
0x1a5: {  	v0 =	vor.u32 $0x4, v33  }
0x1a6: {  	v1 =	vor.u32 $0x5, v33;
	v34 =	vld.idx.msk [tilespmem:v33+s15+$0x0], $0xffff  }
0x1a7: {  	v2 =	vor.u32 $0x6, v33;
	v35 =	vld.idx.msk [tilespmem:v32+s15+$0x0], $0xffff  }
0x1a8: {  	v3 =	vor.u32 $0x7, v33;
	v36 =	vld.idx.msk [tilespmem:v30+s15+$0x0], $0xffff  }
0x1a9: {  	v4 =	vor.u32 $0x8, v33;
	v37 =	vld.idx.msk [tilespmem:v29+s15+$0x0], $0xffff  }
0x1aa: {  	v23 =	vor.u32 $0x15, v33;
	v38 =	vld.idx.msk [tilespmem:v0+s15+$0x0], $0xffff  }
0x1ab: {  	v24 =	vor.u32 $0x16, v33;
	[tilespmem:$0x1FA90] =	vst v0;
	v39 =	vld.idx.msk [tilespmem:v1+s15+$0x0], $0xffff  }
0x1ac: {  	v25 =	vor.u32 $0x17, v33;
	[tilespmem:$0x1FAA0] =	vst v1;
	v40 =	vld.idx.msk [tilespmem:v2+s15+$0x0], $0xffff  }
0x1ad: {  	v27 =	vor.u32 $0x19, v33;
	[tilespmem:$0x1FAB0] =	vst v2;
	v41 =	vld.idx.msk [tilespmem:v3+s15+$0x0], $0xffff  }
0x1ae: {  	[tilespmem:$0x1FAC0] =	vst v3;
	v0 =	vor.u32 $0x9, v33;
	v42 =	vld.idx.msk [tilespmem:v4+s15+$0x0], $0xffff  }
0x1af: {  	v7 =	vor.u32 $0x1A, v33;
	[tilespmem:$0x1FAD0] =	vst v4;
	v1 =	vor.u32 $0xA, v33;
	v56 =	vld.idx.msk [tilespmem:v23+s15+$0x0], $0xffff  }
0x1b0: {  	v10 =	vor.u32 $0x1B, v33;
	[tilespmem:$0x1FBA0] =	vst v7;
	v2 =	vor.u32 $0xB, v33;
	v57 =	vld.idx.msk [tilespmem:v24+s15+$0x0], $0xffff  }
0x1b1: {  	v12 =	vor.u32 $0x1C, v33;
	[tilespmem:$0x1FBB0] =	vst v10;
	v3 =	vor.u32 $0xC, v33;
	v58 =	vld.idx.msk [tilespmem:v25+s15+$0x0], $0xffff  }
0x1b2: {  	[tilespmem:$0x1FBC0] =	vst v12;
	v4 =	vor.u32 $0xD, v33;
	v60 =	vld.idx.msk [tilespmem:v27+s15+$0x0], $0xffff  }
0x1b3: {  	[tilespmem:$0x1FAE0] =	vst v0;
	v43 =	vld.idx.msk [tilespmem:v0+s15+$0x0], $0xffff;
	v0 =	vor.u32 $0xE, v33  }
0x1b4: {  	[tilespmem:$0x1FAF0] =	vst v1;
	v44 =	vld.idx.msk [tilespmem:v1+s15+$0x0], $0xffff;
	v1 =	vor.u32 $0xF, v33  }
0x1b5: {  	[tilespmem:$0x1FB00] =	vst v2;
	v45 =	vld.idx.msk [tilespmem:v2+s15+$0x0], $0xffff;
	v2 =	vor.u32 $0x10, v33  }
0x1b6: {  	[tilespmem:$0x1FB10] =	vst v3;
	v46 =	vld.idx.msk [tilespmem:v3+s15+$0x0], $0xffff;
	v3 =	vor.u32 $0x11, v33  }
0x1b7: {  	[tilespmem:$0x1FB20] =	vst v4;
	v47 =	vld.idx.msk [tilespmem:v4+s15+$0x0], $0xffff;
	v4 =	vor.u32 $0x12, v33  }
0x1b8: {  	[tilespmem:$0x1FB30] =	vst v0;
	v48 =	vld.idx.msk [tilespmem:v0+s15+$0x0], $0xffff  }
0x1b9: {  	v26 =	vor.u32 $0x18, v33;
	v62 =	vmul.f32 v38, v38;
	v63 =	vmul.f32 v39, v39;
	[tilespmem:$0x1FB40] =	vst v1;
	v49 =	vld.idx.msk [tilespmem:v1+s15+$0x0], $0xffff  }
0x1ba: {  	v5 =	vmul.f32 v41, v41;
	v17 =	vmul.f32 v56, v56;
	[tilespmem:$0x1FB50] =	vst v2;
	v0 =	vor.u32 $0x13, v33;
	v50 =	vld.idx.msk [tilespmem:v2+s15+$0x0], $0xffff  }
0x1bb: {  	v19 =	vmul.f32 v60, v60;
	[tilespmem:$0x1FB60] =	vst v3;
	v1 =	vor.u32 $0x14, v33;
	v51 =	vld.idx.msk [tilespmem:v3+s15+$0x0], $0xffff;
	v2 =	vmul.f32 v36, v36  }
0x1bc: {  	v31 =	vor.u32 $0x1E, v33;
	[tilespmem:$0x1FB70] =	vst v4;
	v52 =	vld.idx.msk [tilespmem:v4+s15+$0x0], $0xffff;
	v3 =	vmul.f32 v37, v37;
	v4 =	vmul.f32 v40, v40  }
0x1bd: {  	v9 =	vadd.f32 v63, v62;
	v62 =	vld.idx.msk [tilespmem:v10+s15+$0x0], $0xffff;
	v18 =	vmul.f32 v44, v44;
	v8 =	vmul.f32 v45, v45  }
0x1be: {  	v28 =	vor.u32 $0x1D, v33;
	v59 =	vld.idx.msk [tilespmem:v26+s15+$0x0], $0xffff;
	v10 =	vmul.f32 v46, v46;
	v11 =	vmul.f32 v47, v47;
	[tilespmem:$0x1FB80] =	vst v0  }
0x1bf: {  	v55 =	vor.u32 $0x1F, v33;
	[tilespmem:$0x1FB90] =	vst v1;
	v3 =	vadd.f32 v3, v2;
	v2 =	vmul.f32 v43, v43;
	v53 =	vld.idx.msk [tilespmem:v0+s15+$0x0], $0xffff  }
0x1c0: {  	v4 =	vadd.f32 v5, v4;
	v54 =	vld.idx.msk [tilespmem:v1+s15+$0x0], $0xffff;
	v0 =	vmul.f32 v34, v34;
	v1 =	vmul.f32 v35, v35  }
0x1c1: {  	v61 =	vld.idx.msk [tilespmem:v7+s15+$0x0], $0xffff;
	v7 =	vadd.f32 v8, v18;
	v10 =	vadd.f32 v11, v10;
	v18 =	vmul.f32 v58, v58  }
0x1c2: {  	v63 =	vld.idx.msk [tilespmem:v31+s15+$0x0], $0xffff;
	v20 =	vmul.f32 v62, v62;
	v6 =	vadd.f32 v1, v0;
	v0 =	vmul.f32 v42, v42  }
0x1c3: {  	v4 =	vadd.f32 v4, v9;
	v14 =	vmul.f32 v50, v50;
	v15 =	vmul.f32 v51, v51;
	v1 =	vld.idx.msk [tilespmem:v12+s15+$0x0], $0xffff  }
0x1c4: {  	v5 =	vmul.f32 v48, v48;
	v12 =	vmul.f32 v49, v49;
	v13 =	vadd.f32 v2, v0;
	v0 =	vld.idx.msk [tilespmem:v28+s15+$0x0], $0xffff  }
0x1c5: {  	v8 =	vmul.f32 v52, v52;
	v14 =	vadd.f32 v15, v14;
	v15 =	vmul.f32 v59, v59;
	v2 =	vld.idx.msk [tilespmem:v55+s15+$0x0], $0xffff  }
0x1c6: {  	v5 =	vadd.f32 v12, v5;
	v12 =	vmul.f32 v57, v57;
	v16 =	vmul.f32 v53, v53  }
0x1c7: {  	v15 =	vadd.f32 v19, v15;
	v3 =	vadd.f32 v3, v6;
	v11 =	vmul.f32 v54, v54  }
0x1c8: {  	v12 =	vadd.f32 v18, v12;
	v18 =	vmul.f32 v63, v63;
	v8 =	vadd.f32 v16, v8  }
0x1c9: {  	v16 =	vmul.f32 v61, v61;
	v11 =	vadd.f32 v17, v11;
	v17 =	vmul.f32 v1, v1  }
0x1ca: {  	v19 =	vadd.f32 v7, v13;
	v21 =	vmul.f32 v0, v0;
	v22 =	vmul.f32 v2, v2  }
0x1cb: {  	v5 =	vadd.f32 v5, v10;
	v16 =	vadd.f32 v20, v16  }
0x1cc: {  	v17 =	vadd.f32 v21, v17;
	v18 =	vadd.f32 v22, v18  }
0x1cd: {  	v13 =	vadd.f32 v8, v14;
	v14 =	vadd.f32 v12, v11  }
0x1ce: {  	v16 =	vadd.f32 v16, v15;
	v18 =	vadd.f32 v18, v17  }
0x1cf: {  	v3 =	vadd.f32 v4, v3;
	v4 =	vadd.f32 v5, v19  }
0x1d0: {  	v5 =	vadd.f32 v14, v13;
	v19 =	vadd.f32 v18, v16;
	_ =	sdelay $0x1  }
0x1d1: {  	v3 =	vadd.f32 v4, v3;
	v4 =	vadd.f32 v19, v5;
	_ =	sdelay $0x1  }
0x1d2: {  	v3 =	vadd.f32 v4, v3;
	v4 =	vld [tilespmem:$0x1FBD0];
	_ =	sdelay $0x4  }
0x1d3: {  	vm0 =	vgt.f32 v3, v4;
	v4 =	vimm.f32 $0.0e+00  }
0x1d4: {  	v4 =	vsel vm0, $0x3F800000, v4  }
0x1d5: {  	(xrf0) =	vmax.scan.msk.f32 $0xffff, v4;
	_ =	sdelay $0x5  }
0x1d6: {  	v4, _, _ =	vpop (xrf0)  }
0x1d7: {  	(v2sf) =	vpush v4, $0xF;
	_ =	sdelay $0xe  }
0x1d8: {  	s24 =	spop (v2sf)  }
0x1d9: {  	p0 =	sgt.f32 s24, $0.0e+00  }
.Ltmp6:
0x1da: {  	_ = 	snop;
	(pc) =	sbr.rel @!p0 .LBB2_8-.Ltmp6, $1  }
0x1db: {  	_ =	sdelay $0x3  }
0x1dc: {  	v3 =	vmax.f32 v3, $9.999999820e-15  }
0x1dd: {  	v4 =	vshra.s32 v3, $0x1;
	v3 =	vmul.f32 $5.000000000e-01, v3  }
0x1de: {  	v4 =	vsub.s32 $0x5F3759DF, v4  }
0x1df: {  	v5 =	vmul.f32 v4, v3;
	_ =	sdelay $0x1  }
0x1e0: {  	v5 =	vmul.f32 v4, v5;
	_ =	sdelay $0x1  }
0x1e1: {  	v5 =	vsub.f32 $1.500000000e+00, v5;
	_ =	sdelay $0x1  }
0x1e2: {  	v4 =	vmul.f32 v4, v5;
	_ =	sdelay $0x1  }
0x1e3: {  	v5 =	vmul.f32 v4, v3;
	_ =	sdelay $0x1  }
0x1e4: {  	v5 =	vmul.f32 v5, v4;
	_ =	sdelay $0x1  }
0x1e5: {  	v5 =	vsub.f32 $1.500000000e+00, v5;
	_ =	sdelay $0x1  }
0x1e6: {  	v4 =	vmul.f32 v5, v4;
	_ =	sdelay $0x1  }
0x1e7: {  	v3 =	vmul.f32 v4, v3;
	_ =	sdelay $0x1  }
0x1e8: {  	v3 =	vmul.f32 v3, v4;
	_ =	sdelay $0x1  }
0x1e9: {  	v3 =	vsub.f32 $1.500000000e+00, v3;
	_ =	sdelay $0x1  }
0x1ea: {  	v3 =	vmul.f32 v3, v4;
	_ =	sdelay $0x1  }
0x1eb: {  	v3 =	vmul.f32 $1.000000000e+01, v3  }
0x1ec: {  	v6 =	vld [tilespmem:$0x1FA90]  }
0x1ed: {  	v14 =	vld [tilespmem:$0x1FAA0];
	v3 =	vmin.f32 v3, $1.000000000e+00  }
0x1ee: {  	v16 =	vld [tilespmem:$0x1FAB0];
	v34 =	vmul.f32 v3, v34  }
0x1ef: {  	v18 =	vld [tilespmem:$0x1FAC0];
	v8 =	vmul.f32 v3, v35  }
0x1f0: {  	v20 =	vld [tilespmem:$0x1FAD0];
	v9 =	vmul.f32 v3, v36;
	[tilespmem:v33+s15+$0x0] =	vst.idx.msk $0xffff, v34  }
0x1f1: {  	v22 =	vld [tilespmem:$0x1FAE0];
	v10 =	vmul.f32 v3, v37;
	[tilespmem:v32+s15+$0x0] =	vst.idx.msk $0xffff, v8  }
0x1f2: {  	v11 =	vmul.f32 v3, v38;
	[tilespmem:v30+s15+$0x0] =	vst.idx.msk $0xffff, v9;
	v30 =	vld [tilespmem:$0x1FAF0]  }
0x1f3: {  	v12 =	vmul.f32 v3, v39;
	v33 =	vld [tilespmem:$0x1FB00];
	[tilespmem:v29+s15+$0x0] =	vst.idx.msk $0xffff, v10  }
0x1f4: {  	v13 =	vmul.f32 v3, v40;
	v35 =	vld [tilespmem:$0x1FB10];
	[tilespmem:v6+s15+$0x0] =	vst.idx.msk $0xffff, v11  }
0x1f5: {  	v15 =	vmul.f32 v3, v41;
	v37 =	vld [tilespmem:$0x1FB20];
	[tilespmem:v14+s15+$0x0] =	vst.idx.msk $0xffff, v12  }
0x1f6: {  	v17 =	vmul.f32 v3, v42;
	v39 =	vld [tilespmem:$0x1FB30];
	[tilespmem:v16+s15+$0x0] =	vst.idx.msk $0xffff, v13  }
0x1f7: {  	v19 =	vmul.f32 v3, v43;
	v41 =	vld [tilespmem:$0x1FB40];
	[tilespmem:v18+s15+$0x0] =	vst.idx.msk $0xffff, v15  }
0x1f8: {  	v21 =	vmul.f32 v3, v44;
	v43 =	vld [tilespmem:$0x1FB50];
	[tilespmem:v20+s15+$0x0] =	vst.idx.msk $0xffff, v17  }
0x1f9: {  	v29 =	vmul.f32 v3, v45;
	v45 =	vld [tilespmem:$0x1FB60];
	[tilespmem:v22+s15+$0x0] =	vst.idx.msk $0xffff, v19  }
0x1fa: {  	v34 =	vmul.f32 v3, v47;
	v47 =	vld [tilespmem:$0x1FB70];
	v32 =	vmul.f32 v3, v46;
	[tilespmem:v30+s15+$0x0] =	vst.idx.msk $0xffff, v21  }
0x1fb: {  	v38 =	vmul.f32 v3, v49;
	v49 =	vld [tilespmem:$0x1FB80];
	[tilespmem:v33+s15+$0x0] =	vst.idx.msk $0xffff, v29  }
0x1fc: {  	v36 =	vmul.f32 v3, v48;
	v42 =	vmul.f32 v3, v51;
	v51 =	vld [tilespmem:$0x1FB90];
	[tilespmem:v35+s15+$0x0] =	vst.idx.msk $0xffff, v32  }
0x1fd: {  	[tilespmem:v37+s15+$0x0] =	vst.idx.msk $0xffff, v34  }
0x1fe: {  	v40 =	vmul.f32 v3, v50;
	[tilespmem:v39+s15+$0x0] =	vst.idx.msk $0xffff, v36  }
0x1ff: {  	[tilespmem:v41+s15+$0x0] =	vst.idx.msk $0xffff, v38  }
0x200: {  	v44 =	vmul.f32 v3, v52;
	[tilespmem:v43+s15+$0x0] =	vst.idx.msk $0xffff, v40  }
0x201: {  	v46 =	vmul.f32 v3, v53;
	[tilespmem:v45+s15+$0x0] =	vst.idx.msk $0xffff, v42  }
0x202: {  	v48 =	vmul.f32 v3, v54;
	v54 =	vmul.f32 v3, v59;
	v59 =	vld [tilespmem:$0x1FBA0];
	[tilespmem:v47+s15+$0x0] =	vst.idx.msk $0xffff, v44  }
0x203: {  	v50 =	vmul.f32 v3, v56;
	v56 =	vmul.f32 v3, v60;
	v60 =	vld [tilespmem:$0x1FBB0];
	[tilespmem:v49+s15+$0x0] =	vst.idx.msk $0xffff, v46  }
0x204: {  	v52 =	vmul.f32 v3, v57;
	v57 =	vmul.f32 v3, v61;
	v61 =	vld [tilespmem:$0x1FBC0];
	[tilespmem:v51+s15+$0x0] =	vst.idx.msk $0xffff, v48  }
0x205: {  	v53 =	vmul.f32 v3, v58;
	[tilespmem:v23+s15+$0x0] =	vst.idx.msk $0xffff, v50  }
0x206: {  	[tilespmem:v24+s15+$0x0] =	vst.idx.msk $0xffff, v52  }
0x207: {  	[tilespmem:v25+s15+$0x0] =	vst.idx.msk $0xffff, v53  }
0x208: {  	[tilespmem:v26+s15+$0x0] =	vst.idx.msk $0xffff, v54  }
0x209: {  	v58 =	vmul.f32 v3, v62;
	[tilespmem:v27+s15+$0x0] =	vst.idx.msk $0xffff, v56  }
0x20a: {  	v1 =	vmul.f32 v3, v1;
	[tilespmem:v59+s15+$0x0] =	vst.idx.msk $0xffff, v57  }
.Ltmp7:
0x20b: {  	v0 =	vmul.f32 v3, v0;
	[tilespmem:v60+s15+$0x0] =	vst.idx.msk $0xffff, v58;
	(pc) =	sbr.rel .LBB2_8-.Ltmp7, $4  }
0x20c: {  	v62 =	vmul.f32 v3, v63;
	[tilespmem:v61+s15+$0x0] =	vst.idx.msk $0xffff, v1  }
0x20d: {  	v63 =	vmul.f32 v3, v2;
	[tilespmem:v28+s15+$0x0] =	vst.idx.msk $0xffff, v0  }
0x20e: {  	[tilespmem:v31+s15+$0x0] =	vst.idx.msk $0xffff, v62  }
0x20f: {  	[tilespmem:v55+s15+$0x0] =	vst.idx.msk $0xffff, v63  }
.LBB2_10:
0x210: {  	_ =	sfence.sel $0x180000  }
0x211: {  	[bflag:$0x0] =	sbarrier.arrive $0xFFFF  }
0x212: {  	_ =	strace $0x90000047  }
0x213: {  	s0 =	stileid.u32;
	[bflag:$0x2] =	sbarrier.arrive $0xFFFF  }
0x214: {  	p0 =	sne.s32 s0, $0x0;
	s0 =	rddreg [dreg:$0x4]  }
0x215: {  	s0 =	sadd.s32 @!p0 $0x100000, s0  }
0x216: {  	[sflag:s0] =	ssyncadd.tile.s32 @!p0 $0x1;
	_ =	shalt  }
.Lfunc_end2:
_tile_overlayer_lowered:
.L_overlay_start_2:
0x217: {  	(tag) =	ssettag $0x2  }
0x218: {  	s0 =	rddreg [dreg:$0x0];
	s2 =	stileid.u32  }
0x219: {  	s1 =	rddreg [dreg:$0x1];
	p0 =	sne.s32 s2, $0x0  }
0x21a: {  	s3 =	rddreg [dreg:$0x2];
	[bflag:$0x3] =	sbarrier.arrive $0xFFFF;
	s2 =	simm.s32 @!p0 $0x1C04  }
0x21b: {  	[timem:s3], [sflag:s2] =	dma.local @!p0 [hbm:s0], s1  }
0x21c: {  	s0 =	simm.s32 @!p0 $0x4  }
0x21d: {  	_ =	swait.ge @!p0 [sflag:s0], s1  }
0x21e: {  	s1 =	ssub.s32 @!p0 $0x0, s1;
	[sflag:s0] =	ssyncset.done @!p0 $0x0  }
0x21f: {  	[sflag:s0] =	ssyncadd.s32 @!p0 s1  }
0x220: {  	[bflag:$0x3] =	sbarrier.arrive $0xFFFF  }
0x221: {  	_ =	shalt  }

</sc_bundles>
